<compile_context>
chip_gen: v7x
topology: tpu7x:2x2x1
jax: 0.10.2.dev20260603
libtpu: 0.0.44.dev20260713+nightly
codegen_flags: <defaults>
</compile_context>

<pallas_src>
import functools

import jax
import jax.numpy as jnp
from jax import lax
from jax.experimental import pallas as pl
from jax.experimental.pallas import tpu as pltpu
from jax.experimental.pallas import tpu_sc as plsc

Q = 1024
D = 16
K = 100000
KB = 1152
CHUNK_BLKS = 29
EPS = 1e-8


def _argmax_body(qt_ref, dbx_ref, dn_ref, qn_ref, out_ref, scores_sc, bv_sc, bi_sc,
                 av_sc, ai_sc):
    pid = pl.program_id(0)
    nblk = pl.num_programs(0)

    x = dbx_ref[...]
    xn = x * (1.0 / dn_ref[...])
    qt = qt_ref[...]
    qn = qt * (1.0 / qn_ref[...])
    s = lax.dot_general(xn, qn, (((1,), (0,)), ((), ())),
                        preferred_element_type=jnp.float32)
    scores_sc[...] = s

    @pl.when(pid == 0)
    def _init():
        bv_sc[...] = jnp.full((8, Q), -jnp.inf, jnp.float32)
        bi_sc[...] = jnp.zeros((8, Q), jnp.int32)
        av_sc[...] = jnp.full((1, Q), -jnp.inf, jnp.float32)
        ai_sc[...] = jnp.zeros((1, Q), jnp.int32)

    base = pid * KB
    iota8 = lax.broadcasted_iota(jnp.int32, (8, 1), 0)

    def slab(i, carry):
        bv, bi = carry
        off = pl.multiple_of(i * 8, 8)
        v = scores_sc[pl.ds(off, 8), :]
        rid = base + i * 8 + iota8
        v = v + jnp.where(rid < K, 0.0, -jnp.inf)
        upd = v > bv
        bv = jnp.where(upd, v, bv)
        bi = jnp.where(upd, rid, bi)
        return bv, bi

    bv, bi = lax.fori_loop(0, KB // 8, slab, (bv_sc[...], bi_sc[...]))
    bv_sc[...] = bv
    bi_sc[...] = bi

    @pl.when(jnp.logical_or(pid % CHUNK_BLKS == CHUNK_BLKS - 1, pid == nblk - 1))
    def _chunk_fold():
        mv = jnp.max(bv, axis=0, keepdims=True)
        cand = jnp.where(bv == jnp.broadcast_to(mv, (8, Q)), bi, K)
        ci = jnp.min(cand, axis=0, keepdims=True)
        av = av_sc[...]
        ai = ai_sc[...]
        upd = jnp.logical_or(mv > av, jnp.logical_and(mv == av, ci < ai))
        mq = mv.astype(jnp.bfloat16).astype(jnp.float32)
        av_sc[...] = jnp.where(upd, mq, av)
        ai_sc[...] = jnp.where(upd, ci, ai)
        bv_sc[...] = jnp.full((8, Q), -jnp.inf, jnp.float32)
        bi_sc[...] = jnp.zeros((8, Q), jnp.int32)

    @pl.when(pid == nblk - 1)
    def _finish():
        out_ref[...] = ai_sc[...]


def _argmax_indices(imu, database_x, dnorm, qnorm):
    nblk = pl.cdiv(K, KB)
    out = pl.pallas_call(
        _argmax_body,
        grid=(nblk,),
        in_specs=[
            pl.BlockSpec((D, Q), lambda i: (0, 0)),
            pl.BlockSpec((KB, D), lambda i: (i, 0)),
            pl.BlockSpec((KB, 1), lambda i: (i, 0)),
            pl.BlockSpec((1, Q), lambda i: (0, 0)),
        ],
        out_specs=pl.BlockSpec((1, Q), lambda i: (0, 0)),
        out_shape=jax.ShapeDtypeStruct((1, Q), jnp.int32),
        scratch_shapes=[
            pltpu.VMEM((KB, Q), jnp.float32),
            pltpu.VMEM((8, Q), jnp.float32),
            pltpu.VMEM((8, Q), jnp.int32),
            pltpu.VMEM((1, Q), jnp.float32),
            pltpu.VMEM((1, Q), jnp.int32),
        ],
    )(imu.T, database_x, dnorm, qnorm)
    return out.reshape(Q)


WROWS = 128 // D


@functools.lru_cache(maxsize=None)
def _make_gather():
    info = plsc.get_sparse_core_info()
    nc, ns = info.num_cores, info.num_subcores
    nw = nc * ns
    bpw = Q // nw
    mesh = plsc.VectorSubcoreMesh(core_axis_name="c", subcore_axis_name="s")

    @functools.partial(
        pl.kernel,
        mesh=mesh,
        out_type=jax.ShapeDtypeStruct((Q, D), jnp.float32),
        scratch_types=[
            pltpu.VMEM((bpw,), jnp.int32),
            pltpu.VMEM((bpw,), jnp.int32),
            pltpu.VMEM((16,), jnp.int32),
            pltpu.VMEM((bpw, 128), jnp.float32),
            pltpu.VMEM((bpw, D), jnp.float32),
            pltpu.SemaphoreType.DMA,
        ],
    )
    def gather_k(dby_hbm, idx_hbm, out_hbm, idx_v, g_v, tmp_v, wide_v, rows_v, sem):
        wid = lax.axis_index("s") * nc + lax.axis_index("c")
        base = wid * bpw
        pltpu.sync_copy(idx_hbm.at[pl.ds(base, bpw)], idx_v)
        for h in range(bpw // 16):
            iv = idx_v[pl.ds(h * 16, 16)]
            g_v[pl.ds(h * 16, 16)] = lax.shift_right_logical(iv, 3)
        pltpu.async_copy(dby_hbm.at[g_v], wide_v, sem).wait()
        for h in range(bpw // 16):
            iv = idx_v[pl.ds(h * 16, 16)]
            g_v[pl.ds(h * 16, 16)] = iv & 7
        for h in range(bpw // 16):
            for jl in range(16):
                j = h * 16 + jl
                ovb_raw = lax.gather(
                    g_v[pl.ds(h * 16, 16)], jnp.full((16, 1), jl, jnp.int32),
                    lax.GatherDimensionNumbers(
                        offset_dims=(), collapsed_slice_dims=(0,),
                        start_index_map=(0,)),
                    (1,), mode=lax.GatherScatterMode.PROMISE_IN_BOUNDS)
                tmp_v[...] = ovb_raw
                ovb = tmp_v[...]
                acc = wide_v[j, pl.ds(0, 16)]
                for s in range(1, WROWS):
                    seg = wide_v[j, pl.ds(s * D, 16)]
                    acc = jnp.where(ovb == s, seg, acc)
                rows_v[j, :] = acc
        pltpu.sync_copy(rows_v, out_hbm.at[pl.ds(base, bpw)])

    return gather_k


def kernel(imu, database_x, database_y):
    dnorm = jnp.maximum(jnp.linalg.norm(database_x, axis=-1, keepdims=True), EPS)
    qnorm = jnp.maximum(jnp.linalg.norm(imu, axis=-1, keepdims=True), EPS).reshape(1, Q)
    idx = _argmax_indices(imu, database_x, dnorm, qnorm)
    dby_wide = database_y.reshape(K // WROWS, 128)
    return _make_gather()(dby_wide, idx)

# --- scband reference (transcript-rebuilt; emitter-appended) ---
"""Pipeline reference for scband-retrieval-10926396801549 (READ-ONLY COPY).

The authoritative reference and input builder live on the scoring server;
editing this copy changes nothing except your own understanding.
"""

import jax, jax.numpy as jnp
import numpy as np


def setup_inputs(seed: int = 0) -> dict:
    key = jax.random.key(seed)
    k1, k2, k3 = jax.random.split(key, 3)
    imu = jax.random.normal(k1, (1024, 16), dtype=jnp.float32)
    database_x = jax.random.normal(k2, (100000, 16), dtype=jnp.float32)
    database_y = jax.random.normal(k3, (100000, 16), dtype=jnp.float32)
    return {"imu": imu, "database_x": database_x, "database_y": database_y}


def reference(imu, database_x, database_y):
    # Faithful translation of the torch module's forward:
    #   for each query row, cosine similarity vs every database row,
    #   take argmax, gather the corresponding database_y row.
    b = imu.shape[0]
    imu_ = imu.reshape(b, -1)
    eps = 1e-8
    q_norm = jnp.maximum(jnp.linalg.norm(imu_, axis=-1, keepdims=True), eps)
    d_norm = jnp.maximum(jnp.linalg.norm(database_x, axis=-1, keepdims=True), eps)
    qn = imu_ / q_norm                      # [B, D]
    dn = database_x / d_norm                # [K, D]
    cos_sim = qn @ dn.T                     # [B, K] (vectorized form of the per-row loop)
    max_idx = jnp.argmax(cos_sim, axis=1)   # [B]  (torch.max returns first max index; argmax matches)
    res = jnp.take(database_y, max_idx, axis=0)  # [B, d_y]
    return res

if __name__ == "__main__":
    import jax
    _d = setup_inputs()
    print(jax.jit(kernel)(*tuple(_d.values())))

</pallas_src>

<mosaic_0001>
#map = affine_map<(d0, d1) -> (0, 0)>
#map1 = affine_map<(d0, d1) -> (0)>
module attributes {stable_mosaic.version = 14 : i64} {
  func.func @gather_k(%arg0: i32, %arg1: i32, %arg2: memref<12500x128xf32, #tpu.memory_space<hbm>>, %arg3: memref<1024xi32, #tpu.memory_space<hbm>>, %arg4: memref<1024x16xf32, #tpu.memory_space<hbm>>, %arg5: memref<32xi32, #tpu.memory_space<vmem>>, %arg6: memref<32xi32, #tpu.memory_space<vmem>>, %arg7: memref<16xi32, #tpu.memory_space<vmem>>, %arg8: memref<32x128xf32, #tpu.memory_space<vmem>>, %arg9: memref<32x16xf32, #tpu.memory_space<vmem>>, %arg10: memref<!tpu.dma_semaphore, #tpu.memory_space<semaphore_mem>>) attributes {dimension_semantics = [#tpu.dimension_semantics<core_parallel>, #tpu.dimension_semantics<subcore_parallel>], iteration_bounds = array<i64: 2, 16>, scalar_prefetch = 0 : i64, scratch_operands = 6 : i64, tpu.core_type = #tpu.core_type<sc_vector_subcore>, window_params = [{transform_indices = #map}, {transform_indices = #map1}, {transform_indices = #map}]} {
    %mul3A = arith.constant 2 : i32
    %mul3A_0 = arith.muli %arg1, %mul3A : i32
    %add3A = arith.addi %mul3A_0, %arg0 : i32
    %mul3A_1 = arith.constant 32 : i32
    %mul3A_2 = arith.muli %add3A, %mul3A_1 : i32
    "tpu.region"() ({
      %run_scoped3A = tpu.sem_alloc : memref<!tpu.dma_semaphore, #tpu.memory_space<semaphore_mem>>
      %dma_start3A_2855 = tpu.memref_slice %arg3[%mul3A_2] : memref<1024xi32, #tpu.memory_space<hbm>> -> memref<32xi32, #tpu.memory_space<hbm>>
      %dma_start3A_2856 = tpu.memref_slice %arg3[%mul3A_2] : memref<1024xi32, #tpu.memory_space<hbm>> -> memref<32xi32, #tpu.memory_space<hbm>>
      tpu.enqueue_dma source(%dma_start3A_2856 : memref<32xi32, #tpu.memory_space<hbm>>) target(%arg5 : memref<32xi32, #tpu.memory_space<vmem>>) target_semaphore(%run_scoped3A : memref<!tpu.dma_semaphore, #tpu.memory_space<semaphore_mem>>)
      %dma_wait3A_2857 = tpu.memref_slice %arg3[%mul3A_2] : memref<1024xi32, #tpu.memory_space<hbm>> -> memref<32xi32, #tpu.memory_space<hbm>>
      %dma_wait3A_2858 = tpu.memref_slice %arg3[%mul3A_2] : memref<1024xi32, #tpu.memory_space<hbm>> -> memref<32xi32, #tpu.memory_space<hbm>>
      tpu.wait_dma2 semaphore(%run_scoped3A : memref<!tpu.dma_semaphore, #tpu.memory_space<semaphore_mem>>) src(%dma_wait3A_2858 : memref<32xi32, #tpu.memory_space<hbm>>) dst(%arg5 : memref<32xi32, #tpu.memory_space<vmem>>)
      tpu.yield
    }) : () -> ()
    %get3A = arith.constant 0 : index
    %get3A_3 = tpu.vector_load %arg5[%get3A] {strides = array<i32>} : memref<32xi32, #tpu.memory_space<vmem>>, vector<16xi32>,
    %get3A_4 = vector.shape_cast %get3A_3 : vector<16xi32> to vector<16xi32>
    %shift_right_logical3A = arith.constant 3 : i32
    %shift_right_logical3A_5 = vector.broadcast %shift_right_logical3A : i32 to vector<16xi32>
    %shift_right_logical3A_6 = arith.shrui %get3A_4, %shift_right_logical3A_5 : vector<16xi32>
    %swap3A = arith.constant 0 : index
    %swap3A_7 = tpu.vector_load %arg6[%swap3A] {strides = array<i32>} : memref<32xi32, #tpu.memory_space<vmem>>, vector<16xi32>,
    %swap3A_8 = vector.shape_cast %swap3A_7 : vector<16xi32> to vector<16xi32>
    %swap3A_9 = vector.shape_cast %shift_right_logical3A_6 : vector<16xi32> to vector<16xi32>
    tpu.vector_store %arg6[%swap3A], %swap3A_9 {strides = array<i32>} : memref<32xi32, #tpu.memory_space<vmem>>, vector<16xi32>,
    %get3A_10 = arith.constant 16 : index
    %get3A_11 = tpu.vector_load %arg5[%get3A_10] {strides = array<i32>} : memref<32xi32, #tpu.memory_space<vmem>>, vector<16xi32>,
    %get3A_12 = vector.shape_cast %get3A_11 : vector<16xi32> to vector<16xi32>
    %shift_right_logical3A_13 = arith.constant 3 : i32
    %shift_right_logical3A_14 = vector.broadcast %shift_right_logical3A_13 : i32 to vector<16xi32>
    %shift_right_logical3A_15 = arith.shrui %get3A_12, %shift_right_logical3A_14 : vector<16xi32>
    %swap3A_16 = arith.constant 16 : index
    %swap3A_17 = tpu.vector_load %arg6[%swap3A_16] {strides = array<i32>} : memref<32xi32, #tpu.memory_space<vmem>>, vector<16xi32>,
    %swap3A_18 = vector.shape_cast %swap3A_17 : vector<16xi32> to vector<16xi32>
    %swap3A_19 = vector.shape_cast %shift_right_logical3A_15 : vector<16xi32> to vector<16xi32>
    tpu.vector_store %arg6[%swap3A_16], %swap3A_19 {strides = array<i32>} : memref<32xi32, #tpu.memory_space<vmem>>, vector<16xi32>,
    %dma_start3A = arith.constant 0 : i32
    %dma_start3A_20 = arith.constant 0 : i32
    %dma_start3A_21 = tpu.memref_slice %arg2[%dma_start3A, %dma_start3A_20] : memref<12500x128xf32, #tpu.memory_space<hbm>> -> memref<12500x128xf32, #tpu.memory_space<hbm>>
    tpu.enqueue_indirect_dma source(%dma_start3A_21 : memref<12500x128xf32, #tpu.memory_space<hbm>>) target(%arg8 : memref<32x128xf32, #tpu.memory_space<vmem>>) offsets(%arg6 : memref<32xi32, #tpu.memory_space<vmem>>) semaphore(%arg10 : memref<!tpu.dma_semaphore, #tpu.memory_space<semaphore_mem>>)
    %dma_wait3A = arith.constant 0 : i32
    %dma_wait3A_22 = arith.constant 0 : i32
    %dma_wait3A_23 = tpu.memref_slice %arg2[%dma_wait3A, %dma_wait3A_22] : memref<12500x128xf32, #tpu.memory_space<hbm>> -> memref<12500x128xf32, #tpu.memory_space<hbm>>
    tpu.wait_indirect_dma semaphore(%arg10 : memref<!tpu.dma_semaphore, #tpu.memory_space<semaphore_mem>>) src(%dma_wait3A_23 : memref<12500x128xf32, #tpu.memory_space<hbm>>) dst(%arg8 : memref<32x128xf32, #tpu.memory_space<vmem>>)
    %get3A_24 = arith.constant 0 : index
    %get3A_25 = tpu.vector_load %arg5[%get3A_24] {strides = array<i32>} : memref<32xi32, #tpu.memory_space<vmem>>, vector<16xi32>,
    %get3A_26 = vector.shape_cast %get3A_25 : vector<16xi32> to vector<16xi32>
    %and3A = arith.constant 7 : i32
    %and3A_27 = vector.broadcast %and3A : i32 to vector<16xi32>
    %and3A_28 = arith.andi %get3A_26, %and3A_27 : vector<16xi32>
    %swap3A_29 = arith.constant 0 : index
    %swap3A_30 = tpu.vector_load %arg6[%swap3A_29] {strides = array<i32>} : memref<32xi32, #tpu.memory_space<vmem>>, vector<16xi32>,
    %swap3A_31 = vector.shape_cast %swap3A_30 : vector<16xi32> to vector<16xi32>
    %swap3A_32 = vector.shape_cast %and3A_28 : vector<16xi32> to vector<16xi32>
    tpu.vector_store %arg6[%swap3A_29], %swap3A_32 {strides = array<i32>} : memref<32xi32, #tpu.memory_space<vmem>>, vector<16xi32>,
    %get3A_33 = arith.constant 16 : index
    %get3A_34 = tpu.vector_load %arg5[%get3A_33] {strides = array<i32>} : memref<32xi32, #tpu.memory_space<vmem>>, vector<16xi32>,
    %get3A_35 = vector.shape_cast %get3A_34 : vector<16xi32> to vector<16xi32>
    %and3A_36 = arith.constant 7 : i32
    %and3A_37 = vector.broadcast %and3A_36 : i32 to vector<16xi32>
    %and3A_38 = arith.andi %get3A_35, %and3A_37 : vector<16xi32>
    %swap3A_39 = arith.constant 16 : index
    %swap3A_40 = tpu.vector_load %arg6[%swap3A_39] {strides = array<i32>} : memref<32xi32, #tpu.memory_space<vmem>>, vector<16xi32>,
    %swap3A_41 = vector.shape_cast %swap3A_40 : vector<16xi32> to vector<16xi32>
    %swap3A_42 = vector.shape_cast %and3A_38 : vector<16xi32> to vector<16xi32>
    tpu.vector_store %arg6[%swap3A_39], %swap3A_42 {strides = array<i32>} : memref<32xi32, #tpu.memory_space<vmem>>, vector<16xi32>,
    %get3A_43 = arith.constant 0 : index
    %get3A_44 = tpu.vector_load %arg6[%get3A_43] {strides = array<i32>} : memref<32xi32, #tpu.memory_space<vmem>>, vector<16xi32>,
    %get3A_45 = vector.shape_cast %get3A_44 : vector<16xi32> to vector<16xi32>
    %broadcast_in_dim3A = arith.constant 0 : i32
    %broadcast_in_dim3A_46 = vector.broadcast %broadcast_in_dim3A : i32 to vector<16x1xi32>
    %gather3A = vector.shape_cast %broadcast_in_dim3A_46 : vector<16x1xi32> to vector<16xi32>
    %gather3A_47 = tpu.dynamic_gather %get3A_45[%gather3A] in [0] : vector<16xi32>, vector<16xi32> -> vector<16xi32>
    %swap3A_48 = arith.constant 0 : index
    %swap3A_49 = tpu.vector_load %arg7[%swap3A_48] {strides = array<i32>} : memref<16xi32, #tpu.memory_space<vmem>>, vector<16xi32>,
    %swap3A_50 = vector.shape_cast %swap3A_49 : vector<16xi32> to vector<16xi32>
    %swap3A_51 = vector.shape_cast %gather3A_47 : vector<16xi32> to vector<16xi32>
    tpu.vector_store %arg7[%swap3A_48], %swap3A_51 {strides = array<i32>} : memref<16xi32, #tpu.memory_space<vmem>>, vector<16xi32>,
    %get3A_52 = arith.constant 0 : index
    %get3A_53 = tpu.vector_load %arg7[%get3A_52] {strides = array<i32>} : memref<16xi32, #tpu.memory_space<vmem>>, vector<16xi32>,
    %get3A_54 = vector.shape_cast %get3A_53 : vector<16xi32> to vector<16xi32>
    %get3A_55 = arith.constant 0 : i32
    %get3A_56 = arith.index_cast %get3A_55 : i32 to index
    %get3A_57 = arith.constant 0 : index
    %get3A_58 = tpu.vector_load %arg8[%get3A_56, %get3A_57] {strides = array<i32>} : memref<32x128xf32, #tpu.memory_space<vmem>>, vector<1x16xf32>,
    %get3A_59 = vector.shape_cast %get3A_58 : vector<1x16xf32> to vector<16xf32>
    %get3A_60 = arith.constant 0 : i32
    %get3A_61 = arith.index_cast %get3A_60 : i32 to index
    %get3A_62 = arith.constant 16 : index
    %get3A_63 = tpu.vector_load %arg8[%get3A_61, %get3A_62] {strides = array<i32>} : memref<32x128xf32, #tpu.memory_space<vmem>>, vector<1x16xf32>,
    %get3A_64 = vector.shape_cast %get3A_63 : vector<1x16xf32> to vector<16xf32>
    %eq3A = arith.constant 1 : i32
    %eq3A_65 = vector.broadcast %eq3A : i32 to vector<16xi32>
    %eq3A_66 = arith.cmpi eq, %get3A_54, %eq3A_65 : vector<16xi32>
    %select_n3A = arith.select %eq3A_66, %get3A_64, %get3A_59 : vector<16xi1>, vector<16xf32>
    %get3A_67 = arith.constant 0 : i32
    %get3A_68 = arith.index_cast %get3A_67 : i32 to index
    %get3A_69 = arith.constant 32 : index
    %get3A_70 = tpu.vector_load %arg8[%get3A_68, %get3A_69] {strides = array<i32>} : memref<32x128xf32, #tpu.memory_space<vmem>>, vector<1x16xf32>,
    %get3A_71 = vector.shape_cast %get3A_70 : vector<1x16xf32> to vector<16xf32>
    %eq3A_72 = arith.constant 2 : i32
    %eq3A_73 = vector.broadcast %eq3A_72 : i32 to vector<16xi32>
    %eq3A_74 = arith.cmpi eq, %get3A_54, %eq3A_73 : vector<16xi32>
    %select_n3A_75 = arith.select %eq3A_74, %get3A_71, %select_n3A : vector<16xi1>, vector<16xf32>
    %get3A_76 = arith.constant 0 : i32
    %get3A_77 = arith.index_cast %get3A_76 : i32 to index
    %get3A_78 = arith.constant 48 : index
    %get3A_79 = tpu.vector_load %arg8[%get3A_77, %get3A_78] {strides = array<i32>} : memref<32x128xf32, #tpu.memory_space<vmem>>, vector<1x16xf32>,
    %get3A_80 = vector.shape_cast %get3A_79 : vector<1x16xf32> to vector<16xf32>
    %eq3A_81 = arith.constant 3 : i32
    %eq3A_82 = vector.broadcast %eq3A_81 : i32 to vector<16xi32>
    %eq3A_83 = arith.cmpi eq, %get3A_54, %eq3A_82 : vector<16xi32>
    %select_n3A_84 = arith.select %eq3A_83, %get3A_80, %select_n3A_75 : vector<16xi1>, vector<16xf32>
    %get3A_85 = arith.constant 0 : i32
    %get3A_86 = arith.index_cast %get3A_85 : i32 to index
    %get3A_87 = arith.constant 64 : index
    %get3A_88 = tpu.vector_load %arg8[%get3A_86, %get3A_87] {strides = array<i32>} : memref<32x128xf32, #tpu.memory_space<vmem>>, vector<1x16xf32>,
    %get3A_89 = vector.shape_cast %get3A_88 : vector<1x16xf32> to vector<16xf32>
    %eq3A_90 = arith.constant 4 : i32
    %eq3A_91 = vector.broadcast %eq3A_90 : i32 to vector<16xi32>
    %eq3A_92 = arith.cmpi eq, %get3A_54, %eq3A_91 : vector<16xi32>
    %select_n3A_93 = arith.select %eq3A_92, %get3A_89, %select_n3A_84 : vector<16xi1>, vector<16xf32>
    %get3A_94 = arith.constant 0 : i32
    %get3A_95 = arith.index_cast %get3A_94 : i32 to index
    %get3A_96 = arith.constant 80 : index
    %get3A_97 = tpu.vector_load %arg8[%get3A_95, %get3A_96] {strides = array<i32>} : memref<32x128xf32, #tpu.memory_space<vmem>>, vector<1x16xf32>,
    %get3A_98 = vector.shape_cast %get3A_97 : vector<1x16xf32> to vector<16xf32>
    %eq3A_99 = arith.constant 5 : i32
    %eq3A_100 = vector.broadcast %eq3A_99 : i32 to vector<16xi32>
    %eq3A_101 = arith.cmpi eq, %get3A_54, %eq3A_100 : vector<16xi32>
    %select_n3A_102 = arith.select %eq3A_101, %get3A_98, %select_n3A_93 : vector<16xi1>, vector<16xf32>
    %get3A_103 = arith.constant 0 : i32
    %get3A_104 = arith.index_cast %get3A_103 : i32 to index
    %get3A_105 = arith.constant 96 : index
    %get3A_106 = tpu.vector_load %arg8[%get3A_104, %get3A_105] {strides = array<i32>} : memref<32x128xf32, #tpu.memory_space<vmem>>, vector<1x16xf32>,
    %get3A_107 = vector.shape_cast %get3A_106 : vector<1x16xf32> to vector<16xf32>
    %eq3A_108 = arith.constant 6 : i32
    %eq3A_109 = vector.broadcast %eq3A_108 : i32 to vector<16xi32>
    %eq3A_110 = arith.cmpi eq, %get3A_54, %eq3A_109 : vector<16xi32>
    %select_n3A_111 = arith.select %eq3A_110, %get3A_107, %select_n3A_102 : vector<16xi1>, vector<16xf32>
    %get3A_112 = arith.constant 0 : i32
    %get3A_113 = arith.index_cast %get3A_112 : i32 to index
    %get3A_114 = arith.constant 112 : index
    %get3A_115 = tpu.vector_load %arg8[%get3A_113, %get3A_114] {strides = array<i32>} : memref<32x128xf32, #tpu.memory_space<vmem>>, vector<1x16xf32>,
    %get3A_116 = vector.shape_cast %get3A_115 : vector<1x16xf32> to vector<16xf32>
    %eq3A_117 = arith.constant 7 : i32
    %eq3A_118 = vector.broadcast %eq3A_117 : i32 to vector<16xi32>
    %eq3A_119 = arith.cmpi eq, %get3A_54, %eq3A_118 : vector<16xi32>
    %select_n3A_120 = arith.select %eq3A_119, %get3A_116, %select_n3A_111 : vector<16xi1>, vector<16xf32>
    %swap3A_121 = arith.constant 0 : i32
    %swap3A_122 = arith.index_cast %swap3A_121 : i32 to index
    %swap3A_123 = arith.constant 0 : index
    %swap3A_124 = tpu.vector_load %arg9[%swap3A_122, %swap3A_123] {strides = array<i32>} : memref<32x16xf32, #tpu.memory_space<vmem>>, vector<1x16xf32>,
    %swap3A_125 = vector.shape_cast %swap3A_124 : vector<1x16xf32> to vector<16xf32>
    %swap3A_126 = vector.shape_cast %select_n3A_120 : vector<16xf32> to vector<1x16xf32>
    tpu.vector_store %arg9[%swap3A_122, %swap3A_123], %swap3A_126 {strides = array<i32>} : memref<32x16xf32, #tpu.memory_space<vmem>>, vector<1x16xf32>,
    %get3A_127 = arith.constant 0 : index
    %get3A_128 = tpu.vector_load %arg6[%get3A_127] {strides = array<i32>} : memref<32xi32, #tpu.memory_space<vmem>>, vector<16xi32>,
    %get3A_129 = vector.shape_cast %get3A_128 : vector<16xi32> to vector<16xi32>
    %broadcast_in_dim3A_130 = arith.constant 1 : i32
    %broadcast_in_dim3A_131 = vector.broadcast %broadcast_in_dim3A_130 : i32 to vector<16x1xi32>
    %gather3A_132 = vector.shape_cast %broadcast_in_dim3A_131 : vector<16x1xi32> to vector<16xi32>
    %gather3A_133 = tpu.dynamic_gather %get3A_129[%gather3A_132] in [0] : vector<16xi32>, vector<16xi32> -> vector<16xi32>
    %swap3A_134 = arith.constant 0 : index
    %swap3A_135 = tpu.vector_load %arg7[%swap3A_134] {strides = array<i32>} : memref<16xi32, #tpu.memory_space<vmem>>, vector<16xi32>,
    %swap3A_136 = vector.shape_cast %swap3A_135 : vector<16xi32> to vector<16xi32>
    %swap3A_137 = vector.shape_cast %gather3A_133 : vector<16xi32> to vector<16xi32>
    tpu.vector_store %arg7[%swap3A_134], %swap3A_137 {strides = array<i32>} : memref<16xi32, #tpu.memory_space<vmem>>, vector<16xi32>,
    %get3A_138 = arith.constant 0 : index
    %get3A_139 = tpu.vector_load %arg7[%get3A_138] {strides = array<i32>} : memref<16xi32, #tpu.memory_space<vmem>>, vector<16xi32>,
    %get3A_140 = vector.shape_cast %get3A_139 : vector<16xi32> to vector<16xi32>
    %get3A_141 = arith.constant 1 : i32
    %get3A_142 = arith.index_cast %get3A_141 : i32 to index
    %get3A_143 = arith.constant 0 : index
    %get3A_144 = tpu.vector_load %arg8[%get3A_142, %get3A_143] {strides = array<i32>} : memref<32x128xf32, #tpu.memory_space<vmem>>, vector<1x16xf32>,
    %get3A_145 = vector.shape_cast %get3A_144 : vector<1x16xf32> to vector<16xf32>
    %get3A_146 = arith.constant 1 : i32
    %get3A_147 = arith.index_cast %get3A_146 : i32 to index
    %get3A_148 = arith.constant 16 : index
    %get3A_149 = tpu.vector_load %arg8[%get3A_147, %get3A_148] {strides = array<i32>} : memref<32x128xf32, #tpu.memory_space<vmem>>, vector<1x16xf32>,
    %get3A_150 = vector.shape_cast %get3A_149 : vector<1x16xf32> to vector<16xf32>
    %eq3A_151 = arith.constant 1 : i32
    %eq3A_152 = vector.broadcast %eq3A_151 : i32 to vector<16xi32>
    %eq3A_153 = arith.cmpi eq, %get3A_140, %eq3A_152 : vector<16xi32>
    %select_n3A_154 = arith.select %eq3A_153, %get3A_150, %get3A_145 : vector<16xi1>, vector<16xf32>
    %get3A_155 = arith.constant 1 : i32
    %get3A_156 = arith.index_cast %get3A_155 : i32 to index
    %get3A_157 = arith.constant 32 : index
    %get3A_158 = tpu.vector_load %arg8[%get3A_156, %get3A_157] {strides = array<i32>} : memref<32x128xf32, #tpu.memory_space<vmem>>, vector<1x16xf32>,
    %get3A_159 = vector.shape_cast %get3A_158 : vector<1x16xf32> to vector<16xf32>
    %eq3A_160 = arith.constant 2 : i32
    %eq3A_161 = vector.broadcast %eq3A_160 : i32 to vector<16xi32>
    %eq3A_162 = arith.cmpi eq, %get3A_140, %eq3A_161 : vector<16xi32>
    %select_n3A_163 = arith.select %eq3A_162, %get3A_159, %select_n3A_154 : vector<16xi1>, vector<16xf32>
    %get3A_164 = arith.constant 1 : i32
    %get3A_165 = arith.index_cast %get3A_164 : i32 to index
    %get3A_166 = arith.constant 48 : index
    %get3A_167 = tpu.vector_load %arg8[%get3A_165, %get3A_166] {strides = array<i32>} : memref<32x128xf32, #tpu.memory_space<vmem>>, vector<1x16xf32>,
    %get3A_168 = vector.shape_cast %get3A_167 : vector<1x16xf32> to vector<16xf32>
    %eq3A_169 = arith.constant 3 : i32
    %eq3A_170 = vector.broadcast %eq3A_169 : i32 to vector<16xi32>
    %eq3A_171 = arith.cmpi eq, %get3A_140, %eq3A_170 : vector<16xi32>
    %select_n3A_172 = arith.select %eq3A_171, %get3A_168, %select_n3A_163 : vector<16xi1>, vector<16xf32>
    %get3A_173 = arith.constant 1 : i32
    %get3A_174 = arith.index_cast %get3A_173 : i32 to index
    %get3A_175 = arith.constant 64 : index
    %get3A_176 = tpu.vector_load %arg8[%get3A_174, %get3A_175] {strides = array<i32>} : memref<32x128xf32, #tpu.memory_space<vmem>>, vector<1x16xf32>,
    %get3A_177 = vector.shape_cast %get3A_176 : vector<1x16xf32> to vector<16xf32>
    %eq3A_178 = arith.constant 4 : i32
    %eq3A_179 = vector.broadcast %eq3A_178 : i32 to vector<16xi32>
    %eq3A_180 = arith.cmpi eq, %get3A_140, %eq3A_179 : vector<16xi32>
    %select_n3A_181 = arith.select %eq3A_180, %get3A_177, %select_n3A_172 : vector<16xi1>, vector<16xf32>
    %get3A_182 = arith.constant 1 : i32
    %get3A_183 = arith.index_cast %get3A_182 : i32 to index
    %get3A_184 = arith.constant 80 : index
    %get3A_185 = tpu.vector_load %arg8[%get3A_183, %get3A_184] {strides = array<i32>} : memref<32x128xf32, #tpu.memory_space<vmem>>, vector<1x16xf32>,
    %get3A_186 = vector.shape_cast %get3A_185 : vector<1x16xf32> to vector<16xf32>
    %eq3A_187 = arith.constant 5 : i32
    %eq3A_188 = vector.broadcast %eq3A_187 : i32 to vector<16xi32>
    %eq3A_189 = arith.cmpi eq, %get3A_140, %eq3A_188 : vector<16xi32>
    %select_n3A_190 = arith.select %eq3A_189, %get3A_186, %select_n3A_181 : vector<16xi1>, vector<16xf32>
    %get3A_191 = arith.constant 1 : i32
    %get3A_192 = arith.index_cast %get3A_191 : i32 to index
    %get3A_193 = arith.constant 96 : index
    %get3A_194 = tpu.vector_load %arg8[%get3A_192, %get3A_193] {strides = array<i32>} : memref<32x128xf32, #tpu.memory_space<vmem>>, vector<1x16xf32>,
    %get3A_195 = vector.shape_cast %get3A_194 : vector<1x16xf32> to vector<16xf32>
    %eq3A_196 = arith.constant 6 : i32
    %eq3A_197 = vector.broadcast %eq3A_196 : i32 to vector<16xi32>
    %eq3A_198 = arith.cmpi eq, %get3A_140, %eq3A_197 : vector<16xi32>
    %select_n3A_199 = arith.select %eq3A_198, %get3A_195, %select_n3A_190 : vector<16xi1>, vector<16xf32>
    %get3A_200 = arith.constant 1 : i32
    %get3A_201 = arith.index_cast %get3A_200 : i32 to index
    %get3A_202 = arith.constant 112 : index
    %get3A_203 = tpu.vector_load %arg8[%get3A_201, %get3A_202] {strides = array<i32>} : memref<32x128xf32, #tpu.memory_space<vmem>>, vector<1x16xf32>,
    %get3A_204 = vector.shape_cast %get3A_203 : vector<1x16xf32> to vector<16xf32>
    %eq3A_205 = arith.constant 7 : i32
    %eq3A_206 = vector.broadcast %eq3A_205 : i32 to vector<16xi32>
    %eq3A_207 = arith.cmpi eq, %get3A_140, %eq3A_206 : vector<16xi32>
    %select_n3A_208 = arith.select %eq3A_207, %get3A_204, %select_n3A_199 : vector<16xi1>, vector<16xf32>
    %swap3A_209 = arith.constant 1 : i32
    %swap3A_210 = arith.index_cast %swap3A_209 : i32 to index
    %swap3A_211 = arith.constant 0 : index
    %swap3A_212 = tpu.vector_load %arg9[%swap3A_210, %swap3A_211] {strides = array<i32>} : memref<32x16xf32, #tpu.memory_space<vmem>>, vector<1x16xf32>,
    %swap3A_213 = vector.shape_cast %swap3A_212 : vector<1x16xf32> to vector<16xf32>
    %swap3A_214 = vector.shape_cast %select_n3A_208 : vector<16xf32> to vector<1x16xf32>
    tpu.vector_store %arg9[%swap3A_210, %swap3A_211], %swap3A_214 {strides = array<i32>} : memref<32x16xf32, #tpu.memory_space<vmem>>, vector<1x16xf32>,
    %get3A_215 = arith.constant 0 : index
    %get3A_216 = tpu.vector_load %arg6[%get3A_215] {strides = array<i32>} : memref<32xi32, #tpu.memory_space<vmem>>, vector<16xi32>,
    %get3A_217 = vector.shape_cast %get3A_216 : vector<16xi32> to vector<16xi32>
    %broadcast_in_dim3A_218 = arith.constant 2 : i32
    %broadcast_in_dim3A_219 = vector.broadcast %broadcast_in_dim3A_218 : i32 to vector<16x1xi32>
    %gather3A_220 = vector.shape_cast %broadcast_in_dim3A_219 : vector<16x1xi32> to vector<16xi32>
    %gather3A_221 = tpu.dynamic_gather %get3A_217[%gather3A_220] in [0] : vector<16xi32>, vector<16xi32> -> vector<16xi32>
    %swap3A_222 = arith.constant 0 : index
    %swap3A_223 = tpu.vector_load %arg7[%swap3A_222] {strides = array<i32>} : memref<16xi32, #tpu.memory_space<vmem>>, vector<16xi32>,
    %swap3A_224 = vector.shape_cast %swap3A_223 : vector<16xi32> to vector<16xi32>
    %swap3A_225 = vector.shape_cast %gather3A_221 : vector<16xi32> to vector<16xi32>
    tpu.vector_store %arg7[%swap3A_222], %swap3A_225 {strides = array<i32>} : memref<16xi32, #tpu.memory_space<vmem>>, vector<16xi32>,
    %get3A_226 = arith.constant 0 : index
    %get3A_227 = tpu.vector_load %arg7[%get3A_226] {strides = array<i32>} : memref<16xi32, #tpu.memory_space<vmem>>, vector<16xi32>,
    %get3A_228 = vector.shape_cast %get3A_227 : vector<16xi32> to vector<16xi32>
    %get3A_229 = arith.constant 2 : i32
    %get3A_230 = arith.index_cast %get3A_229 : i32 to index
    %get3A_231 = arith.constant 0 : index
    %get3A_232 = tpu.vector_load %arg8[%get3A_230, %get3A_231] {strides = array<i32>} : memref<32x128xf32, #tpu.memory_space<vmem>>, vector<1x16xf32>,
    %get3A_233 = vector.shape_cast %get3A_232 : vector<1x16xf32> to vector<16xf32>
    %get3A_234 = arith.constant 2 : i32
    %get3A_235 = arith.index_cast %get3A_234 : i32 to index
    %get3A_236 = arith.constant 16 : index
    %get3A_237 = tpu.vector_load %arg8[%get3A_235, %get3A_236] {strides = array<i32>} : memref<32x128xf32, #tpu.memory_space<vmem>>, vector<1x16xf32>,
    %get3A_238 = vector.shape_cast %get3A_237 : vector<1x16xf32> to vector<16xf32>
    %eq3A_239 = arith.constant 1 : i32
    %eq3A_240 = vector.broadcast %eq3A_239 : i32 to vector<16xi32>
    %eq3A_241 = arith.cmpi eq, %get3A_228, %eq3A_240 : vector<16xi32>
    %select_n3A_242 = arith.select %eq3A_241, %get3A_238, %get3A_233 : vector<16xi1>, vector<16xf32>
    %get3A_243 = arith.constant 2 : i32
    %get3A_244 = arith.index_cast %get3A_243 : i32 to index
    %get3A_245 = arith.constant 32 : index
    %get3A_246 = tpu.vector_load %arg8[%get3A_244, %get3A_245] {strides = array<i32>} : memref<32x128xf32, #tpu.memory_space<vmem>>, vector<1x16xf32>,
    %get3A_247 = vector.shape_cast %get3A_246 : vector<1x16xf32> to vector<16xf32>
    %eq3A_248 = arith.constant 2 : i32
    %eq3A_249 = vector.broadcast %eq3A_248 : i32 to vector<16xi32>
    %eq3A_250 = arith.cmpi eq, %get3A_228, %eq3A_249 : vector<16xi32>
    %select_n3A_251 = arith.select %eq3A_250, %get3A_247, %select_n3A_242 : vector<16xi1>, vector<16xf32>
    %get3A_252 = arith.constant 2 : i32
    %get3A_253 = arith.index_cast %get3A_252 : i32 to index
    %get3A_254 = arith.constant 48 : index
    %get3A_255 = tpu.vector_load %arg8[%get3A_253, %get3A_254] {strides = array<i32>} : memref<32x128xf32, #tpu.memory_space<vmem>>, vector<1x16xf32>,
    %get3A_256 = vector.shape_cast %get3A_255 : vector<1x16xf32> to vector<16xf32>
    %eq3A_257 = arith.constant 3 : i32
    %eq3A_258 = vector.broadcast %eq3A_257 : i32 to vector<16xi32>
    %eq3A_259 = arith.cmpi eq, %get3A_228, %eq3A_258 : vector<16xi32>
    %select_n3A_260 = arith.select %eq3A_259, %get3A_256, %select_n3A_251 : vector<16xi1>, vector<16xf32>
    %get3A_261 = arith.constant 2 : i32
    %get3A_262 = arith.index_cast %get3A_261 : i32 to index
    %get3A_263 = arith.constant 64 : index
    %get3A_264 = tpu.vector_load %arg8[%get3A_262, %get3A_263] {strides = array<i32>} : memref<32x128xf32, #tpu.memory_space<vmem>>, vector<1x16xf32>,
    %get3A_265 = vector.shape_cast %get3A_264 : vector<1x16xf32> to vector<16xf32>
    %eq3A_266 = arith.constant 4 : i32
    %eq3A_267 = vector.broadcast %eq3A_266 : i32 to vector<16xi32>
    %eq3A_268 = arith.cmpi eq, %get3A_228, %eq3A_267 : vector<16xi32>
    %select_n3A_269 = arith.select %eq3A_268, %get3A_265, %select_n3A_260 : vector<16xi1>, vector<16xf32>
    %get3A_270 = arith.constant 2 : i32
    %get3A_271 = arith.index_cast %get3A_270 : i32 to index
    %get3A_272 = arith.constant 80 : index
    %get3A_273 = tpu.vector_load %arg8[%get3A_271, %get3A_272] {strides = array<i32>} : memref<32x128xf32, #tpu.memory_space<vmem>>, vector<1x16xf32>,
    %get3A_274 = vector.shape_cast %get3A_273 : vector<1x16xf32> to vector<16xf32>
    %eq3A_275 = arith.constant 5 : i32
    %eq3A_276 = vector.broadcast %eq3A_275 : i32 to vector<16xi32>
    %eq3A_277 = arith.cmpi eq, %get3A_228, %eq3A_276 : vector<16xi32>
    %select_n3A_278 = arith.select %eq3A_277, %get3A_274, %select_n3A_269 : vector<16xi1>, vector<16xf32>
    %get3A_279 = arith.constant 2 : i32
    %get3A_280 = arith.index_cast %get3A_279 : i32 to index
    %get3A_281 = arith.constant 96 : index
    %get3A_282 = tpu.vector_load %arg8[%get3A_280, %get3A_281] {strides = array<i32>} : memref<32x128xf32, #tpu.memory_space<vmem>>, vector<1x16xf32>,
    %get3A_283 = vector.shape_cast %get3A_282 : vector<1x16xf32> to vector<16xf32>
    %eq3A_284 = arith.constant 6 : i32
    %eq3A_285 = vector.broadcast %eq3A_284 : i32 to vector<16xi32>
    %eq3A_286 = arith.cmpi eq, %get3A_228, %eq3A_285 : vector<16xi32>
    %select_n3A_287 = arith.select %eq3A_286, %get3A_283, %select_n3A_278 : vector<16xi1>, vector<16xf32>
    %get3A_288 = arith.constant 2 : i32
    %get3A_289 = arith.index_cast %get3A_288 : i32 to index
    %get3A_290 = arith.constant 112 : index
    %get3A_291 = tpu.vector_load %arg8[%get3A_289, %get3A_290] {strides = array<i32>} : memref<32x128xf32, #tpu.memory_space<vmem>>, vector<1x16xf32>,
    %get3A_292 = vector.shape_cast %get3A_291 : vector<1x16xf32> to vector<16xf32>
    %eq3A_293 = arith.constant 7 : i32
    %eq3A_294 = vector.broadcast %eq3A_293 : i32 to vector<16xi32>
    %eq3A_295 = arith.cmpi eq, %get3A_228, %eq3A_294 : vector<16xi32>
    %select_n3A_296 = arith.select %eq3A_295, %get3A_292, %select_n3A_287 : vector<16xi1>, vector<16xf32>
    %swap3A_297 = arith.constant 2 : i32
    %swap3A_298 = arith.index_cast %swap3A_297 : i32 to index
    %swap3A_299 = arith.constant 0 : index
    %swap3A_300 = tpu.vector_load %arg9[%swap3A_298, %swap3A_299] {strides = array<i32>} : memref<32x16xf32, #tpu.memory_space<vmem>>, vector<1x16xf32>,
    %swap3A_301 = vector.shape_cast %swap3A_300 : vector<1x16xf32> to vector<16xf32>
    %swap3A_302 = vector.shape_cast %select_n3A_296 : vector<16xf32> to vector<1x16xf32>
    tpu.vector_store %arg9[%swap3A_298, %swap3A_299], %swap3A_302 {strides = array<i32>} : memref<32x16xf32, #tpu.memory_space<vmem>>, vector<1x16xf32>,
    %get3A_303 = arith.constant 0 : index
    %get3A_304 = tpu.vector_load %arg6[%get3A_303] {strides = array<i32>} : memref<32xi32, #tpu.memory_space<vmem>>, vector<16xi32>,
    %get3A_305 = vector.shape_cast %get3A_304 : vector<16xi32> to vector<16xi32>
    %broadcast_in_dim3A_306 = arith.constant 3 : i32
    %broadcast_in_dim3A_307 = vector.broadcast %broadcast_in_dim3A_306 : i32 to vector<16x1xi32>
    %gather3A_308 = vector.shape_cast %broadcast_in_dim3A_307 : vector<16x1xi32> to vector<16xi32>
    %gather3A_309 = tpu.dynamic_gather %get3A_305[%gather3A_308] in [0] : vector<16xi32>, vector<16xi32> -> vector<16xi32>
    %swap3A_310 = arith.constant 0 : index
    %swap3A_311 = tpu.vector_load %arg7[%swap3A_310] {strides = array<i32>} : memref<16xi32, #tpu.memory_space<vmem>>, vector<16xi32>,
    %swap3A_312 = vector.shape_cast %swap3A_311 : vector<16xi32> to vector<16xi32>
    %swap3A_313 = vector.shape_cast %gather3A_309 : vector<16xi32> to vector<16xi32>
    tpu.vector_store %arg7[%swap3A_310], %swap3A_313 {strides = array<i32>} : memref<16xi32, #tpu.memory_space<vmem>>, vector<16xi32>,
    %get3A_314 = arith.constant 0 : index
    %get3A_315 = tpu.vector_load %arg7[%get3A_314] {strides = array<i32>} : memref<16xi32, #tpu.memory_space<vmem>>, vector<16xi32>,
    %get3A_316 = vector.shape_cast %get3A_315 : vector<16xi32> to vector<16xi32>
    %get3A_317 = arith.constant 3 : i32
    %get3A_318 = arith.index_cast %get3A_317 : i32 to index
    %get3A_319 = arith.constant 0 : index
    %get3A_320 = tpu.vector_load %arg8[%get3A_318, %get3A_319] {strides = array<i32>} : memref<32x128xf32, #tpu.memory_space<vmem>>, vector<1x16xf32>,
    %get3A_321 = vector.shape_cast %get3A_320 : vector<1x16xf32> to vector<16xf32>
    %get3A_322 = arith.constant 3 : i32
    %get3A_323 = arith.index_cast %get3A_322 : i32 to index
    %get3A_324 = arith.constant 16 : index
    %get3A_325 = tpu.vector_load %arg8[%get3A_323, %get3A_324] {strides = array<i32>} : memref<32x128xf32, #tpu.memory_space<vmem>>, vector<1x16xf32>,
    %get3A_326 = vector.shape_cast %get3A_325 : vector<1x16xf32> to vector<16xf32>
    %eq3A_327 = arith.constant 1 : i32
    %eq3A_328 = vector.broadcast %eq3A_327 : i32 to vector<16xi32>
    %eq3A_329 = arith.cmpi eq, %get3A_316, %eq3A_328 : vector<16xi32>
    %select_n3A_330 = arith.select %eq3A_329, %get3A_326, %get3A_321 : vector<16xi1>, vector<16xf32>
    %get3A_331 = arith.constant 3 : i32
    %get3A_332 = arith.index_cast %get3A_331 : i32 to index
    %get3A_333 = arith.constant 32 : index
    %get3A_334 = tpu.vector_load %arg8[%get3A_332, %get3A_333] {strides = array<i32>} : memref<32x128xf32, #tpu.memory_space<vmem>>, vector<1x16xf32>,
    %get3A_335 = vector.shape_cast %get3A_334 : vector<1x16xf32> to vector<16xf32>
    %eq3A_336 = arith.constant 2 : i32
    %eq3A_337 = vector.broadcast %eq3A_336 : i32 to vector<16xi32>
    %eq3A_338 = arith.cmpi eq, %get3A_316, %eq3A_337 : vector<16xi32>
    %select_n3A_339 = arith.select %eq3A_338, %get3A_335, %select_n3A_330 : vector<16xi1>, vector<16xf32>
    %get3A_340 = arith.constant 3 : i32
    %get3A_341 = arith.index_cast %get3A_340 : i32 to index
    %get3A_342 = arith.constant 48 : index
    %get3A_343 = tpu.vector_load %arg8[%get3A_341, %get3A_342] {strides = array<i32>} : memref<32x128xf32, #tpu.memory_space<vmem>>, vector<1x16xf32>,
    %get3A_344 = vector.shape_cast %get3A_343 : vector<1x16xf32> to vector<16xf32>
    %eq3A_345 = arith.constant 3 : i32
    %eq3A_346 = vector.broadcast %eq3A_345 : i32 to vector<16xi32>
    %eq3A_347 = arith.cmpi eq, %get3A_316, %eq3A_346 : vector<16xi32>
    %select_n3A_348 = arith.select %eq3A_347, %get3A_344, %select_n3A_339 : vector<16xi1>, vector<16xf32>
    %get3A_349 = arith.constant 3 : i32
    %get3A_350 = arith.index_cast %get3A_349 : i32 to index
    %get3A_351 = arith.constant 64 : index
    %get3A_352 = tpu.vector_load %arg8[%get3A_350, %get3A_351] {strides = array<i32>} : memref<32x128xf32, #tpu.memory_space<vmem>>, vector<1x16xf32>,
    %get3A_353 = vector.shape_cast %get3A_352 : vector<1x16xf32> to vector<16xf32>
    %eq3A_354 = arith.constant 4 : i32
    %eq3A_355 = vector.broadcast %eq3A_354 : i32 to vector<16xi32>
    %eq3A_356 = arith.cmpi eq, %get3A_316, %eq3A_355 : vector<16xi32>
    %select_n3A_357 = arith.select %eq3A_356, %get3A_353, %select_n3A_348 : vector<16xi1>, vector<16xf32>
    %get3A_358 = arith.constant 3 : i32
    %get3A_359 = arith.index_cast %get3A_358 : i32 to index
    %get3A_360 = arith.constant 80 : index
    %get3A_361 = tpu.vector_load %arg8[%get3A_359, %get3A_360] {strides = array<i32>} : memref<32x128xf32, #tpu.memory_space<vmem>>, vector<1x16xf32>,
    %get3A_362 = vector.shape_cast %get3A_361 : vector<1x16xf32> to vector<16xf32>
    %eq3A_363 = arith.constant 5 : i32
    %eq3A_364 = vector.broadcast %eq3A_363 : i32 to vector<16xi32>
    %eq3A_365 = arith.cmpi eq, %get3A_316, %eq3A_364 : vector<16xi32>
    %select_n3A_366 = arith.select %eq3A_365, %get3A_362, %select_n3A_357 : vector<16xi1>, vector<16xf32>
    %get3A_367 = arith.constant 3 : i32
    %get3A_368 = arith.index_cast %get3A_367 : i32 to index
    %get3A_369 = arith.constant 96 : index
    %get3A_370 = tpu.vector_load %arg8[%get3A_368, %get3A_369] {strides = array<i32>} : memref<32x128xf32, #tpu.memory_space<vmem>>, vector<1x16xf32>,
    %get3A_371 = vector.shape_cast %get3A_370 : vector<1x16xf32> to vector<16xf32>
    %eq3A_372 = arith.constant 6 : i32
    %eq3A_373 = vector.broadcast %eq3A_372 : i32 to vector<16xi32>
    %eq3A_374 = arith.cmpi eq, %get3A_316, %eq3A_373 : vector<16xi32>
    %select_n3A_375 = arith.select %eq3A_374, %get3A_371, %select_n3A_366 : vector<16xi1>, vector<16xf32>
    %get3A_376 = arith.constant 3 : i32
    %get3A_377 = arith.index_cast %get3A_376 : i32 to index
    %get3A_378 = arith.constant 112 : index
    %get3A_379 = tpu.vector_load %arg8[%get3A_377, %get3A_378] {strides = array<i32>} : memref<32x128xf32, #tpu.memory_space<vmem>>, vector<1x16xf32>,
    %get3A_380 = vector.shape_cast %get3A_379 : vector<1x16xf32> to vector<16xf32>
    %eq3A_381 = arith.constant 7 : i32
    %eq3A_382 = vector.broadcast %eq3A_381 : i32 to vector<16xi32>
    %eq3A_383 = arith.cmpi eq, %get3A_316, %eq3A_382 : vector<16xi32>
    %select_n3A_384 = arith.select %eq3A_383, %get3A_380, %select_n3A_375 : vector<16xi1>, vector<16xf32>
    %swap3A_385 = arith.constant 3 : i32
    %swap3A_386 = arith.index_cast %swap3A_385 : i32 to index
    %swap3A_387 = arith.constant 0 : index
    %swap3A_388 = tpu.vector_load %arg9[%swap3A_386, %swap3A_387] {strides = array<i32>} : memref<32x16xf32, #tpu.memory_space<vmem>>, vector<1x16xf32>,
    %swap3A_389 = vector.shape_cast %swap3A_388 : vector<1x16xf32> to vector<16xf32>
    %swap3A_390 = vector.shape_cast %select_n3A_384 : vector<16xf32> to vector<1x16xf32>
    tpu.vector_store %arg9[%swap3A_386, %swap3A_387], %swap3A_390 {strides = array<i32>} : memref<32x16xf32, #tpu.memory_space<vmem>>, vector<1x16xf32>,
    %get3A_391 = arith.constant 0 : index
    %get3A_392 = tpu.vector_load %arg6[%get3A_391] {strides = array<i32>} : memref<32xi32, #tpu.memory_space<vmem>>, vector<16xi32>,
    %get3A_393 = vector.shape_cast %get3A_392 : vector<16xi32> to vector<16xi32>
    %broadcast_in_dim3A_394 = arith.constant 4 : i32
    %broadcast_in_dim3A_395 = vector.broadcast %broadcast_in_dim3A_394 : i32 to vector<16x1xi32>
    %gather3A_396 = vector.shape_cast %broadcast_in_dim3A_395 : vector<16x1xi32> to vector<16xi32>
    %gather3A_397 = tpu.dynamic_gather %get3A_393[%gather3A_396] in [0] : vector<16xi32>, vector<16xi32> -> vector<16xi32>
    %swap3A_398 = arith.constant 0 : index
    %swap3A_399 = tpu.vector_load %arg7[%swap3A_398] {strides = array<i32>} : memref<16xi32, #tpu.memory_space<vmem>>, vector<16xi32>,
    %swap3A_400 = vector.shape_cast %swap3A_399 : vector<16xi32> to vector<16xi32>
    %swap3A_401 = vector.shape_cast %gather3A_397 : vector<16xi32> to vector<16xi32>
    tpu.vector_store %arg7[%swap3A_398], %swap3A_401 {strides = array<i32>} : memref<16xi32, #tpu.memory_space<vmem>>, vector<16xi32>,
    %get3A_402 = arith.constant 0 : index
    %get3A_403 = tpu.vector_load %arg7[%get3A_402] {strides = array<i32>} : memref<16xi32, #tpu.memory_space<vmem>>, vector<16xi32>,
    %get3A_404 = vector.shape_cast %get3A_403 : vector<16xi32> to vector<16xi32>
    %get3A_405 = arith.constant 4 : i32
    %get3A_406 = arith.index_cast %get3A_405 : i32 to index
    %get3A_407 = arith.constant 0 : index
    %get3A_408 = tpu.vector_load %arg8[%get3A_406, %get3A_407] {strides = array<i32>} : memref<32x128xf32, #tpu.memory_space<vmem>>, vector<1x16xf32>,
    %get3A_409 = vector.shape_cast %get3A_408 : vector<1x16xf32> to vector<16xf32>
    %get3A_410 = arith.constant 4 : i32
    %get3A_411 = arith.index_cast %get3A_410 : i32 to index
    %get3A_412 = arith.constant 16 : index
    %get3A_413 = tpu.vector_load %arg8[%get3A_411, %get3A_412] {strides = array<i32>} : memref<32x128xf32, #tpu.memory_space<vmem>>, vector<1x16xf32>,
    %get3A_414 = vector.shape_cast %get3A_413 : vector<1x16xf32> to vector<16xf32>
    %eq3A_415 = arith.constant 1 : i32
    %eq3A_416 = vector.broadcast %eq3A_415 : i32 to vector<16xi32>
    %eq3A_417 = arith.cmpi eq, %get3A_404, %eq3A_416 : vector<16xi32>
    %select_n3A_418 = arith.select %eq3A_417, %get3A_414, %get3A_409 : vector<16xi1>, vector<16xf32>
    %get3A_419 = arith.constant 4 : i32
    %get3A_420 = arith.index_cast %get3A_419 : i32 to index
    %get3A_421 = arith.constant 32 : index
    %get3A_422 = tpu.vector_load %arg8[%get3A_420, %get3A_421] {strides = array<i32>} : memref<32x128xf32, #tpu.memory_space<vmem>>, vector<1x16xf32>,
    %get3A_423 = vector.shape_cast %get3A_422 : vector<1x16xf32> to vector<16xf32>
    %eq3A_424 = arith.constant 2 : i32
    %eq3A_425 = vector.broadcast %eq3A_424 : i32 to vector<16xi32>
    %eq3A_426 = arith.cmpi eq, %get3A_404, %eq3A_425 : vector<16xi32>
    %select_n3A_427 = arith.select %eq3A_426, %get3A_423, %select_n3A_418 : vector<16xi1>, vector<16xf32>
    %get3A_428 = arith.constant 4 : i32
    %get3A_429 = arith.index_cast %get3A_428 : i32 to index
    %get3A_430 = arith.constant 48 : index
    %get3A_431 = tpu.vector_load %arg8[%get3A_429, %get3A_430] {strides = array<i32>} : memref<32x128xf32, #tpu.memory_space<vmem>>, vector<1x16xf32>,
    %get3A_432 = vector.shape_cast %get3A_431 : vector<1x16xf32> to vector<16xf32>
    %eq3A_433 = arith.constant 3 : i32
    %eq3A_434 = vector.broadcast %eq3A_433 : i32 to vector<16xi32>
    %eq3A_435 = arith.cmpi eq, %get3A_404, %eq3A_434 : vector<16xi32>
    %select_n3A_436 = arith.select %eq3A_435, %get3A_432, %select_n3A_427 : vector<16xi1>, vector<16xf32>
    %get3A_437 = arith.constant 4 : i32
    %get3A_438 = arith.index_cast %get3A_437 : i32 to index
    %get3A_439 = arith.constant 64 : index
    %get3A_440 = tpu.vector_load %arg8[%get3A_438, %get3A_439] {strides = array<i32>} : memref<32x128xf32, #tpu.memory_space<vmem>>, vector<1x16xf32>,
    %get3A_441 = vector.shape_cast %get3A_440 : vector<1x16xf32> to vector<16xf32>
    %eq3A_442 = arith.constant 4 : i32
    %eq3A_443 = vector.broadcast %eq3A_442 : i32 to vector<16xi32>
    %eq3A_444 = arith.cmpi eq, %get3A_404, %eq3A_443 : vector<16xi32>
    %select_n3A_445 = arith.select %eq3A_444, %get3A_441, %select_n3A_436 : vector<16xi1>, vector<16xf32>
    %get3A_446 = arith.constant 4 : i32
    %get3A_447 = arith.index_cast %get3A_446 : i32 to index
    %get3A_448 = arith.constant 80 : index
    %get3A_449 = tpu.vector_load %arg8[%get3A_447, %get3A_448] {strides = array<i32>} : memref<32x128xf32, #tpu.memory_space<vmem>>, vector<1x16xf32>,
    %get3A_450 = vector.shape_cast %get3A_449 : vector<1x16xf32> to vector<16xf32>
    %eq3A_451 = arith.constant 5 : i32
    %eq3A_452 = vector.broadcast %eq3A_451 : i32 to vector<16xi32>
    %eq3A_453 = arith.cmpi eq, %get3A_404, %eq3A_452 : vector<16xi32>
    %select_n3A_454 = arith.select %eq3A_453, %get3A_450, %select_n3A_445 : vector<16xi1>, vector<16xf32>
    %get3A_455 = arith.constant 4 : i32
    %get3A_456 = arith.index_cast %get3A_455 : i32 to index
    %get3A_457 = arith.constant 96 : index
    %get3A_458 = tpu.vector_load %arg8[%get3A_456, %get3A_457] {strides = array<i32>} : memref<32x128xf32, #tpu.memory_space<vmem>>, vector<1x16xf32>,
    %get3A_459 = vector.shape_cast %get3A_458 : vector<1x16xf32> to vector<16xf32>
    %eq3A_460 = arith.constant 6 : i32
    %eq3A_461 = vector.broadcast %eq3A_460 : i32 to vector<16xi32>
    %eq3A_462 = arith.cmpi eq, %get3A_404, %eq3A_461 : vector<16xi32>
    %select_n3A_463 = arith.select %eq3A_462, %get3A_459, %select_n3A_454 : vector<16xi1>, vector<16xf32>
    %get3A_464 = arith.constant 4 : i32
    %get3A_465 = arith.index_cast %get3A_464 : i32 to index
    %get3A_466 = arith.constant 112 : index
    %get3A_467 = tpu.vector_load %arg8[%get3A_465, %get3A_466] {strides = array<i32>} : memref<32x128xf32, #tpu.memory_space<vmem>>, vector<1x16xf32>,
    %get3A_468 = vector.shape_cast %get3A_467 : vector<1x16xf32> to vector<16xf32>
    %eq3A_469 = arith.constant 7 : i32
    %eq3A_470 = vector.broadcast %eq3A_469 : i32 to vector<16xi32>
    %eq3A_471 = arith.cmpi eq, %get3A_404, %eq3A_470 : vector<16xi32>
    %select_n3A_472 = arith.select %eq3A_471, %get3A_468, %select_n3A_463 : vector<16xi1>, vector<16xf32>
    %swap3A_473 = arith.constant 4 : i32
    %swap3A_474 = arith.index_cast %swap3A_473 : i32 to index
    %swap3A_475 = arith.constant 0 : index
    %swap3A_476 = tpu.vector_load %arg9[%swap3A_474, %swap3A_475] {strides = array<i32>} : memref<32x16xf32, #tpu.memory_space<vmem>>, vector<1x16xf32>,
    %swap3A_477 = vector.shape_cast %swap3A_476 : vector<1x16xf32> to vector<16xf32>
    %swap3A_478 = vector.shape_cast %select_n3A_472 : vector<16xf32> to vector<1x16xf32>
    tpu.vector_store %arg9[%swap3A_474, %swap3A_475], %swap3A_478 {strides = array<i32>} : memref<32x16xf32, #tpu.memory_space<vmem>>, vector<1x16xf32>,
    %get3A_479 = arith.constant 0 : index
    %get3A_480 = tpu.vector_load %arg6[%get3A_479] {strides = array<i32>} : memref<32xi32, #tpu.memory_space<vmem>>, vector<16xi32>,
    %get3A_481 = vector.shape_cast %get3A_480 : vector<16xi32> to vector<16xi32>
    %broadcast_in_dim3A_482 = arith.constant 5 : i32
    %broadcast_in_dim3A_483 = vector.broadcast %broadcast_in_dim3A_482 : i32 to vector<16x1xi32>
    %gather3A_484 = vector.shape_cast %broadcast_in_dim3A_483 : vector<16x1xi32> to vector<16xi32>
    %gather3A_485 = tpu.dynamic_gather %get3A_481[%gather3A_484] in [0] : vector<16xi32>, vector<16xi32> -> vector<16xi32>
    %swap3A_486 = arith.constant 0 : index
    %swap3A_487 = tpu.vector_load %arg7[%swap3A_486] {strides = array<i32>} : memref<16xi32, #tpu.memory_space<vmem>>, vector<16xi32>,
    %swap3A_488 = vector.shape_cast %swap3A_487 : vector<16xi32> to vector<16xi32>
    %swap3A_489 = vector.shape_cast %gather3A_485 : vector<16xi32> to vector<16xi32>
    tpu.vector_store %arg7[%swap3A_486], %swap3A_489 {strides = array<i32>} : memref<16xi32, #tpu.memory_space<vmem>>, vector<16xi32>,
    %get3A_490 = arith.constant 0 : index
    %get3A_491 = tpu.vector_load %arg7[%get3A_490] {strides = array<i32>} : memref<16xi32, #tpu.memory_space<vmem>>, vector<16xi32>,
    %get3A_492 = vector.shape_cast %get3A_491 : vector<16xi32> to vector<16xi32>
    %get3A_493 = arith.constant 5 : i32
    %get3A_494 = arith.index_cast %get3A_493 : i32 to index
    %get3A_495 = arith.constant 0 : index
    %get3A_496 = tpu.vector_load %arg8[%get3A_494, %get3A_495] {strides = array<i32>} : memref<32x128xf32, #tpu.memory_space<vmem>>, vector<1x16xf32>,
    %get3A_497 = vector.shape_cast %get3A_496 : vector<1x16xf32> to vector<16xf32>
    %get3A_498 = arith.constant 5 : i32
    %get3A_499 = arith.index_cast %get3A_498 : i32 to index
    %get3A_500 = arith.constant 16 : index
    %get3A_501 = tpu.vector_load %arg8[%get3A_499, %get3A_500] {strides = array<i32>} : memref<32x128xf32, #tpu.memory_space<vmem>>, vector<1x16xf32>,
    %get3A_502 = vector.shape_cast %get3A_501 : vector<1x16xf32> to vector<16xf32>
    %eq3A_503 = arith.constant 1 : i32
    %eq3A_504 = vector.broadcast %eq3A_503 : i32 to vector<16xi32>
    %eq3A_505 = arith.cmpi eq, %get3A_492, %eq3A_504 : vector<16xi32>
    %select_n3A_506 = arith.select %eq3A_505, %get3A_502, %get3A_497 : vector<16xi1>, vector<16xf32>
    %get3A_507 = arith.constant 5 : i32
    %get3A_508 = arith.index_cast %get3A_507 : i32 to index
    %get3A_509 = arith.constant 32 : index
    %get3A_510 = tpu.vector_load %arg8[%get3A_508, %get3A_509] {strides = array<i32>} : memref<32x128xf32, #tpu.memory_space<vmem>>, vector<1x16xf32>,
    %get3A_511 = vector.shape_cast %get3A_510 : vector<1x16xf32> to vector<16xf32>
    %eq3A_512 = arith.constant 2 : i32
    %eq3A_513 = vector.broadcast %eq3A_512 : i32 to vector<16xi32>
    %eq3A_514 = arith.cmpi eq, %get3A_492, %eq3A_513 : vector<16xi32>
    %select_n3A_515 = arith.select %eq3A_514, %get3A_511, %select_n3A_506 : vector<16xi1>, vector<16xf32>
    %get3A_516 = arith.constant 5 : i32
    %get3A_517 = arith.index_cast %get3A_516 : i32 to index
    %get3A_518 = arith.constant 48 : index
    %get3A_519 = tpu.vector_load %arg8[%get3A_517, %get3A_518] {strides = array<i32>} : memref<32x128xf32, #tpu.memory_space<vmem>>, vector<1x16xf32>,
    %get3A_520 = vector.shape_cast %get3A_519 : vector<1x16xf32> to vector<16xf32>
    %eq3A_521 = arith.constant 3 : i32
    %eq3A_522 = vector.broadcast %eq3A_521 : i32 to vector<16xi32>
    %eq3A_523 = arith.cmpi eq, %get3A_492, %eq3A_522 : vector<16xi32>
    %select_n3A_524 = arith.select %eq3A_523, %get3A_520, %select_n3A_515 : vector<16xi1>, vector<16xf32>
    %get3A_525 = arith.constant 5 : i32
    %get3A_526 = arith.index_cast %get3A_525 : i32 to index
    %get3A_527 = arith.constant 64 : index
    %get3A_528 = tpu.vector_load %arg8[%get3A_526, %get3A_527] {strides = array<i32>} : memref<32x128xf32, #tpu.memory_space<vmem>>, vector<1x16xf32>,
    %get3A_529 = vector.shape_cast %get3A_528 : vector<1x16xf32> to vector<16xf32>
    %eq3A_530 = arith.constant 4 : i32
    %eq3A_531 = vector.broadcast %eq3A_530 : i32 to vector<16xi32>
    %eq3A_532 = arith.cmpi eq, %get3A_492, %eq3A_531 : vector<16xi32>
    %select_n3A_533 = arith.select %eq3A_532, %get3A_529, %select_n3A_524 : vector<16xi1>, vector<16xf32>
    %get3A_534 = arith.constant 5 : i32
    %get3A_535 = arith.index_cast %get3A_534 : i32 to index
    %get3A_536 = arith.constant 80 : index
    %get3A_537 = tpu.vector_load %arg8[%get3A_535, %get3A_536] {strides = array<i32>} : memref<32x128xf32, #tpu.memory_space<vmem>>, vector<1x16xf32>,
    %get3A_538 = vector.shape_cast %get3A_537 : vector<1x16xf32> to vector<16xf32>
    %eq3A_539 = arith.constant 5 : i32
    %eq3A_540 = vector.broadcast %eq3A_539 : i32 to vector<16xi32>
    %eq3A_541 = arith.cmpi eq, %get3A_492, %eq3A_540 : vector<16xi32>
    %select_n3A_542 = arith.select %eq3A_541, %get3A_538, %select_n3A_533 : vector<16xi1>, vector<16xf32>
    %get3A_543 = arith.constant 5 : i32
    %get3A_544 = arith.index_cast %get3A_543 : i32 to index
    %get3A_545 = arith.constant 96 : index
    %get3A_546 = tpu.vector_load %arg8[%get3A_544, %get3A_545] {strides = array<i32>} : memref<32x128xf32, #tpu.memory_space<vmem>>, vector<1x16xf32>,
    %get3A_547 = vector.shape_cast %get3A_546 : vector<1x16xf32> to vector<16xf32>
    %eq3A_548 = arith.constant 6 : i32
    %eq3A_549 = vector.broadcast %eq3A_548 : i32 to vector<16xi32>
    %eq3A_550 = arith.cmpi eq, %get3A_492, %eq3A_549 : vector<16xi32>
    %select_n3A_551 = arith.select %eq3A_550, %get3A_547, %select_n3A_542 : vector<16xi1>, vector<16xf32>
    %get3A_552 = arith.constant 5 : i32
    %get3A_553 = arith.index_cast %get3A_552 : i32 to index
    %get3A_554 = arith.constant 112 : index
    %get3A_555 = tpu.vector_load %arg8[%get3A_553, %get3A_554] {strides = array<i32>} : memref<32x128xf32, #tpu.memory_space<vmem>>, vector<1x16xf32>,
    %get3A_556 = vector.shape_cast %get3A_555 : vector<1x16xf32> to vector<16xf32>
    %eq3A_557 = arith.constant 7 : i32
    %eq3A_558 = vector.broadcast %eq3A_557 : i32 to vector<16xi32>
    %eq3A_559 = arith.cmpi eq, %get3A_492, %eq3A_558 : vector<16xi32>
    %select_n3A_560 = arith.select %eq3A_559, %get3A_556, %select_n3A_551 : vector<16xi1>, vector<16xf32>
    %swap3A_561 = arith.constant 5 : i32
    %swap3A_562 = arith.index_cast %swap3A_561 : i32 to index
    %swap3A_563 = arith.constant 0 : index
    %swap3A_564 = tpu.vector_load %arg9[%swap3A_562, %swap3A_563] {strides = array<i32>} : memref<32x16xf32, #tpu.memory_space<vmem>>, vector<1x16xf32>,
    %swap3A_565 = vector.shape_cast %swap3A_564 : vector<1x16xf32> to vector<16xf32>
    %swap3A_566 = vector.shape_cast %select_n3A_560 : vector<16xf32> to vector<1x16xf32>
    tpu.vector_store %arg9[%swap3A_562, %swap3A_563], %swap3A_566 {strides = array<i32>} : memref<32x16xf32, #tpu.memory_space<vmem>>, vector<1x16xf32>,
    %get3A_567 = arith.constant 0 : index
    %get3A_568 = tpu.vector_load %arg6[%get3A_567] {strides = array<i32>} : memref<32xi32, #tpu.memory_space<vmem>>, vector<16xi32>,
    %get3A_569 = vector.shape_cast %get3A_568 : vector<16xi32> to vector<16xi32>
    %broadcast_in_dim3A_570 = arith.constant 6 : i32
    %broadcast_in_dim3A_571 = vector.broadcast %broadcast_in_dim3A_570 : i32 to vector<16x1xi32>
    %gather3A_572 = vector.shape_cast %broadcast_in_dim3A_571 : vector<16x1xi32> to vector<16xi32>
    %gather3A_573 = tpu.dynamic_gather %get3A_569[%gather3A_572] in [0] : vector<16xi32>, vector<16xi32> -> vector<16xi32>
    %swap3A_574 = arith.constant 0 : index
    %swap3A_575 = tpu.vector_load %arg7[%swap3A_574] {strides = array<i32>} : memref<16xi32, #tpu.memory_space<vmem>>, vector<16xi32>,
    %swap3A_576 = vector.shape_cast %swap3A_575 : vector<16xi32> to vector<16xi32>
    %swap3A_577 = vector.shape_cast %gather3A_573 : vector<16xi32> to vector<16xi32>
    tpu.vector_store %arg7[%swap3A_574], %swap3A_577 {strides = array<i32>} : memref<16xi32, #tpu.memory_space<vmem>>, vector<16xi32>,
    %get3A_578 = arith.constant 0 : index
    %get3A_579 = tpu.vector_load %arg7[%get3A_578] {strides = array<i32>} : memref<16xi32, #tpu.memory_space<vmem>>, vector<16xi32>,
    %get3A_580 = vector.shape_cast %get3A_579 : vector<16xi32> to vector<16xi32>
    %get3A_581 = arith.constant 6 : i32
    %get3A_582 = arith.index_cast %get3A_581 : i32 to index
    %get3A_583 = arith.constant 0 : index
    %get3A_584 = tpu.vector_load %arg8[%get3A_582, %get3A_583] {strides = array<i32>} : memref<32x128xf32, #tpu.memory_space<vmem>>, vector<1x16xf32>,
    %get3A_585 = vector.shape_cast %get3A_584 : vector<1x16xf32> to vector<16xf32>
    %get3A_586 = arith.constant 6 : i32
    %get3A_587 = arith.index_cast %get3A_586 : i32 to index
    %get3A_588 = arith.constant 16 : index
    %get3A_589 = tpu.vector_load %arg8[%get3A_587, %get3A_588] {strides = array<i32>} : memref<32x128xf32, #tpu.memory_space<vmem>>, vector<1x16xf32>,
    %get3A_590 = vector.shape_cast %get3A_589 : vector<1x16xf32> to vector<16xf32>
    %eq3A_591 = arith.constant 1 : i32
    %eq3A_592 = vector.broadcast %eq3A_591 : i32 to vector<16xi32>
    %eq3A_593 = arith.cmpi eq, %get3A_580, %eq3A_592 : vector<16xi32>
    %select_n3A_594 = arith.select %eq3A_593, %get3A_590, %get3A_585 : vector<16xi1>, vector<16xf32>
    %get3A_595 = arith.constant 6 : i32
    %get3A_596 = arith.index_cast %get3A_595 : i32 to index
    %get3A_597 = arith.constant 32 : index
    %get3A_598 = tpu.vector_load %arg8[%get3A_596, %get3A_597] {strides = array<i32>} : memref<32x128xf32, #tpu.memory_space<vmem>>, vector<1x16xf32>,
    %get3A_599 = vector.shape_cast %get3A_598 : vector<1x16xf32> to vector<16xf32>
    %eq3A_600 = arith.constant 2 : i32
    %eq3A_601 = vector.broadcast %eq3A_600 : i32 to vector<16xi32>
    %eq3A_602 = arith.cmpi eq, %get3A_580, %eq3A_601 : vector<16xi32>
    %select_n3A_603 = arith.select %eq3A_602, %get3A_599, %select_n3A_594 : vector<16xi1>, vector<16xf32>
    %get3A_604 = arith.constant 6 : i32
    %get3A_605 = arith.index_cast %get3A_604 : i32 to index
    %get3A_606 = arith.constant 48 : index
    %get3A_607 = tpu.vector_load %arg8[%get3A_605, %get3A_606] {strides = array<i32>} : memref<32x128xf32, #tpu.memory_space<vmem>>, vector<1x16xf32>,
    %get3A_608 = vector.shape_cast %get3A_607 : vector<1x16xf32> to vector<16xf32>
    %eq3A_609 = arith.constant 3 : i32
    %eq3A_610 = vector.broadcast %eq3A_609 : i32 to vector<16xi32>
    %eq3A_611 = arith.cmpi eq, %get3A_580, %eq3A_610 : vector<16xi32>
    %select_n3A_612 = arith.select %eq3A_611, %get3A_608, %select_n3A_603 : vector<16xi1>, vector<16xf32>
    %get3A_613 = arith.constant 6 : i32
    %get3A_614 = arith.index_cast %get3A_613 : i32 to index
    %get3A_615 = arith.constant 64 : index
    %get3A_616 = tpu.vector_load %arg8[%get3A_614, %get3A_615] {strides = array<i32>} : memref<32x128xf32, #tpu.memory_space<vmem>>, vector<1x16xf32>,
    %get3A_617 = vector.shape_cast %get3A_616 : vector<1x16xf32> to vector<16xf32>
    %eq3A_618 = arith.constant 4 : i32
    %eq3A_619 = vector.broadcast %eq3A_618 : i32 to vector<16xi32>
    %eq3A_620 = arith.cmpi eq, %get3A_580, %eq3A_619 : vector<16xi32>
    %select_n3A_621 = arith.select %eq3A_620, %get3A_617, %select_n3A_612 : vector<16xi1>, vector<16xf32>
    %get3A_622 = arith.constant 6 : i32
    %get3A_623 = arith.index_cast %get3A_622 : i32 to index
    %get3A_624 = arith.constant 80 : index
    %get3A_625 = tpu.vector_load %arg8[%get3A_623, %get3A_624] {strides = array<i32>} : memref<32x128xf32, #tpu.memory_space<vmem>>, vector<1x16xf32>,
    %get3A_626 = vector.shape_cast %get3A_625 : vector<1x16xf32> to vector<16xf32>
    %eq3A_627 = arith.constant 5 : i32
    %eq3A_628 = vector.broadcast %eq3A_627 : i32 to vector<16xi32>
    %eq3A_629 = arith.cmpi eq, %get3A_580, %eq3A_628 : vector<16xi32>
    %select_n3A_630 = arith.select %eq3A_629, %get3A_626, %select_n3A_621 : vector<16xi1>, vector<16xf32>
    %get3A_631 = arith.constant 6 : i32
    %get3A_632 = arith.index_cast %get3A_631 : i32 to index
    %get3A_633 = arith.constant 96 : index
    %get3A_634 = tpu.vector_load %arg8[%get3A_632, %get3A_633] {strides = array<i32>} : memref<32x128xf32, #tpu.memory_space<vmem>>, vector<1x16xf32>,
    %get3A_635 = vector.shape_cast %get3A_634 : vector<1x16xf32> to vector<16xf32>
    %eq3A_636 = arith.constant 6 : i32
    %eq3A_637 = vector.broadcast %eq3A_636 : i32 to vector<16xi32>
    %eq3A_638 = arith.cmpi eq, %get3A_580, %eq3A_637 : vector<16xi32>
    %select_n3A_639 = arith.select %eq3A_638, %get3A_635, %select_n3A_630 : vector<16xi1>, vector<16xf32>
    %get3A_640 = arith.constant 6 : i32
    %get3A_641 = arith.index_cast %get3A_640 : i32 to index
    %get3A_642 = arith.constant 112 : index
    %get3A_643 = tpu.vector_load %arg8[%get3A_641, %get3A_642] {strides = array<i32>} : memref<32x128xf32, #tpu.memory_space<vmem>>, vector<1x16xf32>,
    %get3A_644 = vector.shape_cast %get3A_643 : vector<1x16xf32> to vector<16xf32>
    %eq3A_645 = arith.constant 7 : i32
    %eq3A_646 = vector.broadcast %eq3A_645 : i32 to vector<16xi32>
    %eq3A_647 = arith.cmpi eq, %get3A_580, %eq3A_646 : vector<16xi32>
    %select_n3A_648 = arith.select %eq3A_647, %get3A_644, %select_n3A_639 : vector<16xi1>, vector<16xf32>
    %swap3A_649 = arith.constant 6 : i32
    %swap3A_650 = arith.index_cast %swap3A_649 : i32 to index
    %swap3A_651 = arith.constant 0 : index
    %swap3A_652 = tpu.vector_load %arg9[%swap3A_650, %swap3A_651] {strides = array<i32>} : memref<32x16xf32, #tpu.memory_space<vmem>>, vector<1x16xf32>,
    %swap3A_653 = vector.shape_cast %swap3A_652 : vector<1x16xf32> to vector<16xf32>
    %swap3A_654 = vector.shape_cast %select_n3A_648 : vector<16xf32> to vector<1x16xf32>
    tpu.vector_store %arg9[%swap3A_650, %swap3A_651], %swap3A_654 {strides = array<i32>} : memref<32x16xf32, #tpu.memory_space<vmem>>, vector<1x16xf32>,
    %get3A_655 = arith.constant 0 : index
    %get3A_656 = tpu.vector_load %arg6[%get3A_655] {strides = array<i32>} : memref<32xi32, #tpu.memory_space<vmem>>, vector<16xi32>,
    %get3A_657 = vector.shape_cast %get3A_656 : vector<16xi32> to vector<16xi32>
    %broadcast_in_dim3A_658 = arith.constant 7 : i32
    %broadcast_in_dim3A_659 = vector.broadcast %broadcast_in_dim3A_658 : i32 to vector<16x1xi32>
    %gather3A_660 = vector.shape_cast %broadcast_in_dim3A_659 : vector<16x1xi32> to vector<16xi32>
    %gather3A_661 = tpu.dynamic_gather %get3A_657[%gather3A_660] in [0] : vector<16xi32>, vector<16xi32> -> vector<16xi32>
    %swap3A_662 = arith.constant 0 : index
    %swap3A_663 = tpu.vector_load %arg7[%swap3A_662] {strides = array<i32>} : memref<16xi32, #tpu.memory_space<vmem>>, vector<16xi32>,
    %swap3A_664 = vector.shape_cast %swap3A_663 : vector<16xi32> to vector<16xi32>
    %swap3A_665 = vector.shape_cast %gather3A_661 : vector<16xi32> to vector<16xi32>
    tpu.vector_store %arg7[%swap3A_662], %swap3A_665 {strides = array<i32>} : memref<16xi32, #tpu.memory_space<vmem>>, vector<16xi32>,
    %get3A_666 = arith.constant 0 : index
    %get3A_667 = tpu.vector_load %arg7[%get3A_666] {strides = array<i32>} : memref<16xi32, #tpu.memory_space<vmem>>, vector<16xi32>,
    %get3A_668 = vector.shape_cast %get3A_667 : vector<16xi32> to vector<16xi32>
    %get3A_669 = arith.constant 7 : i32
    %get3A_670 = arith.index_cast %get3A_669 : i32 to index
    %get3A_671 = arith.constant 0 : index
    %get3A_672 = tpu.vector_load %arg8[%get3A_670, %get3A_671] {strides = array<i32>} : memref<32x128xf32, #tpu.memory_space<vmem>>, vector<1x16xf32>,
    %get3A_673 = vector.shape_cast %get3A_672 : vector<1x16xf32> to vector<16xf32>
    %get3A_674 = arith.constant 7 : i32
    %get3A_675 = arith.index_cast %get3A_674 : i32 to index
    %get3A_676 = arith.constant 16 : index
    %get3A_677 = tpu.vector_load %arg8[%get3A_675, %get3A_676] {strides = array<i32>} : memref<32x128xf32, #tpu.memory_space<vmem>>, vector<1x16xf32>,
    %get3A_678 = vector.shape_cast %get3A_677 : vector<1x16xf32> to vector<16xf32>
    %eq3A_679 = arith.constant 1 : i32
    %eq3A_680 = vector.broadcast %eq3A_679 : i32 to vector<16xi32>
    %eq3A_681 = arith.cmpi eq, %get3A_668, %eq3A_680 : vector<16xi32>
    %select_n3A_682 = arith.select %eq3A_681, %get3A_678, %get3A_673 : vector<16xi1>, vector<16xf32>
    %get3A_683 = arith.constant 7 : i32
    %get3A_684 = arith.index_cast %get3A_683 : i32 to index
    %get3A_685 = arith.constant 32 : index
    %get3A_686 = tpu.vector_load %arg8[%get3A_684, %get3A_685] {strides = array<i32>} : memref<32x128xf32, #tpu.memory_space<vmem>>, vector<1x16xf32>,
    %get3A_687 = vector.shape_cast %get3A_686 : vector<1x16xf32> to vector<16xf32>
    %eq3A_688 = arith.constant 2 : i32
    %eq3A_689 = vector.broadcast %eq3A_688 : i32 to vector<16xi32>
    %eq3A_690 = arith.cmpi eq, %get3A_668, %eq3A_689 : vector<16xi32>
    %select_n3A_691 = arith.select %eq3A_690, %get3A_687, %select_n3A_682 : vector<16xi1>, vector<16xf32>
    %get3A_692 = arith.constant 7 : i32
    %get3A_693 = arith.index_cast %get3A_692 : i32 to index
    %get3A_694 = arith.constant 48 : index
    %get3A_695 = tpu.vector_load %arg8[%get3A_693, %get3A_694] {strides = array<i32>} : memref<32x128xf32, #tpu.memory_space<vmem>>, vector<1x16xf32>,
    %get3A_696 = vector.shape_cast %get3A_695 : vector<1x16xf32> to vector<16xf32>
    %eq3A_697 = arith.constant 3 : i32
    %eq3A_698 = vector.broadcast %eq3A_697 : i32 to vector<16xi32>
    %eq3A_699 = arith.cmpi eq, %get3A_668, %eq3A_698 : vector<16xi32>
    %select_n3A_700 = arith.select %eq3A_699, %get3A_696, %select_n3A_691 : vector<16xi1>, vector<16xf32>
    %get3A_701 = arith.constant 7 : i32
    %get3A_702 = arith.index_cast %get3A_701 : i32 to index
    %get3A_703 = arith.constant 64 : index
    %get3A_704 = tpu.vector_load %arg8[%get3A_702, %get3A_703] {strides = array<i32>} : memref<32x128xf32, #tpu.memory_space<vmem>>, vector<1x16xf32>,
    %get3A_705 = vector.shape_cast %get3A_704 : vector<1x16xf32> to vector<16xf32>
    %eq3A_706 = arith.constant 4 : i32
    %eq3A_707 = vector.broadcast %eq3A_706 : i32 to vector<16xi32>
    %eq3A_708 = arith.cmpi eq, %get3A_668, %eq3A_707 : vector<16xi32>
    %select_n3A_709 = arith.select %eq3A_708, %get3A_705, %select_n3A_700 : vector<16xi1>, vector<16xf32>
    %get3A_710 = arith.constant 7 : i32
    %get3A_711 = arith.index_cast %get3A_710 : i32 to index
    %get3A_712 = arith.constant 80 : index
    %get3A_713 = tpu.vector_load %arg8[%get3A_711, %get3A_712] {strides = array<i32>} : memref<32x128xf32, #tpu.memory_space<vmem>>, vector<1x16xf32>,
    %get3A_714 = vector.shape_cast %get3A_713 : vector<1x16xf32> to vector<16xf32>
    %eq3A_715 = arith.constant 5 : i32
    %eq3A_716 = vector.broadcast %eq3A_715 : i32 to vector<16xi32>
    %eq3A_717 = arith.cmpi eq, %get3A_668, %eq3A_716 : vector<16xi32>
    %select_n3A_718 = arith.select %eq3A_717, %get3A_714, %select_n3A_709 : vector<16xi1>, vector<16xf32>
    %get3A_719 = arith.constant 7 : i32
    %get3A_720 = arith.index_cast %get3A_719 : i32 to index
    %get3A_721 = arith.constant 96 : index
    %get3A_722 = tpu.vector_load %arg8[%get3A_720, %get3A_721] {strides = array<i32>} : memref<32x128xf32, #tpu.memory_space<vmem>>, vector<1x16xf32>,
    %get3A_723 = vector.shape_cast %get3A_722 : vector<1x16xf32> to vector<16xf32>
    %eq3A_724 = arith.constant 6 : i32
    %eq3A_725 = vector.broadcast %eq3A_724 : i32 to vector<16xi32>
    %eq3A_726 = arith.cmpi eq, %get3A_668, %eq3A_725 : vector<16xi32>
    %select_n3A_727 = arith.select %eq3A_726, %get3A_723, %select_n3A_718 : vector<16xi1>, vector<16xf32>
    %get3A_728 = arith.constant 7 : i32
    %get3A_729 = arith.index_cast %get3A_728 : i32 to index
    %get3A_730 = arith.constant 112 : index
    %get3A_731 = tpu.vector_load %arg8[%get3A_729, %get3A_730] {strides = array<i32>} : memref<32x128xf32, #tpu.memory_space<vmem>>, vector<1x16xf32>,
    %get3A_732 = vector.shape_cast %get3A_731 : vector<1x16xf32> to vector<16xf32>
    %eq3A_733 = arith.constant 7 : i32
    %eq3A_734 = vector.broadcast %eq3A_733 : i32 to vector<16xi32>
    %eq3A_735 = arith.cmpi eq, %get3A_668, %eq3A_734 : vector<16xi32>
    %select_n3A_736 = arith.select %eq3A_735, %get3A_732, %select_n3A_727 : vector<16xi1>, vector<16xf32>
    %swap3A_737 = arith.constant 7 : i32
    %swap3A_738 = arith.index_cast %swap3A_737 : i32 to index
    %swap3A_739 = arith.constant 0 : index
    %swap3A_740 = tpu.vector_load %arg9[%swap3A_738, %swap3A_739] {strides = array<i32>} : memref<32x16xf32, #tpu.memory_space<vmem>>, vector<1x16xf32>,
    %swap3A_741 = vector.shape_cast %swap3A_740 : vector<1x16xf32> to vector<16xf32>
    %swap3A_742 = vector.shape_cast %select_n3A_736 : vector<16xf32> to vector<1x16xf32>
    tpu.vector_store %arg9[%swap3A_738, %swap3A_739], %swap3A_742 {strides = array<i32>} : memref<32x16xf32, #tpu.memory_space<vmem>>, vector<1x16xf32>,
    %get3A_743 = arith.constant 0 : index
    %get3A_744 = tpu.vector_load %arg6[%get3A_743] {strides = array<i32>} : memref<32xi32, #tpu.memory_space<vmem>>, vector<16xi32>,
    %get3A_745 = vector.shape_cast %get3A_744 : vector<16xi32> to vector<16xi32>
    %broadcast_in_dim3A_746 = arith.constant 8 : i32
    %broadcast_in_dim3A_747 = vector.broadcast %broadcast_in_dim3A_746 : i32 to vector<16x1xi32>
    %gather3A_748 = vector.shape_cast %broadcast_in_dim3A_747 : vector<16x1xi32> to vector<16xi32>
    %gather3A_749 = tpu.dynamic_gather %get3A_745[%gather3A_748] in [0] : vector<16xi32>, vector<16xi32> -> vector<16xi32>
    %swap3A_750 = arith.constant 0 : index
    %swap3A_751 = tpu.vector_load %arg7[%swap3A_750] {strides = array<i32>} : memref<16xi32, #tpu.memory_space<vmem>>, vector<16xi32>,
    %swap3A_752 = vector.shape_cast %swap3A_751 : vector<16xi32> to vector<16xi32>
    %swap3A_753 = vector.shape_cast %gather3A_749 : vector<16xi32> to vector<16xi32>
    tpu.vector_store %arg7[%swap3A_750], %swap3A_753 {strides = array<i32>} : memref<16xi32, #tpu.memory_space<vmem>>, vector<16xi32>,
    %get3A_754 = arith.constant 0 : index
    %get3A_755 = tpu.vector_load %arg7[%get3A_754] {strides = array<i32>} : memref<16xi32, #tpu.memory_space<vmem>>, vector<16xi32>,
    %get3A_756 = vector.shape_cast %get3A_755 : vector<16xi32> to vector<16xi32>
    %get3A_757 = arith.constant 8 : i32
    %get3A_758 = arith.index_cast %get3A_757 : i32 to index
    %get3A_759 = arith.constant 0 : index
    %get3A_760 = tpu.vector_load %arg8[%get3A_758, %get3A_759] {strides = array<i32>} : memref<32x128xf32, #tpu.memory_space<vmem>>, vector<1x16xf32>,
    %get3A_761 = vector.shape_cast %get3A_760 : vector<1x16xf32> to vector<16xf32>
    %get3A_762 = arith.constant 8 : i32
    %get3A_763 = arith.index_cast %get3A_762 : i32 to index
    %get3A_764 = arith.constant 16 : index
    %get3A_765 = tpu.vector_load %arg8[%get3A_763, %get3A_764] {strides = array<i32>} : memref<32x128xf32, #tpu.memory_space<vmem>>, vector<1x16xf32>,
    %get3A_766 = vector.shape_cast %get3A_765 : vector<1x16xf32> to vector<16xf32>
    %eq3A_767 = arith.constant 1 : i32
    %eq3A_768 = vector.broadcast %eq3A_767 : i32 to vector<16xi32>
    %eq3A_769 = arith.cmpi eq, %get3A_756, %eq3A_768 : vector<16xi32>
    %select_n3A_770 = arith.select %eq3A_769, %get3A_766, %get3A_761 : vector<16xi1>, vector<16xf32>
    %get3A_771 = arith.constant 8 : i32
    %get3A_772 = arith.index_cast %get3A_771 : i32 to index
    %get3A_773 = arith.constant 32 : index
    %get3A_774 = tpu.vector_load %arg8[%get3A_772, %get3A_773] {strides = array<i32>} : memref<32x128xf32, #tpu.memory_space<vmem>>, vector<1x16xf32>,
    %get3A_775 = vector.shape_cast %get3A_774 : vector<1x16xf32> to vector<16xf32>
    %eq3A_776 = arith.constant 2 : i32
    %eq3A_777 = vector.broadcast %eq3A_776 : i32 to vector<16xi32>
    %eq3A_778 = arith.cmpi eq, %get3A_756, %eq3A_777 : vector<16xi32>
    %select_n3A_779 = arith.select %eq3A_778, %get3A_775, %select_n3A_770 : vector<16xi1>, vector<16xf32>
    %get3A_780 = arith.constant 8 : i32
    %get3A_781 = arith.index_cast %get3A_780 : i32 to index
    %get3A_782 = arith.constant 48 : index
    %get3A_783 = tpu.vector_load %arg8[%get3A_781, %get3A_782] {strides = array<i32>} : memref<32x128xf32, #tpu.memory_space<vmem>>, vector<1x16xf32>,
    %get3A_784 = vector.shape_cast %get3A_783 : vector<1x16xf32> to vector<16xf32>
    %eq3A_785 = arith.constant 3 : i32
    %eq3A_786 = vector.broadcast %eq3A_785 : i32 to vector<16xi32>
    %eq3A_787 = arith.cmpi eq, %get3A_756, %eq3A_786 : vector<16xi32>
    %select_n3A_788 = arith.select %eq3A_787, %get3A_784, %select_n3A_779 : vector<16xi1>, vector<16xf32>
    %get3A_789 = arith.constant 8 : i32
    %get3A_790 = arith.index_cast %get3A_789 : i32 to index
    %get3A_791 = arith.constant 64 : index
    %get3A_792 = tpu.vector_load %arg8[%get3A_790, %get3A_791] {strides = array<i32>} : memref<32x128xf32, #tpu.memory_space<vmem>>, vector<1x16xf32>,
    %get3A_793 = vector.shape_cast %get3A_792 : vector<1x16xf32> to vector<16xf32>
    %eq3A_794 = arith.constant 4 : i32
    %eq3A_795 = vector.broadcast %eq3A_794 : i32 to vector<16xi32>
    %eq3A_796 = arith.cmpi eq, %get3A_756, %eq3A_795 : vector<16xi32>
    %select_n3A_797 = arith.select %eq3A_796, %get3A_793, %select_n3A_788 : vector<16xi1>, vector<16xf32>
    %get3A_798 = arith.constant 8 : i32
    %get3A_799 = arith.index_cast %get3A_798 : i32 to index
    %get3A_800 = arith.constant 80 : index
    %get3A_801 = tpu.vector_load %arg8[%get3A_799, %get3A_800] {strides = array<i32>} : memref<32x128xf32, #tpu.memory_space<vmem>>, vector<1x16xf32>,
    %get3A_802 = vector.shape_cast %get3A_801 : vector<1x16xf32> to vector<16xf32>
    %eq3A_803 = arith.constant 5 : i32
    %eq3A_804 = vector.broadcast %eq3A_803 : i32 to vector<16xi32>
    %eq3A_805 = arith.cmpi eq, %get3A_756, %eq3A_804 : vector<16xi32>
    %select_n3A_806 = arith.select %eq3A_805, %get3A_802, %select_n3A_797 : vector<16xi1>, vector<16xf32>
    %get3A_807 = arith.constant 8 : i32
    %get3A_808 = arith.index_cast %get3A_807 : i32 to index
    %get3A_809 = arith.constant 96 : index
    %get3A_810 = tpu.vector_load %arg8[%get3A_808, %get3A_809] {strides = array<i32>} : memref<32x128xf32, #tpu.memory_space<vmem>>, vector<1x16xf32>,
    %get3A_811 = vector.shape_cast %get3A_810 : vector<1x16xf32> to vector<16xf32>
    %eq3A_812 = arith.constant 6 : i32
    %eq3A_813 = vector.broadcast %eq3A_812 : i32 to vector<16xi32>
    %eq3A_814 = arith.cmpi eq, %get3A_756, %eq3A_813 : vector<16xi32>
    %select_n3A_815 = arith.select %eq3A_814, %get3A_811, %select_n3A_806 : vector<16xi1>, vector<16xf32>
    %get3A_816 = arith.constant 8 : i32
    %get3A_817 = arith.index_cast %get3A_816 : i32 to index
    %get3A_818 = arith.constant 112 : index
    %get3A_819 = tpu.vector_load %arg8[%get3A_817, %get3A_818] {strides = array<i32>} : memref<32x128xf32, #tpu.memory_space<vmem>>, vector<1x16xf32>,
    %get3A_820 = vector.shape_cast %get3A_819 : vector<1x16xf32> to vector<16xf32>
    %eq3A_821 = arith.constant 7 : i32
    %eq3A_822 = vector.broadcast %eq3A_821 : i32 to vector<16xi32>
    %eq3A_823 = arith.cmpi eq, %get3A_756, %eq3A_822 : vector<16xi32>
    %select_n3A_824 = arith.select %eq3A_823, %get3A_820, %select_n3A_815 : vector<16xi1>, vector<16xf32>
    %swap3A_825 = arith.constant 8 : i32
    %swap3A_826 = arith.index_cast %swap3A_825 : i32 to index
    %swap3A_827 = arith.constant 0 : index
    %swap3A_828 = tpu.vector_load %arg9[%swap3A_826, %swap3A_827] {strides = array<i32>} : memref<32x16xf32, #tpu.memory_space<vmem>>, vector<1x16xf32>,
    %swap3A_829 = vector.shape_cast %swap3A_828 : vector<1x16xf32> to vector<16xf32>
    %swap3A_830 = vector.shape_cast %select_n3A_824 : vector<16xf32> to vector<1x16xf32>
    tpu.vector_store %arg9[%swap3A_826, %swap3A_827], %swap3A_830 {strides = array<i32>} : memref<32x16xf32, #tpu.memory_space<vmem>>, vector<1x16xf32>,
    %get3A_831 = arith.constant 0 : index
    %get3A_832 = tpu.vector_load %arg6[%get3A_831] {strides = array<i32>} : memref<32xi32, #tpu.memory_space<vmem>>, vector<16xi32>,
    %get3A_833 = vector.shape_cast %get3A_832 : vector<16xi32> to vector<16xi32>
    %broadcast_in_dim3A_834 = arith.constant 9 : i32
    %broadcast_in_dim3A_835 = vector.broadcast %broadcast_in_dim3A_834 : i32 to vector<16x1xi32>
    %gather3A_836 = vector.shape_cast %broadcast_in_dim3A_835 : vector<16x1xi32> to vector<16xi32>
    %gather3A_837 = tpu.dynamic_gather %get3A_833[%gather3A_836] in [0] : vector<16xi32>, vector<16xi32> -> vector<16xi32>
    %swap3A_838 = arith.constant 0 : index
    %swap3A_839 = tpu.vector_load %arg7[%swap3A_838] {strides = array<i32>} : memref<16xi32, #tpu.memory_space<vmem>>, vector<16xi32>,
    %swap3A_840 = vector.shape_cast %swap3A_839 : vector<16xi32> to vector<16xi32>
    %swap3A_841 = vector.shape_cast %gather3A_837 : vector<16xi32> to vector<16xi32>
    tpu.vector_store %arg7[%swap3A_838], %swap3A_841 {strides = array<i32>} : memref<16xi32, #tpu.memory_space<vmem>>, vector<16xi32>,
    %get3A_842 = arith.constant 0 : index
    %get3A_843 = tpu.vector_load %arg7[%get3A_842] {strides = array<i32>} : memref<16xi32, #tpu.memory_space<vmem>>, vector<16xi32>,
    %get3A_844 = vector.shape_cast %get3A_843 : vector<16xi32> to vector<16xi32>
    %get3A_845 = arith.constant 9 : i32
    %get3A_846 = arith.index_cast %get3A_845 : i32 to index
    %get3A_847 = arith.constant 0 : index
    %get3A_848 = tpu.vector_load %arg8[%get3A_846, %get3A_847] {strides = array<i32>} : memref<32x128xf32, #tpu.memory_space<vmem>>, vector<1x16xf32>,
    %get3A_849 = vector.shape_cast %get3A_848 : vector<1x16xf32> to vector<16xf32>
    %get3A_850 = arith.constant 9 : i32
    %get3A_851 = arith.index_cast %get3A_850 : i32 to index
    %get3A_852 = arith.constant 16 : index
    %get3A_853 = tpu.vector_load %arg8[%get3A_851, %get3A_852] {strides = array<i32>} : memref<32x128xf32, #tpu.memory_space<vmem>>, vector<1x16xf32>,
    %get3A_854 = vector.shape_cast %get3A_853 : vector<1x16xf32> to vector<16xf32>
    %eq3A_855 = arith.constant 1 : i32
    %eq3A_856 = vector.broadcast %eq3A_855 : i32 to vector<16xi32>
    %eq3A_857 = arith.cmpi eq, %get3A_844, %eq3A_856 : vector<16xi32>
    %select_n3A_858 = arith.select %eq3A_857, %get3A_854, %get3A_849 : vector<16xi1>, vector<16xf32>
    %get3A_859 = arith.constant 9 : i32
    %get3A_860 = arith.index_cast %get3A_859 : i32 to index
    %get3A_861 = arith.constant 32 : index
    %get3A_862 = tpu.vector_load %arg8[%get3A_860, %get3A_861] {strides = array<i32>} : memref<32x128xf32, #tpu.memory_space<vmem>>, vector<1x16xf32>,
    %get3A_863 = vector.shape_cast %get3A_862 : vector<1x16xf32> to vector<16xf32>
    %eq3A_864 = arith.constant 2 : i32
    %eq3A_865 = vector.broadcast %eq3A_864 : i32 to vector<16xi32>
    %eq3A_866 = arith.cmpi eq, %get3A_844, %eq3A_865 : vector<16xi32>
    %select_n3A_867 = arith.select %eq3A_866, %get3A_863, %select_n3A_858 : vector<16xi1>, vector<16xf32>
    %get3A_868 = arith.constant 9 : i32
    %get3A_869 = arith.index_cast %get3A_868 : i32 to index
    %get3A_870 = arith.constant 48 : index
    %get3A_871 = tpu.vector_load %arg8[%get3A_869, %get3A_870] {strides = array<i32>} : memref<32x128xf32, #tpu.memory_space<vmem>>, vector<1x16xf32>,
    %get3A_872 = vector.shape_cast %get3A_871 : vector<1x16xf32> to vector<16xf32>
    %eq3A_873 = arith.constant 3 : i32
    %eq3A_874 = vector.broadcast %eq3A_873 : i32 to vector<16xi32>
    %eq3A_875 = arith.cmpi eq, %get3A_844, %eq3A_874 : vector<16xi32>
    %select_n3A_876 = arith.select %eq3A_875, %get3A_872, %select_n3A_867 : vector<16xi1>, vector<16xf32>
    %get3A_877 = arith.constant 9 : i32
    %get3A_878 = arith.index_cast %get3A_877 : i32 to index
    %get3A_879 = arith.constant 64 : index
    %get3A_880 = tpu.vector_load %arg8[%get3A_878, %get3A_879] {strides = array<i32>} : memref<32x128xf32, #tpu.memory_space<vmem>>, vector<1x16xf32>,
    %get3A_881 = vector.shape_cast %get3A_880 : vector<1x16xf32> to vector<16xf32>
    %eq3A_882 = arith.constant 4 : i32
    %eq3A_883 = vector.broadcast %eq3A_882 : i32 to vector<16xi32>
    %eq3A_884 = arith.cmpi eq, %get3A_844, %eq3A_883 : vector<16xi32>
    %select_n3A_885 = arith.select %eq3A_884, %get3A_881, %select_n3A_876 : vector<16xi1>, vector<16xf32>
    %get3A_886 = arith.constant 9 : i32
    %get3A_887 = arith.index_cast %get3A_886 : i32 to index
    %get3A_888 = arith.constant 80 : index
    %get3A_889 = tpu.vector_load %arg8[%get3A_887, %get3A_888] {strides = array<i32>} : memref<32x128xf32, #tpu.memory_space<vmem>>, vector<1x16xf32>,
    %get3A_890 = vector.shape_cast %get3A_889 : vector<1x16xf32> to vector<16xf32>
    %eq3A_891 = arith.constant 5 : i32
    %eq3A_892 = vector.broadcast %eq3A_891 : i32 to vector<16xi32>
    %eq3A_893 = arith.cmpi eq, %get3A_844, %eq3A_892 : vector<16xi32>
    %select_n3A_894 = arith.select %eq3A_893, %get3A_890, %select_n3A_885 : vector<16xi1>, vector<16xf32>
    %get3A_895 = arith.constant 9 : i32
    %get3A_896 = arith.index_cast %get3A_895 : i32 to index
    %get3A_897 = arith.constant 96 : index
    %get3A_898 = tpu.vector_load %arg8[%get3A_896, %get3A_897] {strides = array<i32>} : memref<32x128xf32, #tpu.memory_space<vmem>>, vector<1x16xf32>,
    %get3A_899 = vector.shape_cast %get3A_898 : vector<1x16xf32> to vector<16xf32>
    %eq3A_900 = arith.constant 6 : i32
    %eq3A_901 = vector.broadcast %eq3A_900 : i32 to vector<16xi32>
    %eq3A_902 = arith.cmpi eq, %get3A_844, %eq3A_901 : vector<16xi32>
    %select_n3A_903 = arith.select %eq3A_902, %get3A_899, %select_n3A_894 : vector<16xi1>, vector<16xf32>
    %get3A_904 = arith.constant 9 : i32
    %get3A_905 = arith.index_cast %get3A_904 : i32 to index
    %get3A_906 = arith.constant 112 : index
    %get3A_907 = tpu.vector_load %arg8[%get3A_905, %get3A_906] {strides = array<i32>} : memref<32x128xf32, #tpu.memory_space<vmem>>, vector<1x16xf32>,
    %get3A_908 = vector.shape_cast %get3A_907 : vector<1x16xf32> to vector<16xf32>
    %eq3A_909 = arith.constant 7 : i32
    %eq3A_910 = vector.broadcast %eq3A_909 : i32 to vector<16xi32>
    %eq3A_911 = arith.cmpi eq, %get3A_844, %eq3A_910 : vector<16xi32>
    %select_n3A_912 = arith.select %eq3A_911, %get3A_908, %select_n3A_903 : vector<16xi1>, vector<16xf32>
    %swap3A_913 = arith.constant 9 : i32
    %swap3A_914 = arith.index_cast %swap3A_913 : i32 to index
    %swap3A_915 = arith.constant 0 : index
    %swap3A_916 = tpu.vector_load %arg9[%swap3A_914, %swap3A_915] {strides = array<i32>} : memref<32x16xf32, #tpu.memory_space<vmem>>, vector<1x16xf32>,
    %swap3A_917 = vector.shape_cast %swap3A_916 : vector<1x16xf32> to vector<16xf32>
    %swap3A_918 = vector.shape_cast %select_n3A_912 : vector<16xf32> to vector<1x16xf32>
    tpu.vector_store %arg9[%swap3A_914, %swap3A_915], %swap3A_918 {strides = array<i32>} : memref<32x16xf32, #tpu.memory_space<vmem>>, vector<1x16xf32>,
    %get3A_919 = arith.constant 0 : index
    %get3A_920 = tpu.vector_load %arg6[%get3A_919] {strides = array<i32>} : memref<32xi32, #tpu.memory_space<vmem>>, vector<16xi32>,
    %get3A_921 = vector.shape_cast %get3A_920 : vector<16xi32> to vector<16xi32>
    %broadcast_in_dim3A_922 = arith.constant 10 : i32
    %broadcast_in_dim3A_923 = vector.broadcast %broadcast_in_dim3A_922 : i32 to vector<16x1xi32>
    %gather3A_924 = vector.shape_cast %broadcast_in_dim3A_923 : vector<16x1xi32> to vector<16xi32>
    %gather3A_925 = tpu.dynamic_gather %get3A_921[%gather3A_924] in [0] : vector<16xi32>, vector<16xi32> -> vector<16xi32>
    %swap3A_926 = arith.constant 0 : index
    %swap3A_927 = tpu.vector_load %arg7[%swap3A_926] {strides = array<i32>} : memref<16xi32, #tpu.memory_space<vmem>>, vector<16xi32>,
    %swap3A_928 = vector.shape_cast %swap3A_927 : vector<16xi32> to vector<16xi32>
    %swap3A_929 = vector.shape_cast %gather3A_925 : vector<16xi32> to vector<16xi32>
    tpu.vector_store %arg7[%swap3A_926], %swap3A_929 {strides = array<i32>} : memref<16xi32, #tpu.memory_space<vmem>>, vector<16xi32>,
    %get3A_930 = arith.constant 0 : index
    %get3A_931 = tpu.vector_load %arg7[%get3A_930] {strides = array<i32>} : memref<16xi32, #tpu.memory_space<vmem>>, vector<16xi32>,
    %get3A_932 = vector.shape_cast %get3A_931 : vector<16xi32> to vector<16xi32>
    %get3A_933 = arith.constant 10 : i32
    %get3A_934 = arith.index_cast %get3A_933 : i32 to index
    %get3A_935 = arith.constant 0 : index
    %get3A_936 = tpu.vector_load %arg8[%get3A_934, %get3A_935] {strides = array<i32>} : memref<32x128xf32, #tpu.memory_space<vmem>>, vector<1x16xf32>,
    %get3A_937 = vector.shape_cast %get3A_936 : vector<1x16xf32> to vector<16xf32>
    %get3A_938 = arith.constant 10 : i32
    %get3A_939 = arith.index_cast %get3A_938 : i32 to index
    %get3A_940 = arith.constant 16 : index
    %get3A_941 = tpu.vector_load %arg8[%get3A_939, %get3A_940] {strides = array<i32>} : memref<32x128xf32, #tpu.memory_space<vmem>>, vector<1x16xf32>,
    %get3A_942 = vector.shape_cast %get3A_941 : vector<1x16xf32> to vector<16xf32>
    %eq3A_943 = arith.constant 1 : i32
    %eq3A_944 = vector.broadcast %eq3A_943 : i32 to vector<16xi32>
    %eq3A_945 = arith.cmpi eq, %get3A_932, %eq3A_944 : vector<16xi32>
    %select_n3A_946 = arith.select %eq3A_945, %get3A_942, %get3A_937 : vector<16xi1>, vector<16xf32>
    %get3A_947 = arith.constant 10 : i32
    %get3A_948 = arith.index_cast %get3A_947 : i32 to index
    %get3A_949 = arith.constant 32 : index
    %get3A_950 = tpu.vector_load %arg8[%get3A_948, %get3A_949] {strides = array<i32>} : memref<32x128xf32, #tpu.memory_space<vmem>>, vector<1x16xf32>,
    %get3A_951 = vector.shape_cast %get3A_950 : vector<1x16xf32> to vector<16xf32>
    %eq3A_952 = arith.constant 2 : i32
    %eq3A_953 = vector.broadcast %eq3A_952 : i32 to vector<16xi32>
    %eq3A_954 = arith.cmpi eq, %get3A_932, %eq3A_953 : vector<16xi32>
    %select_n3A_955 = arith.select %eq3A_954, %get3A_951, %select_n3A_946 : vector<16xi1>, vector<16xf32>
    %get3A_956 = arith.constant 10 : i32
    %get3A_957 = arith.index_cast %get3A_956 : i32 to index
    %get3A_958 = arith.constant 48 : index
    %get3A_959 = tpu.vector_load %arg8[%get3A_957, %get3A_958] {strides = array<i32>} : memref<32x128xf32, #tpu.memory_space<vmem>>, vector<1x16xf32>,
    %get3A_960 = vector.shape_cast %get3A_959 : vector<1x16xf32> to vector<16xf32>
    %eq3A_961 = arith.constant 3 : i32
    %eq3A_962 = vector.broadcast %eq3A_961 : i32 to vector<16xi32>
    %eq3A_963 = arith.cmpi eq, %get3A_932, %eq3A_962 : vector<16xi32>
    %select_n3A_964 = arith.select %eq3A_963, %get3A_960, %select_n3A_955 : vector<16xi1>, vector<16xf32>
    %get3A_965 = arith.constant 10 : i32
    %get3A_966 = arith.index_cast %get3A_965 : i32 to index
    %get3A_967 = arith.constant 64 : index
    %get3A_968 = tpu.vector_load %arg8[%get3A_966, %get3A_967] {strides = array<i32>} : memref<32x128xf32, #tpu.memory_space<vmem>>, vector<1x16xf32>,
    %get3A_969 = vector.shape_cast %get3A_968 : vector<1x16xf32> to vector<16xf32>
    %eq3A_970 = arith.constant 4 : i32
    %eq3A_971 = vector.broadcast %eq3A_970 : i32 to vector<16xi32>
    %eq3A_972 = arith.cmpi eq, %get3A_932, %eq3A_971 : vector<16xi32>
    %select_n3A_973 = arith.select %eq3A_972, %get3A_969, %select_n3A_964 : vector<16xi1>, vector<16xf32>
    %get3A_974 = arith.constant 10 : i32
    %get3A_975 = arith.index_cast %get3A_974 : i32 to index
    %get3A_976 = arith.constant 80 : index
    %get3A_977 = tpu.vector_load %arg8[%get3A_975, %get3A_976] {strides = array<i32>} : memref<32x128xf32, #tpu.memory_space<vmem>>, vector<1x16xf32>,
    %get3A_978 = vector.shape_cast %get3A_977 : vector<1x16xf32> to vector<16xf32>
    %eq3A_979 = arith.constant 5 : i32
    %eq3A_980 = vector.broadcast %eq3A_979 : i32 to vector<16xi32>
    %eq3A_981 = arith.cmpi eq, %get3A_932, %eq3A_980 : vector<16xi32>
    %select_n3A_982 = arith.select %eq3A_981, %get3A_978, %select_n3A_973 : vector<16xi1>, vector<16xf32>
    %get3A_983 = arith.constant 10 : i32
    %get3A_984 = arith.index_cast %get3A_983 : i32 to index
    %get3A_985 = arith.constant 96 : index
    %get3A_986 = tpu.vector_load %arg8[%get3A_984, %get3A_985] {strides = array<i32>} : memref<32x128xf32, #tpu.memory_space<vmem>>, vector<1x16xf32>,
    %get3A_987 = vector.shape_cast %get3A_986 : vector<1x16xf32> to vector<16xf32>
    %eq3A_988 = arith.constant 6 : i32
    %eq3A_989 = vector.broadcast %eq3A_988 : i32 to vector<16xi32>
    %eq3A_990 = arith.cmpi eq, %get3A_932, %eq3A_989 : vector<16xi32>
    %select_n3A_991 = arith.select %eq3A_990, %get3A_987, %select_n3A_982 : vector<16xi1>, vector<16xf32>
    %get3A_992 = arith.constant 10 : i32
    %get3A_993 = arith.index_cast %get3A_992 : i32 to index
    %get3A_994 = arith.constant 112 : index
    %get3A_995 = tpu.vector_load %arg8[%get3A_993, %get3A_994] {strides = array<i32>} : memref<32x128xf32, #tpu.memory_space<vmem>>, vector<1x16xf32>,
    %get3A_996 = vector.shape_cast %get3A_995 : vector<1x16xf32> to vector<16xf32>
    %eq3A_997 = arith.constant 7 : i32
    %eq3A_998 = vector.broadcast %eq3A_997 : i32 to vector<16xi32>
    %eq3A_999 = arith.cmpi eq, %get3A_932, %eq3A_998 : vector<16xi32>
    %select_n3A_1000 = arith.select %eq3A_999, %get3A_996, %select_n3A_991 : vector<16xi1>, vector<16xf32>
    %swap3A_1001 = arith.constant 10 : i32
    %swap3A_1002 = arith.index_cast %swap3A_1001 : i32 to index
    %swap3A_1003 = arith.constant 0 : index
    %swap3A_1004 = tpu.vector_load %arg9[%swap3A_1002, %swap3A_1003] {strides = array<i32>} : memref<32x16xf32, #tpu.memory_space<vmem>>, vector<1x16xf32>,
    %swap3A_1005 = vector.shape_cast %swap3A_1004 : vector<1x16xf32> to vector<16xf32>
    %swap3A_1006 = vector.shape_cast %select_n3A_1000 : vector<16xf32> to vector<1x16xf32>
    tpu.vector_store %arg9[%swap3A_1002, %swap3A_1003], %swap3A_1006 {strides = array<i32>} : memref<32x16xf32, #tpu.memory_space<vmem>>, vector<1x16xf32>,
    %get3A_1007 = arith.constant 0 : index
    %get3A_1008 = tpu.vector_load %arg6[%get3A_1007] {strides = array<i32>} : memref<32xi32, #tpu.memory_space<vmem>>, vector<16xi32>,
    %get3A_1009 = vector.shape_cast %get3A_1008 : vector<16xi32> to vector<16xi32>
    %broadcast_in_dim3A_1010 = arith.constant 11 : i32
    %broadcast_in_dim3A_1011 = vector.broadcast %broadcast_in_dim3A_1010 : i32 to vector<16x1xi32>
    %gather3A_1012 = vector.shape_cast %broadcast_in_dim3A_1011 : vector<16x1xi32> to vector<16xi32>
    %gather3A_1013 = tpu.dynamic_gather %get3A_1009[%gather3A_1012] in [0] : vector<16xi32>, vector<16xi32> -> vector<16xi32>
    %swap3A_1014 = arith.constant 0 : index
    %swap3A_1015 = tpu.vector_load %arg7[%swap3A_1014] {strides = array<i32>} : memref<16xi32, #tpu.memory_space<vmem>>, vector<16xi32>,
    %swap3A_1016 = vector.shape_cast %swap3A_1015 : vector<16xi32> to vector<16xi32>
    %swap3A_1017 = vector.shape_cast %gather3A_1013 : vector<16xi32> to vector<16xi32>
    tpu.vector_store %arg7[%swap3A_1014], %swap3A_1017 {strides = array<i32>} : memref<16xi32, #tpu.memory_space<vmem>>, vector<16xi32>,
    %get3A_1018 = arith.constant 0 : index
    %get3A_1019 = tpu.vector_load %arg7[%get3A_1018] {strides = array<i32>} : memref<16xi32, #tpu.memory_space<vmem>>, vector<16xi32>,
    %get3A_1020 = vector.shape_cast %get3A_1019 : vector<16xi32> to vector<16xi32>
    %get3A_1021 = arith.constant 11 : i32
    %get3A_1022 = arith.index_cast %get3A_1021 : i32 to index
    %get3A_1023 = arith.constant 0 : index
    %get3A_1024 = tpu.vector_load %arg8[%get3A_1022, %get3A_1023] {strides = array<i32>} : memref<32x128xf32, #tpu.memory_space<vmem>>, vector<1x16xf32>,
    %get3A_1025 = vector.shape_cast %get3A_1024 : vector<1x16xf32> to vector<16xf32>
    %get3A_1026 = arith.constant 11 : i32
    %get3A_1027 = arith.index_cast %get3A_1026 : i32 to index
    %get3A_1028 = arith.constant 16 : index
    %get3A_1029 = tpu.vector_load %arg8[%get3A_1027, %get3A_1028] {strides = array<i32>} : memref<32x128xf32, #tpu.memory_space<vmem>>, vector<1x16xf32>,
    %get3A_1030 = vector.shape_cast %get3A_1029 : vector<1x16xf32> to vector<16xf32>
    %eq3A_1031 = arith.constant 1 : i32
    %eq3A_1032 = vector.broadcast %eq3A_1031 : i32 to vector<16xi32>
    %eq3A_1033 = arith.cmpi eq, %get3A_1020, %eq3A_1032 : vector<16xi32>
    %select_n3A_1034 = arith.select %eq3A_1033, %get3A_1030, %get3A_1025 : vector<16xi1>, vector<16xf32>
    %get3A_1035 = arith.constant 11 : i32
    %get3A_1036 = arith.index_cast %get3A_1035 : i32 to index
    %get3A_1037 = arith.constant 32 : index
    %get3A_1038 = tpu.vector_load %arg8[%get3A_1036, %get3A_1037] {strides = array<i32>} : memref<32x128xf32, #tpu.memory_space<vmem>>, vector<1x16xf32>,
    %get3A_1039 = vector.shape_cast %get3A_1038 : vector<1x16xf32> to vector<16xf32>
    %eq3A_1040 = arith.constant 2 : i32
    %eq3A_1041 = vector.broadcast %eq3A_1040 : i32 to vector<16xi32>
    %eq3A_1042 = arith.cmpi eq, %get3A_1020, %eq3A_1041 : vector<16xi32>
    %select_n3A_1043 = arith.select %eq3A_1042, %get3A_1039, %select_n3A_1034 : vector<16xi1>, vector<16xf32>
    %get3A_1044 = arith.constant 11 : i32
    %get3A_1045 = arith.index_cast %get3A_1044 : i32 to index
    %get3A_1046 = arith.constant 48 : index
    %get3A_1047 = tpu.vector_load %arg8[%get3A_1045, %get3A_1046] {strides = array<i32>} : memref<32x128xf32, #tpu.memory_space<vmem>>, vector<1x16xf32>,
    %get3A_1048 = vector.shape_cast %get3A_1047 : vector<1x16xf32> to vector<16xf32>
    %eq3A_1049 = arith.constant 3 : i32
    %eq3A_1050 = vector.broadcast %eq3A_1049 : i32 to vector<16xi32>
    %eq3A_1051 = arith.cmpi eq, %get3A_1020, %eq3A_1050 : vector<16xi32>
    %select_n3A_1052 = arith.select %eq3A_1051, %get3A_1048, %select_n3A_1043 : vector<16xi1>, vector<16xf32>
    %get3A_1053 = arith.constant 11 : i32
    %get3A_1054 = arith.index_cast %get3A_1053 : i32 to index
    %get3A_1055 = arith.constant 64 : index
    %get3A_1056 = tpu.vector_load %arg8[%get3A_1054, %get3A_1055] {strides = array<i32>} : memref<32x128xf32, #tpu.memory_space<vmem>>, vector<1x16xf32>,
    %get3A_1057 = vector.shape_cast %get3A_1056 : vector<1x16xf32> to vector<16xf32>
    %eq3A_1058 = arith.constant 4 : i32
    %eq3A_1059 = vector.broadcast %eq3A_1058 : i32 to vector<16xi32>
    %eq3A_1060 = arith.cmpi eq, %get3A_1020, %eq3A_1059 : vector<16xi32>
    %select_n3A_1061 = arith.select %eq3A_1060, %get3A_1057, %select_n3A_1052 : vector<16xi1>, vector<16xf32>
    %get3A_1062 = arith.constant 11 : i32
    %get3A_1063 = arith.index_cast %get3A_1062 : i32 to index
    %get3A_1064 = arith.constant 80 : index
    %get3A_1065 = tpu.vector_load %arg8[%get3A_1063, %get3A_1064] {strides = array<i32>} : memref<32x128xf32, #tpu.memory_space<vmem>>, vector<1x16xf32>,
    %get3A_1066 = vector.shape_cast %get3A_1065 : vector<1x16xf32> to vector<16xf32>
    %eq3A_1067 = arith.constant 5 : i32
    %eq3A_1068 = vector.broadcast %eq3A_1067 : i32 to vector<16xi32>
    %eq3A_1069 = arith.cmpi eq, %get3A_1020, %eq3A_1068 : vector<16xi32>
    %select_n3A_1070 = arith.select %eq3A_1069, %get3A_1066, %select_n3A_1061 : vector<16xi1>, vector<16xf32>
    %get3A_1071 = arith.constant 11 : i32
    %get3A_1072 = arith.index_cast %get3A_1071 : i32 to index
    %get3A_1073 = arith.constant 96 : index
    %get3A_1074 = tpu.vector_load %arg8[%get3A_1072, %get3A_1073] {strides = array<i32>} : memref<32x128xf32, #tpu.memory_space<vmem>>, vector<1x16xf32>,
    %get3A_1075 = vector.shape_cast %get3A_1074 : vector<1x16xf32> to vector<16xf32>
    %eq3A_1076 = arith.constant 6 : i32
    %eq3A_1077 = vector.broadcast %eq3A_1076 : i32 to vector<16xi32>
    %eq3A_1078 = arith.cmpi eq, %get3A_1020, %eq3A_1077 : vector<16xi32>
    %select_n3A_1079 = arith.select %eq3A_1078, %get3A_1075, %select_n3A_1070 : vector<16xi1>, vector<16xf32>
    %get3A_1080 = arith.constant 11 : i32
    %get3A_1081 = arith.index_cast %get3A_1080 : i32 to index
    %get3A_1082 = arith.constant 112 : index
    %get3A_1083 = tpu.vector_load %arg8[%get3A_1081, %get3A_1082] {strides = array<i32>} : memref<32x128xf32, #tpu.memory_space<vmem>>, vector<1x16xf32>,
    %get3A_1084 = vector.shape_cast %get3A_1083 : vector<1x16xf32> to vector<16xf32>
    %eq3A_1085 = arith.constant 7 : i32
    %eq3A_1086 = vector.broadcast %eq3A_1085 : i32 to vector<16xi32>
    %eq3A_1087 = arith.cmpi eq, %get3A_1020, %eq3A_1086 : vector<16xi32>
    %select_n3A_1088 = arith.select %eq3A_1087, %get3A_1084, %select_n3A_1079 : vector<16xi1>, vector<16xf32>
    %swap3A_1089 = arith.constant 11 : i32
    %swap3A_1090 = arith.index_cast %swap3A_1089 : i32 to index
    %swap3A_1091 = arith.constant 0 : index
    %swap3A_1092 = tpu.vector_load %arg9[%swap3A_1090, %swap3A_1091] {strides = array<i32>} : memref<32x16xf32, #tpu.memory_space<vmem>>, vector<1x16xf32>,
    %swap3A_1093 = vector.shape_cast %swap3A_1092 : vector<1x16xf32> to vector<16xf32>
    %swap3A_1094 = vector.shape_cast %select_n3A_1088 : vector<16xf32> to vector<1x16xf32>
    tpu.vector_store %arg9[%swap3A_1090, %swap3A_1091], %swap3A_1094 {strides = array<i32>} : memref<32x16xf32, #tpu.memory_space<vmem>>, vector<1x16xf32>,
    %get3A_1095 = arith.constant 0 : index
    %get3A_1096 = tpu.vector_load %arg6[%get3A_1095] {strides = array<i32>} : memref<32xi32, #tpu.memory_space<vmem>>, vector<16xi32>,
    %get3A_1097 = vector.shape_cast %get3A_1096 : vector<16xi32> to vector<16xi32>
    %broadcast_in_dim3A_1098 = arith.constant 12 : i32
    %broadcast_in_dim3A_1099 = vector.broadcast %broadcast_in_dim3A_1098 : i32 to vector<16x1xi32>
    %gather3A_1100 = vector.shape_cast %broadcast_in_dim3A_1099 : vector<16x1xi32> to vector<16xi32>
    %gather3A_1101 = tpu.dynamic_gather %get3A_1097[%gather3A_1100] in [0] : vector<16xi32>, vector<16xi32> -> vector<16xi32>
    %swap3A_1102 = arith.constant 0 : index
    %swap3A_1103 = tpu.vector_load %arg7[%swap3A_1102] {strides = array<i32>} : memref<16xi32, #tpu.memory_space<vmem>>, vector<16xi32>,
    %swap3A_1104 = vector.shape_cast %swap3A_1103 : vector<16xi32> to vector<16xi32>
    %swap3A_1105 = vector.shape_cast %gather3A_1101 : vector<16xi32> to vector<16xi32>
    tpu.vector_store %arg7[%swap3A_1102], %swap3A_1105 {strides = array<i32>} : memref<16xi32, #tpu.memory_space<vmem>>, vector<16xi32>,
    %get3A_1106 = arith.constant 0 : index
    %get3A_1107 = tpu.vector_load %arg7[%get3A_1106] {strides = array<i32>} : memref<16xi32, #tpu.memory_space<vmem>>, vector<16xi32>,
    %get3A_1108 = vector.shape_cast %get3A_1107 : vector<16xi32> to vector<16xi32>
    %get3A_1109 = arith.constant 12 : i32
    %get3A_1110 = arith.index_cast %get3A_1109 : i32 to index
    %get3A_1111 = arith.constant 0 : index
    %get3A_1112 = tpu.vector_load %arg8[%get3A_1110, %get3A_1111] {strides = array<i32>} : memref<32x128xf32, #tpu.memory_space<vmem>>, vector<1x16xf32>,
    %get3A_1113 = vector.shape_cast %get3A_1112 : vector<1x16xf32> to vector<16xf32>
    %get3A_1114 = arith.constant 12 : i32
    %get3A_1115 = arith.index_cast %get3A_1114 : i32 to index
    %get3A_1116 = arith.constant 16 : index
    %get3A_1117 = tpu.vector_load %arg8[%get3A_1115, %get3A_1116] {strides = array<i32>} : memref<32x128xf32, #tpu.memory_space<vmem>>, vector<1x16xf32>,
    %get3A_1118 = vector.shape_cast %get3A_1117 : vector<1x16xf32> to vector<16xf32>
    %eq3A_1119 = arith.constant 1 : i32
    %eq3A_1120 = vector.broadcast %eq3A_1119 : i32 to vector<16xi32>
    %eq3A_1121 = arith.cmpi eq, %get3A_1108, %eq3A_1120 : vector<16xi32>
    %select_n3A_1122 = arith.select %eq3A_1121, %get3A_1118, %get3A_1113 : vector<16xi1>, vector<16xf32>
    %get3A_1123 = arith.constant 12 : i32
    %get3A_1124 = arith.index_cast %get3A_1123 : i32 to index
    %get3A_1125 = arith.constant 32 : index
    %get3A_1126 = tpu.vector_load %arg8[%get3A_1124, %get3A_1125] {strides = array<i32>} : memref<32x128xf32, #tpu.memory_space<vmem>>, vector<1x16xf32>,
    %get3A_1127 = vector.shape_cast %get3A_1126 : vector<1x16xf32> to vector<16xf32>
    %eq3A_1128 = arith.constant 2 : i32
    %eq3A_1129 = vector.broadcast %eq3A_1128 : i32 to vector<16xi32>
    %eq3A_1130 = arith.cmpi eq, %get3A_1108, %eq3A_1129 : vector<16xi32>
    %select_n3A_1131 = arith.select %eq3A_1130, %get3A_1127, %select_n3A_1122 : vector<16xi1>, vector<16xf32>
    %get3A_1132 = arith.constant 12 : i32
    %get3A_1133 = arith.index_cast %get3A_1132 : i32 to index
    %get3A_1134 = arith.constant 48 : index
    %get3A_1135 = tpu.vector_load %arg8[%get3A_1133, %get3A_1134] {strides = array<i32>} : memref<32x128xf32, #tpu.memory_space<vmem>>, vector<1x16xf32>,
    %get3A_1136 = vector.shape_cast %get3A_1135 : vector<1x16xf32> to vector<16xf32>
    %eq3A_1137 = arith.constant 3 : i32
    %eq3A_1138 = vector.broadcast %eq3A_1137 : i32 to vector<16xi32>
    %eq3A_1139 = arith.cmpi eq, %get3A_1108, %eq3A_1138 : vector<16xi32>
    %select_n3A_1140 = arith.select %eq3A_1139, %get3A_1136, %select_n3A_1131 : vector<16xi1>, vector<16xf32>
    %get3A_1141 = arith.constant 12 : i32
    %get3A_1142 = arith.index_cast %get3A_1141 : i32 to index
    %get3A_1143 = arith.constant 64 : index
    %get3A_1144 = tpu.vector_load %arg8[%get3A_1142, %get3A_1143] {strides = array<i32>} : memref<32x128xf32, #tpu.memory_space<vmem>>, vector<1x16xf32>,
    %get3A_1145 = vector.shape_cast %get3A_1144 : vector<1x16xf32> to vector<16xf32>
    %eq3A_1146 = arith.constant 4 : i32
    %eq3A_1147 = vector.broadcast %eq3A_1146 : i32 to vector<16xi32>
    %eq3A_1148 = arith.cmpi eq, %get3A_1108, %eq3A_1147 : vector<16xi32>
    %select_n3A_1149 = arith.select %eq3A_1148, %get3A_1145, %select_n3A_1140 : vector<16xi1>, vector<16xf32>
    %get3A_1150 = arith.constant 12 : i32
    %get3A_1151 = arith.index_cast %get3A_1150 : i32 to index
    %get3A_1152 = arith.constant 80 : index
    %get3A_1153 = tpu.vector_load %arg8[%get3A_1151, %get3A_1152] {strides = array<i32>} : memref<32x128xf32, #tpu.memory_space<vmem>>, vector<1x16xf32>,
    %get3A_1154 = vector.shape_cast %get3A_1153 : vector<1x16xf32> to vector<16xf32>
    %eq3A_1155 = arith.constant 5 : i32
    %eq3A_1156 = vector.broadcast %eq3A_1155 : i32 to vector<16xi32>
    %eq3A_1157 = arith.cmpi eq, %get3A_1108, %eq3A_1156 : vector<16xi32>
    %select_n3A_1158 = arith.select %eq3A_1157, %get3A_1154, %select_n3A_1149 : vector<16xi1>, vector<16xf32>
    %get3A_1159 = arith.constant 12 : i32
    %get3A_1160 = arith.index_cast %get3A_1159 : i32 to index
    %get3A_1161 = arith.constant 96 : index
    %get3A_1162 = tpu.vector_load %arg8[%get3A_1160, %get3A_1161] {strides = array<i32>} : memref<32x128xf32, #tpu.memory_space<vmem>>, vector<1x16xf32>,
    %get3A_1163 = vector.shape_cast %get3A_1162 : vector<1x16xf32> to vector<16xf32>
    %eq3A_1164 = arith.constant 6 : i32
    %eq3A_1165 = vector.broadcast %eq3A_1164 : i32 to vector<16xi32>
    %eq3A_1166 = arith.cmpi eq, %get3A_1108, %eq3A_1165 : vector<16xi32>
    %select_n3A_1167 = arith.select %eq3A_1166, %get3A_1163, %select_n3A_1158 : vector<16xi1>, vector<16xf32>
    %get3A_1168 = arith.constant 12 : i32
    %get3A_1169 = arith.index_cast %get3A_1168 : i32 to index
    %get3A_1170 = arith.constant 112 : index
    %get3A_1171 = tpu.vector_load %arg8[%get3A_1169, %get3A_1170] {strides = array<i32>} : memref<32x128xf32, #tpu.memory_space<vmem>>, vector<1x16xf32>,
    %get3A_1172 = vector.shape_cast %get3A_1171 : vector<1x16xf32> to vector<16xf32>
    %eq3A_1173 = arith.constant 7 : i32
    %eq3A_1174 = vector.broadcast %eq3A_1173 : i32 to vector<16xi32>
    %eq3A_1175 = arith.cmpi eq, %get3A_1108, %eq3A_1174 : vector<16xi32>
    %select_n3A_1176 = arith.select %eq3A_1175, %get3A_1172, %select_n3A_1167 : vector<16xi1>, vector<16xf32>
    %swap3A_1177 = arith.constant 12 : i32
    %swap3A_1178 = arith.index_cast %swap3A_1177 : i32 to index
    %swap3A_1179 = arith.constant 0 : index
    %swap3A_1180 = tpu.vector_load %arg9[%swap3A_1178, %swap3A_1179] {strides = array<i32>} : memref<32x16xf32, #tpu.memory_space<vmem>>, vector<1x16xf32>,
    %swap3A_1181 = vector.shape_cast %swap3A_1180 : vector<1x16xf32> to vector<16xf32>
    %swap3A_1182 = vector.shape_cast %select_n3A_1176 : vector<16xf32> to vector<1x16xf32>
    tpu.vector_store %arg9[%swap3A_1178, %swap3A_1179], %swap3A_1182 {strides = array<i32>} : memref<32x16xf32, #tpu.memory_space<vmem>>, vector<1x16xf32>,
    %get3A_1183 = arith.constant 0 : index
    %get3A_1184 = tpu.vector_load %arg6[%get3A_1183] {strides = array<i32>} : memref<32xi32, #tpu.memory_space<vmem>>, vector<16xi32>,
    %get3A_1185 = vector.shape_cast %get3A_1184 : vector<16xi32> to vector<16xi32>
    %broadcast_in_dim3A_1186 = arith.constant 13 : i32
    %broadcast_in_dim3A_1187 = vector.broadcast %broadcast_in_dim3A_1186 : i32 to vector<16x1xi32>
    %gather3A_1188 = vector.shape_cast %broadcast_in_dim3A_1187 : vector<16x1xi32> to vector<16xi32>
    %gather3A_1189 = tpu.dynamic_gather %get3A_1185[%gather3A_1188] in [0] : vector<16xi32>, vector<16xi32> -> vector<16xi32>
    %swap3A_1190 = arith.constant 0 : index
    %swap3A_1191 = tpu.vector_load %arg7[%swap3A_1190] {strides = array<i32>} : memref<16xi32, #tpu.memory_space<vmem>>, vector<16xi32>,
    %swap3A_1192 = vector.shape_cast %swap3A_1191 : vector<16xi32> to vector<16xi32>
    %swap3A_1193 = vector.shape_cast %gather3A_1189 : vector<16xi32> to vector<16xi32>
    tpu.vector_store %arg7[%swap3A_1190], %swap3A_1193 {strides = array<i32>} : memref<16xi32, #tpu.memory_space<vmem>>, vector<16xi32>,
    %get3A_1194 = arith.constant 0 : index
    %get3A_1195 = tpu.vector_load %arg7[%get3A_1194] {strides = array<i32>} : memref<16xi32, #tpu.memory_space<vmem>>, vector<16xi32>,
    %get3A_1196 = vector.shape_cast %get3A_1195 : vector<16xi32> to vector<16xi32>
    %get3A_1197 = arith.constant 13 : i32
    %get3A_1198 = arith.index_cast %get3A_1197 : i32 to index
    %get3A_1199 = arith.constant 0 : index
    %get3A_1200 = tpu.vector_load %arg8[%get3A_1198, %get3A_1199] {strides = array<i32>} : memref<32x128xf32, #tpu.memory_space<vmem>>, vector<1x16xf32>,
    %get3A_1201 = vector.shape_cast %get3A_1200 : vector<1x16xf32> to vector<16xf32>
    %get3A_1202 = arith.constant 13 : i32
    %get3A_1203 = arith.index_cast %get3A_1202 : i32 to index
    %get3A_1204 = arith.constant 16 : index
    %get3A_1205 = tpu.vector_load %arg8[%get3A_1203, %get3A_1204] {strides = array<i32>} : memref<32x128xf32, #tpu.memory_space<vmem>>, vector<1x16xf32>,
    %get3A_1206 = vector.shape_cast %get3A_1205 : vector<1x16xf32> to vector<16xf32>
    %eq3A_1207 = arith.constant 1 : i32
    %eq3A_1208 = vector.broadcast %eq3A_1207 : i32 to vector<16xi32>
    %eq3A_1209 = arith.cmpi eq, %get3A_1196, %eq3A_1208 : vector<16xi32>
    %select_n3A_1210 = arith.select %eq3A_1209, %get3A_1206, %get3A_1201 : vector<16xi1>, vector<16xf32>
    %get3A_1211 = arith.constant 13 : i32
    %get3A_1212 = arith.index_cast %get3A_1211 : i32 to index
    %get3A_1213 = arith.constant 32 : index
    %get3A_1214 = tpu.vector_load %arg8[%get3A_1212, %get3A_1213] {strides = array<i32>} : memref<32x128xf32, #tpu.memory_space<vmem>>, vector<1x16xf32>,
    %get3A_1215 = vector.shape_cast %get3A_1214 : vector<1x16xf32> to vector<16xf32>
    %eq3A_1216 = arith.constant 2 : i32
    %eq3A_1217 = vector.broadcast %eq3A_1216 : i32 to vector<16xi32>
    %eq3A_1218 = arith.cmpi eq, %get3A_1196, %eq3A_1217 : vector<16xi32>
    %select_n3A_1219 = arith.select %eq3A_1218, %get3A_1215, %select_n3A_1210 : vector<16xi1>, vector<16xf32>
    %get3A_1220 = arith.constant 13 : i32
    %get3A_1221 = arith.index_cast %get3A_1220 : i32 to index
    %get3A_1222 = arith.constant 48 : index
    %get3A_1223 = tpu.vector_load %arg8[%get3A_1221, %get3A_1222] {strides = array<i32>} : memref<32x128xf32, #tpu.memory_space<vmem>>, vector<1x16xf32>,
    %get3A_1224 = vector.shape_cast %get3A_1223 : vector<1x16xf32> to vector<16xf32>
    %eq3A_1225 = arith.constant 3 : i32
    %eq3A_1226 = vector.broadcast %eq3A_1225 : i32 to vector<16xi32>
    %eq3A_1227 = arith.cmpi eq, %get3A_1196, %eq3A_1226 : vector<16xi32>
    %select_n3A_1228 = arith.select %eq3A_1227, %get3A_1224, %select_n3A_1219 : vector<16xi1>, vector<16xf32>
    %get3A_1229 = arith.constant 13 : i32
    %get3A_1230 = arith.index_cast %get3A_1229 : i32 to index
    %get3A_1231 = arith.constant 64 : index
    %get3A_1232 = tpu.vector_load %arg8[%get3A_1230, %get3A_1231] {strides = array<i32>} : memref<32x128xf32, #tpu.memory_space<vmem>>, vector<1x16xf32>,
    %get3A_1233 = vector.shape_cast %get3A_1232 : vector<1x16xf32> to vector<16xf32>
    %eq3A_1234 = arith.constant 4 : i32
    %eq3A_1235 = vector.broadcast %eq3A_1234 : i32 to vector<16xi32>
    %eq3A_1236 = arith.cmpi eq, %get3A_1196, %eq3A_1235 : vector<16xi32>
    %select_n3A_1237 = arith.select %eq3A_1236, %get3A_1233, %select_n3A_1228 : vector<16xi1>, vector<16xf32>
    %get3A_1238 = arith.constant 13 : i32
    %get3A_1239 = arith.index_cast %get3A_1238 : i32 to index
    %get3A_1240 = arith.constant 80 : index
    %get3A_1241 = tpu.vector_load %arg8[%get3A_1239, %get3A_1240] {strides = array<i32>} : memref<32x128xf32, #tpu.memory_space<vmem>>, vector<1x16xf32>,
    %get3A_1242 = vector.shape_cast %get3A_1241 : vector<1x16xf32> to vector<16xf32>
    %eq3A_1243 = arith.constant 5 : i32
    %eq3A_1244 = vector.broadcast %eq3A_1243 : i32 to vector<16xi32>
    %eq3A_1245 = arith.cmpi eq, %get3A_1196, %eq3A_1244 : vector<16xi32>
    %select_n3A_1246 = arith.select %eq3A_1245, %get3A_1242, %select_n3A_1237 : vector<16xi1>, vector<16xf32>
    %get3A_1247 = arith.constant 13 : i32
    %get3A_1248 = arith.index_cast %get3A_1247 : i32 to index
    %get3A_1249 = arith.constant 96 : index
    %get3A_1250 = tpu.vector_load %arg8[%get3A_1248, %get3A_1249] {strides = array<i32>} : memref<32x128xf32, #tpu.memory_space<vmem>>, vector<1x16xf32>,
    %get3A_1251 = vector.shape_cast %get3A_1250 : vector<1x16xf32> to vector<16xf32>
    %eq3A_1252 = arith.constant 6 : i32
    %eq3A_1253 = vector.broadcast %eq3A_1252 : i32 to vector<16xi32>
    %eq3A_1254 = arith.cmpi eq, %get3A_1196, %eq3A_1253 : vector<16xi32>
    %select_n3A_1255 = arith.select %eq3A_1254, %get3A_1251, %select_n3A_1246 : vector<16xi1>, vector<16xf32>
    %get3A_1256 = arith.constant 13 : i32
    %get3A_1257 = arith.index_cast %get3A_1256 : i32 to index
    %get3A_1258 = arith.constant 112 : index
    %get3A_1259 = tpu.vector_load %arg8[%get3A_1257, %get3A_1258] {strides = array<i32>} : memref<32x128xf32, #tpu.memory_space<vmem>>, vector<1x16xf32>,
    %get3A_1260 = vector.shape_cast %get3A_1259 : vector<1x16xf32> to vector<16xf32>
    %eq3A_1261 = arith.constant 7 : i32
    %eq3A_1262 = vector.broadcast %eq3A_1261 : i32 to vector<16xi32>
    %eq3A_1263 = arith.cmpi eq, %get3A_1196, %eq3A_1262 : vector<16xi32>
    %select_n3A_1264 = arith.select %eq3A_1263, %get3A_1260, %select_n3A_1255 : vector<16xi1>, vector<16xf32>
    %swap3A_1265 = arith.constant 13 : i32
    %swap3A_1266 = arith.index_cast %swap3A_1265 : i32 to index
    %swap3A_1267 = arith.constant 0 : index
    %swap3A_1268 = tpu.vector_load %arg9[%swap3A_1266, %swap3A_1267] {strides = array<i32>} : memref<32x16xf32, #tpu.memory_space<vmem>>, vector<1x16xf32>,
    %swap3A_1269 = vector.shape_cast %swap3A_1268 : vector<1x16xf32> to vector<16xf32>
    %swap3A_1270 = vector.shape_cast %select_n3A_1264 : vector<16xf32> to vector<1x16xf32>
    tpu.vector_store %arg9[%swap3A_1266, %swap3A_1267], %swap3A_1270 {strides = array<i32>} : memref<32x16xf32, #tpu.memory_space<vmem>>, vector<1x16xf32>,
    %get3A_1271 = arith.constant 0 : index
    %get3A_1272 = tpu.vector_load %arg6[%get3A_1271] {strides = array<i32>} : memref<32xi32, #tpu.memory_space<vmem>>, vector<16xi32>,
    %get3A_1273 = vector.shape_cast %get3A_1272 : vector<16xi32> to vector<16xi32>
    %broadcast_in_dim3A_1274 = arith.constant 14 : i32
    %broadcast_in_dim3A_1275 = vector.broadcast %broadcast_in_dim3A_1274 : i32 to vector<16x1xi32>
    %gather3A_1276 = vector.shape_cast %broadcast_in_dim3A_1275 : vector<16x1xi32> to vector<16xi32>
    %gather3A_1277 = tpu.dynamic_gather %get3A_1273[%gather3A_1276] in [0] : vector<16xi32>, vector<16xi32> -> vector<16xi32>
    %swap3A_1278 = arith.constant 0 : index
    %swap3A_1279 = tpu.vector_load %arg7[%swap3A_1278] {strides = array<i32>} : memref<16xi32, #tpu.memory_space<vmem>>, vector<16xi32>,
    %swap3A_1280 = vector.shape_cast %swap3A_1279 : vector<16xi32> to vector<16xi32>
    %swap3A_1281 = vector.shape_cast %gather3A_1277 : vector<16xi32> to vector<16xi32>
    tpu.vector_store %arg7[%swap3A_1278], %swap3A_1281 {strides = array<i32>} : memref<16xi32, #tpu.memory_space<vmem>>, vector<16xi32>,
    %get3A_1282 = arith.constant 0 : index
    %get3A_1283 = tpu.vector_load %arg7[%get3A_1282] {strides = array<i32>} : memref<16xi32, #tpu.memory_space<vmem>>, vector<16xi32>,
    %get3A_1284 = vector.shape_cast %get3A_1283 : vector<16xi32> to vector<16xi32>
    %get3A_1285 = arith.constant 14 : i32
    %get3A_1286 = arith.index_cast %get3A_1285 : i32 to index
    %get3A_1287 = arith.constant 0 : index
    %get3A_1288 = tpu.vector_load %arg8[%get3A_1286, %get3A_1287] {strides = array<i32>} : memref<32x128xf32, #tpu.memory_space<vmem>>, vector<1x16xf32>,
    %get3A_1289 = vector.shape_cast %get3A_1288 : vector<1x16xf32> to vector<16xf32>
    %get3A_1290 = arith.constant 14 : i32
    %get3A_1291 = arith.index_cast %get3A_1290 : i32 to index
    %get3A_1292 = arith.constant 16 : index
    %get3A_1293 = tpu.vector_load %arg8[%get3A_1291, %get3A_1292] {strides = array<i32>} : memref<32x128xf32, #tpu.memory_space<vmem>>, vector<1x16xf32>,
    %get3A_1294 = vector.shape_cast %get3A_1293 : vector<1x16xf32> to vector<16xf32>
    %eq3A_1295 = arith.constant 1 : i32
    %eq3A_1296 = vector.broadcast %eq3A_1295 : i32 to vector<16xi32>
    %eq3A_1297 = arith.cmpi eq, %get3A_1284, %eq3A_1296 : vector<16xi32>
    %select_n3A_1298 = arith.select %eq3A_1297, %get3A_1294, %get3A_1289 : vector<16xi1>, vector<16xf32>
    %get3A_1299 = arith.constant 14 : i32
    %get3A_1300 = arith.index_cast %get3A_1299 : i32 to index
    %get3A_1301 = arith.constant 32 : index
    %get3A_1302 = tpu.vector_load %arg8[%get3A_1300, %get3A_1301] {strides = array<i32>} : memref<32x128xf32, #tpu.memory_space<vmem>>, vector<1x16xf32>,
    %get3A_1303 = vector.shape_cast %get3A_1302 : vector<1x16xf32> to vector<16xf32>
    %eq3A_1304 = arith.constant 2 : i32
    %eq3A_1305 = vector.broadcast %eq3A_1304 : i32 to vector<16xi32>
    %eq3A_1306 = arith.cmpi eq, %get3A_1284, %eq3A_1305 : vector<16xi32>
    %select_n3A_1307 = arith.select %eq3A_1306, %get3A_1303, %select_n3A_1298 : vector<16xi1>, vector<16xf32>
    %get3A_1308 = arith.constant 14 : i32
    %get3A_1309 = arith.index_cast %get3A_1308 : i32 to index
    %get3A_1310 = arith.constant 48 : index
    %get3A_1311 = tpu.vector_load %arg8[%get3A_1309, %get3A_1310] {strides = array<i32>} : memref<32x128xf32, #tpu.memory_space<vmem>>, vector<1x16xf32>,
    %get3A_1312 = vector.shape_cast %get3A_1311 : vector<1x16xf32> to vector<16xf32>
    %eq3A_1313 = arith.constant 3 : i32
    %eq3A_1314 = vector.broadcast %eq3A_1313 : i32 to vector<16xi32>
    %eq3A_1315 = arith.cmpi eq, %get3A_1284, %eq3A_1314 : vector<16xi32>
    %select_n3A_1316 = arith.select %eq3A_1315, %get3A_1312, %select_n3A_1307 : vector<16xi1>, vector<16xf32>
    %get3A_1317 = arith.constant 14 : i32
    %get3A_1318 = arith.index_cast %get3A_1317 : i32 to index
    %get3A_1319 = arith.constant 64 : index
    %get3A_1320 = tpu.vector_load %arg8[%get3A_1318, %get3A_1319] {strides = array<i32>} : memref<32x128xf32, #tpu.memory_space<vmem>>, vector<1x16xf32>,
    %get3A_1321 = vector.shape_cast %get3A_1320 : vector<1x16xf32> to vector<16xf32>
    %eq3A_1322 = arith.constant 4 : i32
    %eq3A_1323 = vector.broadcast %eq3A_1322 : i32 to vector<16xi32>
    %eq3A_1324 = arith.cmpi eq, %get3A_1284, %eq3A_1323 : vector<16xi32>
    %select_n3A_1325 = arith.select %eq3A_1324, %get3A_1321, %select_n3A_1316 : vector<16xi1>, vector<16xf32>
    %get3A_1326 = arith.constant 14 : i32
    %get3A_1327 = arith.index_cast %get3A_1326 : i32 to index
    %get3A_1328 = arith.constant 80 : index
    %get3A_1329 = tpu.vector_load %arg8[%get3A_1327, %get3A_1328] {strides = array<i32>} : memref<32x128xf32, #tpu.memory_space<vmem>>, vector<1x16xf32>,
    %get3A_1330 = vector.shape_cast %get3A_1329 : vector<1x16xf32> to vector<16xf32>
    %eq3A_1331 = arith.constant 5 : i32
    %eq3A_1332 = vector.broadcast %eq3A_1331 : i32 to vector<16xi32>
    %eq3A_1333 = arith.cmpi eq, %get3A_1284, %eq3A_1332 : vector<16xi32>
    %select_n3A_1334 = arith.select %eq3A_1333, %get3A_1330, %select_n3A_1325 : vector<16xi1>, vector<16xf32>
    %get3A_1335 = arith.constant 14 : i32
    %get3A_1336 = arith.index_cast %get3A_1335 : i32 to index
    %get3A_1337 = arith.constant 96 : index
    %get3A_1338 = tpu.vector_load %arg8[%get3A_1336, %get3A_1337] {strides = array<i32>} : memref<32x128xf32, #tpu.memory_space<vmem>>, vector<1x16xf32>,
    %get3A_1339 = vector.shape_cast %get3A_1338 : vector<1x16xf32> to vector<16xf32>
    %eq3A_1340 = arith.constant 6 : i32
    %eq3A_1341 = vector.broadcast %eq3A_1340 : i32 to vector<16xi32>
    %eq3A_1342 = arith.cmpi eq, %get3A_1284, %eq3A_1341 : vector<16xi32>
    %select_n3A_1343 = arith.select %eq3A_1342, %get3A_1339, %select_n3A_1334 : vector<16xi1>, vector<16xf32>
    %get3A_1344 = arith.constant 14 : i32
    %get3A_1345 = arith.index_cast %get3A_1344 : i32 to index
    %get3A_1346 = arith.constant 112 : index
    %get3A_1347 = tpu.vector_load %arg8[%get3A_1345, %get3A_1346] {strides = array<i32>} : memref<32x128xf32, #tpu.memory_space<vmem>>, vector<1x16xf32>,
    %get3A_1348 = vector.shape_cast %get3A_1347 : vector<1x16xf32> to vector<16xf32>
    %eq3A_1349 = arith.constant 7 : i32
    %eq3A_1350 = vector.broadcast %eq3A_1349 : i32 to vector<16xi32>
    %eq3A_1351 = arith.cmpi eq, %get3A_1284, %eq3A_1350 : vector<16xi32>
    %select_n3A_1352 = arith.select %eq3A_1351, %get3A_1348, %select_n3A_1343 : vector<16xi1>, vector<16xf32>
    %swap3A_1353 = arith.constant 14 : i32
    %swap3A_1354 = arith.index_cast %swap3A_1353 : i32 to index
    %swap3A_1355 = arith.constant 0 : index
    %swap3A_1356 = tpu.vector_load %arg9[%swap3A_1354, %swap3A_1355] {strides = array<i32>} : memref<32x16xf32, #tpu.memory_space<vmem>>, vector<1x16xf32>,
    %swap3A_1357 = vector.shape_cast %swap3A_1356 : vector<1x16xf32> to vector<16xf32>
    %swap3A_1358 = vector.shape_cast %select_n3A_1352 : vector<16xf32> to vector<1x16xf32>
    tpu.vector_store %arg9[%swap3A_1354, %swap3A_1355], %swap3A_1358 {strides = array<i32>} : memref<32x16xf32, #tpu.memory_space<vmem>>, vector<1x16xf32>,
    %get3A_1359 = arith.constant 0 : index
    %get3A_1360 = tpu.vector_load %arg6[%get3A_1359] {strides = array<i32>} : memref<32xi32, #tpu.memory_space<vmem>>, vector<16xi32>,
    %get3A_1361 = vector.shape_cast %get3A_1360 : vector<16xi32> to vector<16xi32>
    %broadcast_in_dim3A_1362 = arith.constant 15 : i32
    %broadcast_in_dim3A_1363 = vector.broadcast %broadcast_in_dim3A_1362 : i32 to vector<16x1xi32>
    %gather3A_1364 = vector.shape_cast %broadcast_in_dim3A_1363 : vector<16x1xi32> to vector<16xi32>
    %gather3A_1365 = tpu.dynamic_gather %get3A_1361[%gather3A_1364] in [0] : vector<16xi32>, vector<16xi32> -> vector<16xi32>
    %swap3A_1366 = arith.constant 0 : index
    %swap3A_1367 = tpu.vector_load %arg7[%swap3A_1366] {strides = array<i32>} : memref<16xi32, #tpu.memory_space<vmem>>, vector<16xi32>,
    %swap3A_1368 = vector.shape_cast %swap3A_1367 : vector<16xi32> to vector<16xi32>
    %swap3A_1369 = vector.shape_cast %gather3A_1365 : vector<16xi32> to vector<16xi32>
    tpu.vector_store %arg7[%swap3A_1366], %swap3A_1369 {strides = array<i32>} : memref<16xi32, #tpu.memory_space<vmem>>, vector<16xi32>,
    %get3A_1370 = arith.constant 0 : index
    %get3A_1371 = tpu.vector_load %arg7[%get3A_1370] {strides = array<i32>} : memref<16xi32, #tpu.memory_space<vmem>>, vector<16xi32>,
    %get3A_1372 = vector.shape_cast %get3A_1371 : vector<16xi32> to vector<16xi32>
    %get3A_1373 = arith.constant 15 : i32
    %get3A_1374 = arith.index_cast %get3A_1373 : i32 to index
    %get3A_1375 = arith.constant 0 : index
    %get3A_1376 = tpu.vector_load %arg8[%get3A_1374, %get3A_1375] {strides = array<i32>} : memref<32x128xf32, #tpu.memory_space<vmem>>, vector<1x16xf32>,
    %get3A_1377 = vector.shape_cast %get3A_1376 : vector<1x16xf32> to vector<16xf32>
    %get3A_1378 = arith.constant 15 : i32
    %get3A_1379 = arith.index_cast %get3A_1378 : i32 to index
    %get3A_1380 = arith.constant 16 : index
    %get3A_1381 = tpu.vector_load %arg8[%get3A_1379, %get3A_1380] {strides = array<i32>} : memref<32x128xf32, #tpu.memory_space<vmem>>, vector<1x16xf32>,
    %get3A_1382 = vector.shape_cast %get3A_1381 : vector<1x16xf32> to vector<16xf32>
    %eq3A_1383 = arith.constant 1 : i32
    %eq3A_1384 = vector.broadcast %eq3A_1383 : i32 to vector<16xi32>
    %eq3A_1385 = arith.cmpi eq, %get3A_1372, %eq3A_1384 : vector<16xi32>
    %select_n3A_1386 = arith.select %eq3A_1385, %get3A_1382, %get3A_1377 : vector<16xi1>, vector<16xf32>
    %get3A_1387 = arith.constant 15 : i32
    %get3A_1388 = arith.index_cast %get3A_1387 : i32 to index
    %get3A_1389 = arith.constant 32 : index
    %get3A_1390 = tpu.vector_load %arg8[%get3A_1388, %get3A_1389] {strides = array<i32>} : memref<32x128xf32, #tpu.memory_space<vmem>>, vector<1x16xf32>,
    %get3A_1391 = vector.shape_cast %get3A_1390 : vector<1x16xf32> to vector<16xf32>
    %eq3A_1392 = arith.constant 2 : i32
    %eq3A_1393 = vector.broadcast %eq3A_1392 : i32 to vector<16xi32>
    %eq3A_1394 = arith.cmpi eq, %get3A_1372, %eq3A_1393 : vector<16xi32>
    %select_n3A_1395 = arith.select %eq3A_1394, %get3A_1391, %select_n3A_1386 : vector<16xi1>, vector<16xf32>
    %get3A_1396 = arith.constant 15 : i32
    %get3A_1397 = arith.index_cast %get3A_1396 : i32 to index
    %get3A_1398 = arith.constant 48 : index
    %get3A_1399 = tpu.vector_load %arg8[%get3A_1397, %get3A_1398] {strides = array<i32>} : memref<32x128xf32, #tpu.memory_space<vmem>>, vector<1x16xf32>,
    %get3A_1400 = vector.shape_cast %get3A_1399 : vector<1x16xf32> to vector<16xf32>
    %eq3A_1401 = arith.constant 3 : i32
    %eq3A_1402 = vector.broadcast %eq3A_1401 : i32 to vector<16xi32>
    %eq3A_1403 = arith.cmpi eq, %get3A_1372, %eq3A_1402 : vector<16xi32>
    %select_n3A_1404 = arith.select %eq3A_1403, %get3A_1400, %select_n3A_1395 : vector<16xi1>, vector<16xf32>
    %get3A_1405 = arith.constant 15 : i32
    %get3A_1406 = arith.index_cast %get3A_1405 : i32 to index
    %get3A_1407 = arith.constant 64 : index
    %get3A_1408 = tpu.vector_load %arg8[%get3A_1406, %get3A_1407] {strides = array<i32>} : memref<32x128xf32, #tpu.memory_space<vmem>>, vector<1x16xf32>,
    %get3A_1409 = vector.shape_cast %get3A_1408 : vector<1x16xf32> to vector<16xf32>
    %eq3A_1410 = arith.constant 4 : i32
    %eq3A_1411 = vector.broadcast %eq3A_1410 : i32 to vector<16xi32>
    %eq3A_1412 = arith.cmpi eq, %get3A_1372, %eq3A_1411 : vector<16xi32>
    %select_n3A_1413 = arith.select %eq3A_1412, %get3A_1409, %select_n3A_1404 : vector<16xi1>, vector<16xf32>
    %get3A_1414 = arith.constant 15 : i32
    %get3A_1415 = arith.index_cast %get3A_1414 : i32 to index
    %get3A_1416 = arith.constant 80 : index
    %get3A_1417 = tpu.vector_load %arg8[%get3A_1415, %get3A_1416] {strides = array<i32>} : memref<32x128xf32, #tpu.memory_space<vmem>>, vector<1x16xf32>,
    %get3A_1418 = vector.shape_cast %get3A_1417 : vector<1x16xf32> to vector<16xf32>
    %eq3A_1419 = arith.constant 5 : i32
    %eq3A_1420 = vector.broadcast %eq3A_1419 : i32 to vector<16xi32>
    %eq3A_1421 = arith.cmpi eq, %get3A_1372, %eq3A_1420 : vector<16xi32>
    %select_n3A_1422 = arith.select %eq3A_1421, %get3A_1418, %select_n3A_1413 : vector<16xi1>, vector<16xf32>
    %get3A_1423 = arith.constant 15 : i32
    %get3A_1424 = arith.index_cast %get3A_1423 : i32 to index
    %get3A_1425 = arith.constant 96 : index
    %get3A_1426 = tpu.vector_load %arg8[%get3A_1424, %get3A_1425] {strides = array<i32>} : memref<32x128xf32, #tpu.memory_space<vmem>>, vector<1x16xf32>,
    %get3A_1427 = vector.shape_cast %get3A_1426 : vector<1x16xf32> to vector<16xf32>
    %eq3A_1428 = arith.constant 6 : i32
    %eq3A_1429 = vector.broadcast %eq3A_1428 : i32 to vector<16xi32>
    %eq3A_1430 = arith.cmpi eq, %get3A_1372, %eq3A_1429 : vector<16xi32>
    %select_n3A_1431 = arith.select %eq3A_1430, %get3A_1427, %select_n3A_1422 : vector<16xi1>, vector<16xf32>
    %get3A_1432 = arith.constant 15 : i32
    %get3A_1433 = arith.index_cast %get3A_1432 : i32 to index
    %get3A_1434 = arith.constant 112 : index
    %get3A_1435 = tpu.vector_load %arg8[%get3A_1433, %get3A_1434] {strides = array<i32>} : memref<32x128xf32, #tpu.memory_space<vmem>>, vector<1x16xf32>,
    %get3A_1436 = vector.shape_cast %get3A_1435 : vector<1x16xf32> to vector<16xf32>
    %eq3A_1437 = arith.constant 7 : i32
    %eq3A_1438 = vector.broadcast %eq3A_1437 : i32 to vector<16xi32>
    %eq3A_1439 = arith.cmpi eq, %get3A_1372, %eq3A_1438 : vector<16xi32>
    %select_n3A_1440 = arith.select %eq3A_1439, %get3A_1436, %select_n3A_1431 : vector<16xi1>, vector<16xf32>
    %swap3A_1441 = arith.constant 15 : i32
    %swap3A_1442 = arith.index_cast %swap3A_1441 : i32 to index
    %swap3A_1443 = arith.constant 0 : index
    %swap3A_1444 = tpu.vector_load %arg9[%swap3A_1442, %swap3A_1443] {strides = array<i32>} : memref<32x16xf32, #tpu.memory_space<vmem>>, vector<1x16xf32>,
    %swap3A_1445 = vector.shape_cast %swap3A_1444 : vector<1x16xf32> to vector<16xf32>
    %swap3A_1446 = vector.shape_cast %select_n3A_1440 : vector<16xf32> to vector<1x16xf32>
    tpu.vector_store %arg9[%swap3A_1442, %swap3A_1443], %swap3A_1446 {strides = array<i32>} : memref<32x16xf32, #tpu.memory_space<vmem>>, vector<1x16xf32>,
    %get3A_1447 = arith.constant 16 : index
    %get3A_1448 = tpu.vector_load %arg6[%get3A_1447] {strides = array<i32>} : memref<32xi32, #tpu.memory_space<vmem>>, vector<16xi32>,
    %get3A_1449 = vector.shape_cast %get3A_1448 : vector<16xi32> to vector<16xi32>
    %broadcast_in_dim3A_1450 = arith.constant 0 : i32
    %broadcast_in_dim3A_1451 = vector.broadcast %broadcast_in_dim3A_1450 : i32 to vector<16x1xi32>
    %gather3A_1452 = vector.shape_cast %broadcast_in_dim3A_1451 : vector<16x1xi32> to vector<16xi32>
    %gather3A_1453 = tpu.dynamic_gather %get3A_1449[%gather3A_1452] in [0] : vector<16xi32>, vector<16xi32> -> vector<16xi32>
    %swap3A_1454 = arith.constant 0 : index
    %swap3A_1455 = tpu.vector_load %arg7[%swap3A_1454] {strides = array<i32>} : memref<16xi32, #tpu.memory_space<vmem>>, vector<16xi32>,
    %swap3A_1456 = vector.shape_cast %swap3A_1455 : vector<16xi32> to vector<16xi32>
    %swap3A_1457 = vector.shape_cast %gather3A_1453 : vector<16xi32> to vector<16xi32>
    tpu.vector_store %arg7[%swap3A_1454], %swap3A_1457 {strides = array<i32>} : memref<16xi32, #tpu.memory_space<vmem>>, vector<16xi32>,
    %get3A_1458 = arith.constant 0 : index
    %get3A_1459 = tpu.vector_load %arg7[%get3A_1458] {strides = array<i32>} : memref<16xi32, #tpu.memory_space<vmem>>, vector<16xi32>,
    %get3A_1460 = vector.shape_cast %get3A_1459 : vector<16xi32> to vector<16xi32>
    %get3A_1461 = arith.constant 16 : i32
    %get3A_1462 = arith.index_cast %get3A_1461 : i32 to index
    %get3A_1463 = arith.constant 0 : index
    %get3A_1464 = tpu.vector_load %arg8[%get3A_1462, %get3A_1463] {strides = array<i32>} : memref<32x128xf32, #tpu.memory_space<vmem>>, vector<1x16xf32>,
    %get3A_1465 = vector.shape_cast %get3A_1464 : vector<1x16xf32> to vector<16xf32>
    %get3A_1466 = arith.constant 16 : i32
    %get3A_1467 = arith.index_cast %get3A_1466 : i32 to index
    %get3A_1468 = arith.constant 16 : index
    %get3A_1469 = tpu.vector_load %arg8[%get3A_1467, %get3A_1468] {strides = array<i32>} : memref<32x128xf32, #tpu.memory_space<vmem>>, vector<1x16xf32>,
    %get3A_1470 = vector.shape_cast %get3A_1469 : vector<1x16xf32> to vector<16xf32>
    %eq3A_1471 = arith.constant 1 : i32
    %eq3A_1472 = vector.broadcast %eq3A_1471 : i32 to vector<16xi32>
    %eq3A_1473 = arith.cmpi eq, %get3A_1460, %eq3A_1472 : vector<16xi32>
    %select_n3A_1474 = arith.select %eq3A_1473, %get3A_1470, %get3A_1465 : vector<16xi1>, vector<16xf32>
    %get3A_1475 = arith.constant 16 : i32
    %get3A_1476 = arith.index_cast %get3A_1475 : i32 to index
    %get3A_1477 = arith.constant 32 : index
    %get3A_1478 = tpu.vector_load %arg8[%get3A_1476, %get3A_1477] {strides = array<i32>} : memref<32x128xf32, #tpu.memory_space<vmem>>, vector<1x16xf32>,
    %get3A_1479 = vector.shape_cast %get3A_1478 : vector<1x16xf32> to vector<16xf32>
    %eq3A_1480 = arith.constant 2 : i32
    %eq3A_1481 = vector.broadcast %eq3A_1480 : i32 to vector<16xi32>
    %eq3A_1482 = arith.cmpi eq, %get3A_1460, %eq3A_1481 : vector<16xi32>
    %select_n3A_1483 = arith.select %eq3A_1482, %get3A_1479, %select_n3A_1474 : vector<16xi1>, vector<16xf32>
    %get3A_1484 = arith.constant 16 : i32
    %get3A_1485 = arith.index_cast %get3A_1484 : i32 to index
    %get3A_1486 = arith.constant 48 : index
    %get3A_1487 = tpu.vector_load %arg8[%get3A_1485, %get3A_1486] {strides = array<i32>} : memref<32x128xf32, #tpu.memory_space<vmem>>, vector<1x16xf32>,
    %get3A_1488 = vector.shape_cast %get3A_1487 : vector<1x16xf32> to vector<16xf32>
    %eq3A_1489 = arith.constant 3 : i32
    %eq3A_1490 = vector.broadcast %eq3A_1489 : i32 to vector<16xi32>
    %eq3A_1491 = arith.cmpi eq, %get3A_1460, %eq3A_1490 : vector<16xi32>
    %select_n3A_1492 = arith.select %eq3A_1491, %get3A_1488, %select_n3A_1483 : vector<16xi1>, vector<16xf32>
    %get3A_1493 = arith.constant 16 : i32
    %get3A_1494 = arith.index_cast %get3A_1493 : i32 to index
    %get3A_1495 = arith.constant 64 : index
    %get3A_1496 = tpu.vector_load %arg8[%get3A_1494, %get3A_1495] {strides = array<i32>} : memref<32x128xf32, #tpu.memory_space<vmem>>, vector<1x16xf32>,
    %get3A_1497 = vector.shape_cast %get3A_1496 : vector<1x16xf32> to vector<16xf32>
    %eq3A_1498 = arith.constant 4 : i32
    %eq3A_1499 = vector.broadcast %eq3A_1498 : i32 to vector<16xi32>
    %eq3A_1500 = arith.cmpi eq, %get3A_1460, %eq3A_1499 : vector<16xi32>
    %select_n3A_1501 = arith.select %eq3A_1500, %get3A_1497, %select_n3A_1492 : vector<16xi1>, vector<16xf32>
    %get3A_1502 = arith.constant 16 : i32
    %get3A_1503 = arith.index_cast %get3A_1502 : i32 to index
    %get3A_1504 = arith.constant 80 : index
    %get3A_1505 = tpu.vector_load %arg8[%get3A_1503, %get3A_1504] {strides = array<i32>} : memref<32x128xf32, #tpu.memory_space<vmem>>, vector<1x16xf32>,
    %get3A_1506 = vector.shape_cast %get3A_1505 : vector<1x16xf32> to vector<16xf32>
    %eq3A_1507 = arith.constant 5 : i32
    %eq3A_1508 = vector.broadcast %eq3A_1507 : i32 to vector<16xi32>
    %eq3A_1509 = arith.cmpi eq, %get3A_1460, %eq3A_1508 : vector<16xi32>
    %select_n3A_1510 = arith.select %eq3A_1509, %get3A_1506, %select_n3A_1501 : vector<16xi1>, vector<16xf32>
    %get3A_1511 = arith.constant 16 : i32
    %get3A_1512 = arith.index_cast %get3A_1511 : i32 to index
    %get3A_1513 = arith.constant 96 : index
    %get3A_1514 = tpu.vector_load %arg8[%get3A_1512, %get3A_1513] {strides = array<i32>} : memref<32x128xf32, #tpu.memory_space<vmem>>, vector<1x16xf32>,
    %get3A_1515 = vector.shape_cast %get3A_1514 : vector<1x16xf32> to vector<16xf32>
    %eq3A_1516 = arith.constant 6 : i32
    %eq3A_1517 = vector.broadcast %eq3A_1516 : i32 to vector<16xi32>
    %eq3A_1518 = arith.cmpi eq, %get3A_1460, %eq3A_1517 : vector<16xi32>
    %select_n3A_1519 = arith.select %eq3A_1518, %get3A_1515, %select_n3A_1510 : vector<16xi1>, vector<16xf32>
    %get3A_1520 = arith.constant 16 : i32
    %get3A_1521 = arith.index_cast %get3A_1520 : i32 to index
    %get3A_1522 = arith.constant 112 : index
    %get3A_1523 = tpu.vector_load %arg8[%get3A_1521, %get3A_1522] {strides = array<i32>} : memref<32x128xf32, #tpu.memory_space<vmem>>, vector<1x16xf32>,
    %get3A_1524 = vector.shape_cast %get3A_1523 : vector<1x16xf32> to vector<16xf32>
    %eq3A_1525 = arith.constant 7 : i32
    %eq3A_1526 = vector.broadcast %eq3A_1525 : i32 to vector<16xi32>
    %eq3A_1527 = arith.cmpi eq, %get3A_1460, %eq3A_1526 : vector<16xi32>
    %select_n3A_1528 = arith.select %eq3A_1527, %get3A_1524, %select_n3A_1519 : vector<16xi1>, vector<16xf32>
    %swap3A_1529 = arith.constant 16 : i32
    %swap3A_1530 = arith.index_cast %swap3A_1529 : i32 to index
    %swap3A_1531 = arith.constant 0 : index
    %swap3A_1532 = tpu.vector_load %arg9[%swap3A_1530, %swap3A_1531] {strides = array<i32>} : memref<32x16xf32, #tpu.memory_space<vmem>>, vector<1x16xf32>,
    %swap3A_1533 = vector.shape_cast %swap3A_1532 : vector<1x16xf32> to vector<16xf32>
    %swap3A_1534 = vector.shape_cast %select_n3A_1528 : vector<16xf32> to vector<1x16xf32>
    tpu.vector_store %arg9[%swap3A_1530, %swap3A_1531], %swap3A_1534 {strides = array<i32>} : memref<32x16xf32, #tpu.memory_space<vmem>>, vector<1x16xf32>,
    %get3A_1535 = arith.constant 16 : index
    %get3A_1536 = tpu.vector_load %arg6[%get3A_1535] {strides = array<i32>} : memref<32xi32, #tpu.memory_space<vmem>>, vector<16xi32>,
    %get3A_1537 = vector.shape_cast %get3A_1536 : vector<16xi32> to vector<16xi32>
    %broadcast_in_dim3A_1538 = arith.constant 1 : i32
    %broadcast_in_dim3A_1539 = vector.broadcast %broadcast_in_dim3A_1538 : i32 to vector<16x1xi32>
    %gather3A_1540 = vector.shape_cast %broadcast_in_dim3A_1539 : vector<16x1xi32> to vector<16xi32>
    %gather3A_1541 = tpu.dynamic_gather %get3A_1537[%gather3A_1540] in [0] : vector<16xi32>, vector<16xi32> -> vector<16xi32>
    %swap3A_1542 = arith.constant 0 : index
    %swap3A_1543 = tpu.vector_load %arg7[%swap3A_1542] {strides = array<i32>} : memref<16xi32, #tpu.memory_space<vmem>>, vector<16xi32>,
    %swap3A_1544 = vector.shape_cast %swap3A_1543 : vector<16xi32> to vector<16xi32>
    %swap3A_1545 = vector.shape_cast %gather3A_1541 : vector<16xi32> to vector<16xi32>
    tpu.vector_store %arg7[%swap3A_1542], %swap3A_1545 {strides = array<i32>} : memref<16xi32, #tpu.memory_space<vmem>>, vector<16xi32>,
    %get3A_1546 = arith.constant 0 : index
    %get3A_1547 = tpu.vector_load %arg7[%get3A_1546] {strides = array<i32>} : memref<16xi32, #tpu.memory_space<vmem>>, vector<16xi32>,
    %get3A_1548 = vector.shape_cast %get3A_1547 : vector<16xi32> to vector<16xi32>
    %get3A_1549 = arith.constant 17 : i32
    %get3A_1550 = arith.index_cast %get3A_1549 : i32 to index
    %get3A_1551 = arith.constant 0 : index
    %get3A_1552 = tpu.vector_load %arg8[%get3A_1550, %get3A_1551] {strides = array<i32>} : memref<32x128xf32, #tpu.memory_space<vmem>>, vector<1x16xf32>,
    %get3A_1553 = vector.shape_cast %get3A_1552 : vector<1x16xf32> to vector<16xf32>
    %get3A_1554 = arith.constant 17 : i32
    %get3A_1555 = arith.index_cast %get3A_1554 : i32 to index
    %get3A_1556 = arith.constant 16 : index
    %get3A_1557 = tpu.vector_load %arg8[%get3A_1555, %get3A_1556] {strides = array<i32>} : memref<32x128xf32, #tpu.memory_space<vmem>>, vector<1x16xf32>,
    %get3A_1558 = vector.shape_cast %get3A_1557 : vector<1x16xf32> to vector<16xf32>
    %eq3A_1559 = arith.constant 1 : i32
    %eq3A_1560 = vector.broadcast %eq3A_1559 : i32 to vector<16xi32>
    %eq3A_1561 = arith.cmpi eq, %get3A_1548, %eq3A_1560 : vector<16xi32>
    %select_n3A_1562 = arith.select %eq3A_1561, %get3A_1558, %get3A_1553 : vector<16xi1>, vector<16xf32>
    %get3A_1563 = arith.constant 17 : i32
    %get3A_1564 = arith.index_cast %get3A_1563 : i32 to index
    %get3A_1565 = arith.constant 32 : index
    %get3A_1566 = tpu.vector_load %arg8[%get3A_1564, %get3A_1565] {strides = array<i32>} : memref<32x128xf32, #tpu.memory_space<vmem>>, vector<1x16xf32>,
    %get3A_1567 = vector.shape_cast %get3A_1566 : vector<1x16xf32> to vector<16xf32>
    %eq3A_1568 = arith.constant 2 : i32
    %eq3A_1569 = vector.broadcast %eq3A_1568 : i32 to vector<16xi32>
    %eq3A_1570 = arith.cmpi eq, %get3A_1548, %eq3A_1569 : vector<16xi32>
    %select_n3A_1571 = arith.select %eq3A_1570, %get3A_1567, %select_n3A_1562 : vector<16xi1>, vector<16xf32>
    %get3A_1572 = arith.constant 17 : i32
    %get3A_1573 = arith.index_cast %get3A_1572 : i32 to index
    %get3A_1574 = arith.constant 48 : index
    %get3A_1575 = tpu.vector_load %arg8[%get3A_1573, %get3A_1574] {strides = array<i32>} : memref<32x128xf32, #tpu.memory_space<vmem>>, vector<1x16xf32>,
    %get3A_1576 = vector.shape_cast %get3A_1575 : vector<1x16xf32> to vector<16xf32>
    %eq3A_1577 = arith.constant 3 : i32
    %eq3A_1578 = vector.broadcast %eq3A_1577 : i32 to vector<16xi32>
    %eq3A_1579 = arith.cmpi eq, %get3A_1548, %eq3A_1578 : vector<16xi32>
    %select_n3A_1580 = arith.select %eq3A_1579, %get3A_1576, %select_n3A_1571 : vector<16xi1>, vector<16xf32>
    %get3A_1581 = arith.constant 17 : i32
    %get3A_1582 = arith.index_cast %get3A_1581 : i32 to index
    %get3A_1583 = arith.constant 64 : index
    %get3A_1584 = tpu.vector_load %arg8[%get3A_1582, %get3A_1583] {strides = array<i32>} : memref<32x128xf32, #tpu.memory_space<vmem>>, vector<1x16xf32>,
    %get3A_1585 = vector.shape_cast %get3A_1584 : vector<1x16xf32> to vector<16xf32>
    %eq3A_1586 = arith.constant 4 : i32
    %eq3A_1587 = vector.broadcast %eq3A_1586 : i32 to vector<16xi32>
    %eq3A_1588 = arith.cmpi eq, %get3A_1548, %eq3A_1587 : vector<16xi32>
    %select_n3A_1589 = arith.select %eq3A_1588, %get3A_1585, %select_n3A_1580 : vector<16xi1>, vector<16xf32>
    %get3A_1590 = arith.constant 17 : i32
    %get3A_1591 = arith.index_cast %get3A_1590 : i32 to index
    %get3A_1592 = arith.constant 80 : index
    %get3A_1593 = tpu.vector_load %arg8[%get3A_1591, %get3A_1592] {strides = array<i32>} : memref<32x128xf32, #tpu.memory_space<vmem>>, vector<1x16xf32>,
    %get3A_1594 = vector.shape_cast %get3A_1593 : vector<1x16xf32> to vector<16xf32>
    %eq3A_1595 = arith.constant 5 : i32
    %eq3A_1596 = vector.broadcast %eq3A_1595 : i32 to vector<16xi32>
    %eq3A_1597 = arith.cmpi eq, %get3A_1548, %eq3A_1596 : vector<16xi32>
    %select_n3A_1598 = arith.select %eq3A_1597, %get3A_1594, %select_n3A_1589 : vector<16xi1>, vector<16xf32>
    %get3A_1599 = arith.constant 17 : i32
    %get3A_1600 = arith.index_cast %get3A_1599 : i32 to index
    %get3A_1601 = arith.constant 96 : index
    %get3A_1602 = tpu.vector_load %arg8[%get3A_1600, %get3A_1601] {strides = array<i32>} : memref<32x128xf32, #tpu.memory_space<vmem>>, vector<1x16xf32>,
    %get3A_1603 = vector.shape_cast %get3A_1602 : vector<1x16xf32> to vector<16xf32>
    %eq3A_1604 = arith.constant 6 : i32
    %eq3A_1605 = vector.broadcast %eq3A_1604 : i32 to vector<16xi32>
    %eq3A_1606 = arith.cmpi eq, %get3A_1548, %eq3A_1605 : vector<16xi32>
    %select_n3A_1607 = arith.select %eq3A_1606, %get3A_1603, %select_n3A_1598 : vector<16xi1>, vector<16xf32>
    %get3A_1608 = arith.constant 17 : i32
    %get3A_1609 = arith.index_cast %get3A_1608 : i32 to index
    %get3A_1610 = arith.constant 112 : index
    %get3A_1611 = tpu.vector_load %arg8[%get3A_1609, %get3A_1610] {strides = array<i32>} : memref<32x128xf32, #tpu.memory_space<vmem>>, vector<1x16xf32>,
    %get3A_1612 = vector.shape_cast %get3A_1611 : vector<1x16xf32> to vector<16xf32>
    %eq3A_1613 = arith.constant 7 : i32
    %eq3A_1614 = vector.broadcast %eq3A_1613 : i32 to vector<16xi32>
    %eq3A_1615 = arith.cmpi eq, %get3A_1548, %eq3A_1614 : vector<16xi32>
    %select_n3A_1616 = arith.select %eq3A_1615, %get3A_1612, %select_n3A_1607 : vector<16xi1>, vector<16xf32>
    %swap3A_1617 = arith.constant 17 : i32
    %swap3A_1618 = arith.index_cast %swap3A_1617 : i32 to index
    %swap3A_1619 = arith.constant 0 : index
    %swap3A_1620 = tpu.vector_load %arg9[%swap3A_1618, %swap3A_1619] {strides = array<i32>} : memref<32x16xf32, #tpu.memory_space<vmem>>, vector<1x16xf32>,
    %swap3A_1621 = vector.shape_cast %swap3A_1620 : vector<1x16xf32> to vector<16xf32>
    %swap3A_1622 = vector.shape_cast %select_n3A_1616 : vector<16xf32> to vector<1x16xf32>
    tpu.vector_store %arg9[%swap3A_1618, %swap3A_1619], %swap3A_1622 {strides = array<i32>} : memref<32x16xf32, #tpu.memory_space<vmem>>, vector<1x16xf32>,
    %get3A_1623 = arith.constant 16 : index
    %get3A_1624 = tpu.vector_load %arg6[%get3A_1623] {strides = array<i32>} : memref<32xi32, #tpu.memory_space<vmem>>, vector<16xi32>,
    %get3A_1625 = vector.shape_cast %get3A_1624 : vector<16xi32> to vector<16xi32>
    %broadcast_in_dim3A_1626 = arith.constant 2 : i32
    %broadcast_in_dim3A_1627 = vector.broadcast %broadcast_in_dim3A_1626 : i32 to vector<16x1xi32>
    %gather3A_1628 = vector.shape_cast %broadcast_in_dim3A_1627 : vector<16x1xi32> to vector<16xi32>
    %gather3A_1629 = tpu.dynamic_gather %get3A_1625[%gather3A_1628] in [0] : vector<16xi32>, vector<16xi32> -> vector<16xi32>
    %swap3A_1630 = arith.constant 0 : index
    %swap3A_1631 = tpu.vector_load %arg7[%swap3A_1630] {strides = array<i32>} : memref<16xi32, #tpu.memory_space<vmem>>, vector<16xi32>,
    %swap3A_1632 = vector.shape_cast %swap3A_1631 : vector<16xi32> to vector<16xi32>
    %swap3A_1633 = vector.shape_cast %gather3A_1629 : vector<16xi32> to vector<16xi32>
    tpu.vector_store %arg7[%swap3A_1630], %swap3A_1633 {strides = array<i32>} : memref<16xi32, #tpu.memory_space<vmem>>, vector<16xi32>,
    %get3A_1634 = arith.constant 0 : index
    %get3A_1635 = tpu.vector_load %arg7[%get3A_1634] {strides = array<i32>} : memref<16xi32, #tpu.memory_space<vmem>>, vector<16xi32>,
    %get3A_1636 = vector.shape_cast %get3A_1635 : vector<16xi32> to vector<16xi32>
    %get3A_1637 = arith.constant 18 : i32
    %get3A_1638 = arith.index_cast %get3A_1637 : i32 to index
    %get3A_1639 = arith.constant 0 : index
    %get3A_1640 = tpu.vector_load %arg8[%get3A_1638, %get3A_1639] {strides = array<i32>} : memref<32x128xf32, #tpu.memory_space<vmem>>, vector<1x16xf32>,
    %get3A_1641 = vector.shape_cast %get3A_1640 : vector<1x16xf32> to vector<16xf32>
    %get3A_1642 = arith.constant 18 : i32
    %get3A_1643 = arith.index_cast %get3A_1642 : i32 to index
    %get3A_1644 = arith.constant 16 : index
    %get3A_1645 = tpu.vector_load %arg8[%get3A_1643, %get3A_1644] {strides = array<i32>} : memref<32x128xf32, #tpu.memory_space<vmem>>, vector<1x16xf32>,
    %get3A_1646 = vector.shape_cast %get3A_1645 : vector<1x16xf32> to vector<16xf32>
    %eq3A_1647 = arith.constant 1 : i32
    %eq3A_1648 = vector.broadcast %eq3A_1647 : i32 to vector<16xi32>
    %eq3A_1649 = arith.cmpi eq, %get3A_1636, %eq3A_1648 : vector<16xi32>
    %select_n3A_1650 = arith.select %eq3A_1649, %get3A_1646, %get3A_1641 : vector<16xi1>, vector<16xf32>
    %get3A_1651 = arith.constant 18 : i32
    %get3A_1652 = arith.index_cast %get3A_1651 : i32 to index
    %get3A_1653 = arith.constant 32 : index
    %get3A_1654 = tpu.vector_load %arg8[%get3A_1652, %get3A_1653] {strides = array<i32>} : memref<32x128xf32, #tpu.memory_space<vmem>>, vector<1x16xf32>,
    %get3A_1655 = vector.shape_cast %get3A_1654 : vector<1x16xf32> to vector<16xf32>
    %eq3A_1656 = arith.constant 2 : i32
    %eq3A_1657 = vector.broadcast %eq3A_1656 : i32 to vector<16xi32>
    %eq3A_1658 = arith.cmpi eq, %get3A_1636, %eq3A_1657 : vector<16xi32>
    %select_n3A_1659 = arith.select %eq3A_1658, %get3A_1655, %select_n3A_1650 : vector<16xi1>, vector<16xf32>
    %get3A_1660 = arith.constant 18 : i32
    %get3A_1661 = arith.index_cast %get3A_1660 : i32 to index
    %get3A_1662 = arith.constant 48 : index
    %get3A_1663 = tpu.vector_load %arg8[%get3A_1661, %get3A_1662] {strides = array<i32>} : memref<32x128xf32, #tpu.memory_space<vmem>>, vector<1x16xf32>,
    %get3A_1664 = vector.shape_cast %get3A_1663 : vector<1x16xf32> to vector<16xf32>
    %eq3A_1665 = arith.constant 3 : i32
    %eq3A_1666 = vector.broadcast %eq3A_1665 : i32 to vector<16xi32>
    %eq3A_1667 = arith.cmpi eq, %get3A_1636, %eq3A_1666 : vector<16xi32>
    %select_n3A_1668 = arith.select %eq3A_1667, %get3A_1664, %select_n3A_1659 : vector<16xi1>, vector<16xf32>
    %get3A_1669 = arith.constant 18 : i32
    %get3A_1670 = arith.index_cast %get3A_1669 : i32 to index
    %get3A_1671 = arith.constant 64 : index
    %get3A_1672 = tpu.vector_load %arg8[%get3A_1670, %get3A_1671] {strides = array<i32>} : memref<32x128xf32, #tpu.memory_space<vmem>>, vector<1x16xf32>,
    %get3A_1673 = vector.shape_cast %get3A_1672 : vector<1x16xf32> to vector<16xf32>
    %eq3A_1674 = arith.constant 4 : i32
    %eq3A_1675 = vector.broadcast %eq3A_1674 : i32 to vector<16xi32>
    %eq3A_1676 = arith.cmpi eq, %get3A_1636, %eq3A_1675 : vector<16xi32>
    %select_n3A_1677 = arith.select %eq3A_1676, %get3A_1673, %select_n3A_1668 : vector<16xi1>, vector<16xf32>
    %get3A_1678 = arith.constant 18 : i32
    %get3A_1679 = arith.index_cast %get3A_1678 : i32 to index
    %get3A_1680 = arith.constant 80 : index
    %get3A_1681 = tpu.vector_load %arg8[%get3A_1679, %get3A_1680] {strides = array<i32>} : memref<32x128xf32, #tpu.memory_space<vmem>>, vector<1x16xf32>,
    %get3A_1682 = vector.shape_cast %get3A_1681 : vector<1x16xf32> to vector<16xf32>
    %eq3A_1683 = arith.constant 5 : i32
    %eq3A_1684 = vector.broadcast %eq3A_1683 : i32 to vector<16xi32>
    %eq3A_1685 = arith.cmpi eq, %get3A_1636, %eq3A_1684 : vector<16xi32>
    %select_n3A_1686 = arith.select %eq3A_1685, %get3A_1682, %select_n3A_1677 : vector<16xi1>, vector<16xf32>
    %get3A_1687 = arith.constant 18 : i32
    %get3A_1688 = arith.index_cast %get3A_1687 : i32 to index
    %get3A_1689 = arith.constant 96 : index
    %get3A_1690 = tpu.vector_load %arg8[%get3A_1688, %get3A_1689] {strides = array<i32>} : memref<32x128xf32, #tpu.memory_space<vmem>>, vector<1x16xf32>,
    %get3A_1691 = vector.shape_cast %get3A_1690 : vector<1x16xf32> to vector<16xf32>
    %eq3A_1692 = arith.constant 6 : i32
    %eq3A_1693 = vector.broadcast %eq3A_1692 : i32 to vector<16xi32>
    %eq3A_1694 = arith.cmpi eq, %get3A_1636, %eq3A_1693 : vector<16xi32>
    %select_n3A_1695 = arith.select %eq3A_1694, %get3A_1691, %select_n3A_1686 : vector<16xi1>, vector<16xf32>
    %get3A_1696 = arith.constant 18 : i32
    %get3A_1697 = arith.index_cast %get3A_1696 : i32 to index
    %get3A_1698 = arith.constant 112 : index
    %get3A_1699 = tpu.vector_load %arg8[%get3A_1697, %get3A_1698] {strides = array<i32>} : memref<32x128xf32, #tpu.memory_space<vmem>>, vector<1x16xf32>,
    %get3A_1700 = vector.shape_cast %get3A_1699 : vector<1x16xf32> to vector<16xf32>
    %eq3A_1701 = arith.constant 7 : i32
    %eq3A_1702 = vector.broadcast %eq3A_1701 : i32 to vector<16xi32>
    %eq3A_1703 = arith.cmpi eq, %get3A_1636, %eq3A_1702 : vector<16xi32>
    %select_n3A_1704 = arith.select %eq3A_1703, %get3A_1700, %select_n3A_1695 : vector<16xi1>, vector<16xf32>
    %swap3A_1705 = arith.constant 18 : i32
    %swap3A_1706 = arith.index_cast %swap3A_1705 : i32 to index
    %swap3A_1707 = arith.constant 0 : index
    %swap3A_1708 = tpu.vector_load %arg9[%swap3A_1706, %swap3A_1707] {strides = array<i32>} : memref<32x16xf32, #tpu.memory_space<vmem>>, vector<1x16xf32>,
    %swap3A_1709 = vector.shape_cast %swap3A_1708 : vector<1x16xf32> to vector<16xf32>
    %swap3A_1710 = vector.shape_cast %select_n3A_1704 : vector<16xf32> to vector<1x16xf32>
    tpu.vector_store %arg9[%swap3A_1706, %swap3A_1707], %swap3A_1710 {strides = array<i32>} : memref<32x16xf32, #tpu.memory_space<vmem>>, vector<1x16xf32>,
    %get3A_1711 = arith.constant 16 : index
    %get3A_1712 = tpu.vector_load %arg6[%get3A_1711] {strides = array<i32>} : memref<32xi32, #tpu.memory_space<vmem>>, vector<16xi32>,
    %get3A_1713 = vector.shape_cast %get3A_1712 : vector<16xi32> to vector<16xi32>
    %broadcast_in_dim3A_1714 = arith.constant 3 : i32
    %broadcast_in_dim3A_1715 = vector.broadcast %broadcast_in_dim3A_1714 : i32 to vector<16x1xi32>
    %gather3A_1716 = vector.shape_cast %broadcast_in_dim3A_1715 : vector<16x1xi32> to vector<16xi32>
    %gather3A_1717 = tpu.dynamic_gather %get3A_1713[%gather3A_1716] in [0] : vector<16xi32>, vector<16xi32> -> vector<16xi32>
    %swap3A_1718 = arith.constant 0 : index
    %swap3A_1719 = tpu.vector_load %arg7[%swap3A_1718] {strides = array<i32>} : memref<16xi32, #tpu.memory_space<vmem>>, vector<16xi32>,
    %swap3A_1720 = vector.shape_cast %swap3A_1719 : vector<16xi32> to vector<16xi32>
    %swap3A_1721 = vector.shape_cast %gather3A_1717 : vector<16xi32> to vector<16xi32>
    tpu.vector_store %arg7[%swap3A_1718], %swap3A_1721 {strides = array<i32>} : memref<16xi32, #tpu.memory_space<vmem>>, vector<16xi32>,
    %get3A_1722 = arith.constant 0 : index
    %get3A_1723 = tpu.vector_load %arg7[%get3A_1722] {strides = array<i32>} : memref<16xi32, #tpu.memory_space<vmem>>, vector<16xi32>,
    %get3A_1724 = vector.shape_cast %get3A_1723 : vector<16xi32> to vector<16xi32>
    %get3A_1725 = arith.constant 19 : i32
    %get3A_1726 = arith.index_cast %get3A_1725 : i32 to index
    %get3A_1727 = arith.constant 0 : index
    %get3A_1728 = tpu.vector_load %arg8[%get3A_1726, %get3A_1727] {strides = array<i32>} : memref<32x128xf32, #tpu.memory_space<vmem>>, vector<1x16xf32>,
    %get3A_1729 = vector.shape_cast %get3A_1728 : vector<1x16xf32> to vector<16xf32>
    %get3A_1730 = arith.constant 19 : i32
    %get3A_1731 = arith.index_cast %get3A_1730 : i32 to index
    %get3A_1732 = arith.constant 16 : index
    %get3A_1733 = tpu.vector_load %arg8[%get3A_1731, %get3A_1732] {strides = array<i32>} : memref<32x128xf32, #tpu.memory_space<vmem>>, vector<1x16xf32>,
    %get3A_1734 = vector.shape_cast %get3A_1733 : vector<1x16xf32> to vector<16xf32>
    %eq3A_1735 = arith.constant 1 : i32
    %eq3A_1736 = vector.broadcast %eq3A_1735 : i32 to vector<16xi32>
    %eq3A_1737 = arith.cmpi eq, %get3A_1724, %eq3A_1736 : vector<16xi32>
    %select_n3A_1738 = arith.select %eq3A_1737, %get3A_1734, %get3A_1729 : vector<16xi1>, vector<16xf32>
    %get3A_1739 = arith.constant 19 : i32
    %get3A_1740 = arith.index_cast %get3A_1739 : i32 to index
    %get3A_1741 = arith.constant 32 : index
    %get3A_1742 = tpu.vector_load %arg8[%get3A_1740, %get3A_1741] {strides = array<i32>} : memref<32x128xf32, #tpu.memory_space<vmem>>, vector<1x16xf32>,
    %get3A_1743 = vector.shape_cast %get3A_1742 : vector<1x16xf32> to vector<16xf32>
    %eq3A_1744 = arith.constant 2 : i32
    %eq3A_1745 = vector.broadcast %eq3A_1744 : i32 to vector<16xi32>
    %eq3A_1746 = arith.cmpi eq, %get3A_1724, %eq3A_1745 : vector<16xi32>
    %select_n3A_1747 = arith.select %eq3A_1746, %get3A_1743, %select_n3A_1738 : vector<16xi1>, vector<16xf32>
    %get3A_1748 = arith.constant 19 : i32
    %get3A_1749 = arith.index_cast %get3A_1748 : i32 to index
    %get3A_1750 = arith.constant 48 : index
    %get3A_1751 = tpu.vector_load %arg8[%get3A_1749, %get3A_1750] {strides = array<i32>} : memref<32x128xf32, #tpu.memory_space<vmem>>, vector<1x16xf32>,
    %get3A_1752 = vector.shape_cast %get3A_1751 : vector<1x16xf32> to vector<16xf32>
    %eq3A_1753 = arith.constant 3 : i32
    %eq3A_1754 = vector.broadcast %eq3A_1753 : i32 to vector<16xi32>
    %eq3A_1755 = arith.cmpi eq, %get3A_1724, %eq3A_1754 : vector<16xi32>
    %select_n3A_1756 = arith.select %eq3A_1755, %get3A_1752, %select_n3A_1747 : vector<16xi1>, vector<16xf32>
    %get3A_1757 = arith.constant 19 : i32
    %get3A_1758 = arith.index_cast %get3A_1757 : i32 to index
    %get3A_1759 = arith.constant 64 : index
    %get3A_1760 = tpu.vector_load %arg8[%get3A_1758, %get3A_1759] {strides = array<i32>} : memref<32x128xf32, #tpu.memory_space<vmem>>, vector<1x16xf32>,
    %get3A_1761 = vector.shape_cast %get3A_1760 : vector<1x16xf32> to vector<16xf32>
    %eq3A_1762 = arith.constant 4 : i32
    %eq3A_1763 = vector.broadcast %eq3A_1762 : i32 to vector<16xi32>
    %eq3A_1764 = arith.cmpi eq, %get3A_1724, %eq3A_1763 : vector<16xi32>
    %select_n3A_1765 = arith.select %eq3A_1764, %get3A_1761, %select_n3A_1756 : vector<16xi1>, vector<16xf32>
    %get3A_1766 = arith.constant 19 : i32
    %get3A_1767 = arith.index_cast %get3A_1766 : i32 to index
    %get3A_1768 = arith.constant 80 : index
    %get3A_1769 = tpu.vector_load %arg8[%get3A_1767, %get3A_1768] {strides = array<i32>} : memref<32x128xf32, #tpu.memory_space<vmem>>, vector<1x16xf32>,
    %get3A_1770 = vector.shape_cast %get3A_1769 : vector<1x16xf32> to vector<16xf32>
    %eq3A_1771 = arith.constant 5 : i32
    %eq3A_1772 = vector.broadcast %eq3A_1771 : i32 to vector<16xi32>
    %eq3A_1773 = arith.cmpi eq, %get3A_1724, %eq3A_1772 : vector<16xi32>
    %select_n3A_1774 = arith.select %eq3A_1773, %get3A_1770, %select_n3A_1765 : vector<16xi1>, vector<16xf32>
    %get3A_1775 = arith.constant 19 : i32
    %get3A_1776 = arith.index_cast %get3A_1775 : i32 to index
    %get3A_1777 = arith.constant 96 : index
    %get3A_1778 = tpu.vector_load %arg8[%get3A_1776, %get3A_1777] {strides = array<i32>} : memref<32x128xf32, #tpu.memory_space<vmem>>, vector<1x16xf32>,
    %get3A_1779 = vector.shape_cast %get3A_1778 : vector<1x16xf32> to vector<16xf32>
    %eq3A_1780 = arith.constant 6 : i32
    %eq3A_1781 = vector.broadcast %eq3A_1780 : i32 to vector<16xi32>
    %eq3A_1782 = arith.cmpi eq, %get3A_1724, %eq3A_1781 : vector<16xi32>
    %select_n3A_1783 = arith.select %eq3A_1782, %get3A_1779, %select_n3A_1774 : vector<16xi1>, vector<16xf32>
    %get3A_1784 = arith.constant 19 : i32
    %get3A_1785 = arith.index_cast %get3A_1784 : i32 to index
    %get3A_1786 = arith.constant 112 : index
    %get3A_1787 = tpu.vector_load %arg8[%get3A_1785, %get3A_1786] {strides = array<i32>} : memref<32x128xf32, #tpu.memory_space<vmem>>, vector<1x16xf32>,
    %get3A_1788 = vector.shape_cast %get3A_1787 : vector<1x16xf32> to vector<16xf32>
    %eq3A_1789 = arith.constant 7 : i32
    %eq3A_1790 = vector.broadcast %eq3A_1789 : i32 to vector<16xi32>
    %eq3A_1791 = arith.cmpi eq, %get3A_1724, %eq3A_1790 : vector<16xi32>
    %select_n3A_1792 = arith.select %eq3A_1791, %get3A_1788, %select_n3A_1783 : vector<16xi1>, vector<16xf32>
    %swap3A_1793 = arith.constant 19 : i32
    %swap3A_1794 = arith.index_cast %swap3A_1793 : i32 to index
    %swap3A_1795 = arith.constant 0 : index
    %swap3A_1796 = tpu.vector_load %arg9[%swap3A_1794, %swap3A_1795] {strides = array<i32>} : memref<32x16xf32, #tpu.memory_space<vmem>>, vector<1x16xf32>,
    %swap3A_1797 = vector.shape_cast %swap3A_1796 : vector<1x16xf32> to vector<16xf32>
    %swap3A_1798 = vector.shape_cast %select_n3A_1792 : vector<16xf32> to vector<1x16xf32>
    tpu.vector_store %arg9[%swap3A_1794, %swap3A_1795], %swap3A_1798 {strides = array<i32>} : memref<32x16xf32, #tpu.memory_space<vmem>>, vector<1x16xf32>,
    %get3A_1799 = arith.constant 16 : index
    %get3A_1800 = tpu.vector_load %arg6[%get3A_1799] {strides = array<i32>} : memref<32xi32, #tpu.memory_space<vmem>>, vector<16xi32>,
    %get3A_1801 = vector.shape_cast %get3A_1800 : vector<16xi32> to vector<16xi32>
    %broadcast_in_dim3A_1802 = arith.constant 4 : i32
    %broadcast_in_dim3A_1803 = vector.broadcast %broadcast_in_dim3A_1802 : i32 to vector<16x1xi32>
    %gather3A_1804 = vector.shape_cast %broadcast_in_dim3A_1803 : vector<16x1xi32> to vector<16xi32>
    %gather3A_1805 = tpu.dynamic_gather %get3A_1801[%gather3A_1804] in [0] : vector<16xi32>, vector<16xi32> -> vector<16xi32>
    %swap3A_1806 = arith.constant 0 : index
    %swap3A_1807 = tpu.vector_load %arg7[%swap3A_1806] {strides = array<i32>} : memref<16xi32, #tpu.memory_space<vmem>>, vector<16xi32>,
    %swap3A_1808 = vector.shape_cast %swap3A_1807 : vector<16xi32> to vector<16xi32>
    %swap3A_1809 = vector.shape_cast %gather3A_1805 : vector<16xi32> to vector<16xi32>
    tpu.vector_store %arg7[%swap3A_1806], %swap3A_1809 {strides = array<i32>} : memref<16xi32, #tpu.memory_space<vmem>>, vector<16xi32>,
    %get3A_1810 = arith.constant 0 : index
    %get3A_1811 = tpu.vector_load %arg7[%get3A_1810] {strides = array<i32>} : memref<16xi32, #tpu.memory_space<vmem>>, vector<16xi32>,
    %get3A_1812 = vector.shape_cast %get3A_1811 : vector<16xi32> to vector<16xi32>
    %get3A_1813 = arith.constant 20 : i32
    %get3A_1814 = arith.index_cast %get3A_1813 : i32 to index
    %get3A_1815 = arith.constant 0 : index
    %get3A_1816 = tpu.vector_load %arg8[%get3A_1814, %get3A_1815] {strides = array<i32>} : memref<32x128xf32, #tpu.memory_space<vmem>>, vector<1x16xf32>,
    %get3A_1817 = vector.shape_cast %get3A_1816 : vector<1x16xf32> to vector<16xf32>
    %get3A_1818 = arith.constant 20 : i32
    %get3A_1819 = arith.index_cast %get3A_1818 : i32 to index
    %get3A_1820 = arith.constant 16 : index
    %get3A_1821 = tpu.vector_load %arg8[%get3A_1819, %get3A_1820] {strides = array<i32>} : memref<32x128xf32, #tpu.memory_space<vmem>>, vector<1x16xf32>,
    %get3A_1822 = vector.shape_cast %get3A_1821 : vector<1x16xf32> to vector<16xf32>
    %eq3A_1823 = arith.constant 1 : i32
    %eq3A_1824 = vector.broadcast %eq3A_1823 : i32 to vector<16xi32>
    %eq3A_1825 = arith.cmpi eq, %get3A_1812, %eq3A_1824 : vector<16xi32>
    %select_n3A_1826 = arith.select %eq3A_1825, %get3A_1822, %get3A_1817 : vector<16xi1>, vector<16xf32>
    %get3A_1827 = arith.constant 20 : i32
    %get3A_1828 = arith.index_cast %get3A_1827 : i32 to index
    %get3A_1829 = arith.constant 32 : index
    %get3A_1830 = tpu.vector_load %arg8[%get3A_1828, %get3A_1829] {strides = array<i32>} : memref<32x128xf32, #tpu.memory_space<vmem>>, vector<1x16xf32>,
    %get3A_1831 = vector.shape_cast %get3A_1830 : vector<1x16xf32> to vector<16xf32>
    %eq3A_1832 = arith.constant 2 : i32
    %eq3A_1833 = vector.broadcast %eq3A_1832 : i32 to vector<16xi32>
    %eq3A_1834 = arith.cmpi eq, %get3A_1812, %eq3A_1833 : vector<16xi32>
    %select_n3A_1835 = arith.select %eq3A_1834, %get3A_1831, %select_n3A_1826 : vector<16xi1>, vector<16xf32>
    %get3A_1836 = arith.constant 20 : i32
    %get3A_1837 = arith.index_cast %get3A_1836 : i32 to index
    %get3A_1838 = arith.constant 48 : index
    %get3A_1839 = tpu.vector_load %arg8[%get3A_1837, %get3A_1838] {strides = array<i32>} : memref<32x128xf32, #tpu.memory_space<vmem>>, vector<1x16xf32>,
    %get3A_1840 = vector.shape_cast %get3A_1839 : vector<1x16xf32> to vector<16xf32>
    %eq3A_1841 = arith.constant 3 : i32
    %eq3A_1842 = vector.broadcast %eq3A_1841 : i32 to vector<16xi32>
    %eq3A_1843 = arith.cmpi eq, %get3A_1812, %eq3A_1842 : vector<16xi32>
    %select_n3A_1844 = arith.select %eq3A_1843, %get3A_1840, %select_n3A_1835 : vector<16xi1>, vector<16xf32>
    %get3A_1845 = arith.constant 20 : i32
    %get3A_1846 = arith.index_cast %get3A_1845 : i32 to index
    %get3A_1847 = arith.constant 64 : index
    %get3A_1848 = tpu.vector_load %arg8[%get3A_1846, %get3A_1847] {strides = array<i32>} : memref<32x128xf32, #tpu.memory_space<vmem>>, vector<1x16xf32>,
    %get3A_1849 = vector.shape_cast %get3A_1848 : vector<1x16xf32> to vector<16xf32>
    %eq3A_1850 = arith.constant 4 : i32
    %eq3A_1851 = vector.broadcast %eq3A_1850 : i32 to vector<16xi32>
    %eq3A_1852 = arith.cmpi eq, %get3A_1812, %eq3A_1851 : vector<16xi32>
    %select_n3A_1853 = arith.select %eq3A_1852, %get3A_1849, %select_n3A_1844 : vector<16xi1>, vector<16xf32>
    %get3A_1854 = arith.constant 20 : i32
    %get3A_1855 = arith.index_cast %get3A_1854 : i32 to index
    %get3A_1856 = arith.constant 80 : index
    %get3A_1857 = tpu.vector_load %arg8[%get3A_1855, %get3A_1856] {strides = array<i32>} : memref<32x128xf32, #tpu.memory_space<vmem>>, vector<1x16xf32>,
    %get3A_1858 = vector.shape_cast %get3A_1857 : vector<1x16xf32> to vector<16xf32>
    %eq3A_1859 = arith.constant 5 : i32
    %eq3A_1860 = vector.broadcast %eq3A_1859 : i32 to vector<16xi32>
    %eq3A_1861 = arith.cmpi eq, %get3A_1812, %eq3A_1860 : vector<16xi32>
    %select_n3A_1862 = arith.select %eq3A_1861, %get3A_1858, %select_n3A_1853 : vector<16xi1>, vector<16xf32>
    %get3A_1863 = arith.constant 20 : i32
    %get3A_1864 = arith.index_cast %get3A_1863 : i32 to index
    %get3A_1865 = arith.constant 96 : index
    %get3A_1866 = tpu.vector_load %arg8[%get3A_1864, %get3A_1865] {strides = array<i32>} : memref<32x128xf32, #tpu.memory_space<vmem>>, vector<1x16xf32>,
    %get3A_1867 = vector.shape_cast %get3A_1866 : vector<1x16xf32> to vector<16xf32>
    %eq3A_1868 = arith.constant 6 : i32
    %eq3A_1869 = vector.broadcast %eq3A_1868 : i32 to vector<16xi32>
    %eq3A_1870 = arith.cmpi eq, %get3A_1812, %eq3A_1869 : vector<16xi32>
    %select_n3A_1871 = arith.select %eq3A_1870, %get3A_1867, %select_n3A_1862 : vector<16xi1>, vector<16xf32>
    %get3A_1872 = arith.constant 20 : i32
    %get3A_1873 = arith.index_cast %get3A_1872 : i32 to index
    %get3A_1874 = arith.constant 112 : index
    %get3A_1875 = tpu.vector_load %arg8[%get3A_1873, %get3A_1874] {strides = array<i32>} : memref<32x128xf32, #tpu.memory_space<vmem>>, vector<1x16xf32>,
    %get3A_1876 = vector.shape_cast %get3A_1875 : vector<1x16xf32> to vector<16xf32>
    %eq3A_1877 = arith.constant 7 : i32
    %eq3A_1878 = vector.broadcast %eq3A_1877 : i32 to vector<16xi32>
    %eq3A_1879 = arith.cmpi eq, %get3A_1812, %eq3A_1878 : vector<16xi32>
    %select_n3A_1880 = arith.select %eq3A_1879, %get3A_1876, %select_n3A_1871 : vector<16xi1>, vector<16xf32>
    %swap3A_1881 = arith.constant 20 : i32
    %swap3A_1882 = arith.index_cast %swap3A_1881 : i32 to index
    %swap3A_1883 = arith.constant 0 : index
    %swap3A_1884 = tpu.vector_load %arg9[%swap3A_1882, %swap3A_1883] {strides = array<i32>} : memref<32x16xf32, #tpu.memory_space<vmem>>, vector<1x16xf32>,
    %swap3A_1885 = vector.shape_cast %swap3A_1884 : vector<1x16xf32> to vector<16xf32>
    %swap3A_1886 = vector.shape_cast %select_n3A_1880 : vector<16xf32> to vector<1x16xf32>
    tpu.vector_store %arg9[%swap3A_1882, %swap3A_1883], %swap3A_1886 {strides = array<i32>} : memref<32x16xf32, #tpu.memory_space<vmem>>, vector<1x16xf32>,
    %get3A_1887 = arith.constant 16 : index
    %get3A_1888 = tpu.vector_load %arg6[%get3A_1887] {strides = array<i32>} : memref<32xi32, #tpu.memory_space<vmem>>, vector<16xi32>,
    %get3A_1889 = vector.shape_cast %get3A_1888 : vector<16xi32> to vector<16xi32>
    %broadcast_in_dim3A_1890 = arith.constant 5 : i32
    %broadcast_in_dim3A_1891 = vector.broadcast %broadcast_in_dim3A_1890 : i32 to vector<16x1xi32>
    %gather3A_1892 = vector.shape_cast %broadcast_in_dim3A_1891 : vector<16x1xi32> to vector<16xi32>
    %gather3A_1893 = tpu.dynamic_gather %get3A_1889[%gather3A_1892] in [0] : vector<16xi32>, vector<16xi32> -> vector<16xi32>
    %swap3A_1894 = arith.constant 0 : index
    %swap3A_1895 = tpu.vector_load %arg7[%swap3A_1894] {strides = array<i32>} : memref<16xi32, #tpu.memory_space<vmem>>, vector<16xi32>,
    %swap3A_1896 = vector.shape_cast %swap3A_1895 : vector<16xi32> to vector<16xi32>
    %swap3A_1897 = vector.shape_cast %gather3A_1893 : vector<16xi32> to vector<16xi32>
    tpu.vector_store %arg7[%swap3A_1894], %swap3A_1897 {strides = array<i32>} : memref<16xi32, #tpu.memory_space<vmem>>, vector<16xi32>,
    %get3A_1898 = arith.constant 0 : index
    %get3A_1899 = tpu.vector_load %arg7[%get3A_1898] {strides = array<i32>} : memref<16xi32, #tpu.memory_space<vmem>>, vector<16xi32>,
    %get3A_1900 = vector.shape_cast %get3A_1899 : vector<16xi32> to vector<16xi32>
    %get3A_1901 = arith.constant 21 : i32
    %get3A_1902 = arith.index_cast %get3A_1901 : i32 to index
    %get3A_1903 = arith.constant 0 : index
    %get3A_1904 = tpu.vector_load %arg8[%get3A_1902, %get3A_1903] {strides = array<i32>} : memref<32x128xf32, #tpu.memory_space<vmem>>, vector<1x16xf32>,
    %get3A_1905 = vector.shape_cast %get3A_1904 : vector<1x16xf32> to vector<16xf32>
    %get3A_1906 = arith.constant 21 : i32
    %get3A_1907 = arith.index_cast %get3A_1906 : i32 to index
    %get3A_1908 = arith.constant 16 : index
    %get3A_1909 = tpu.vector_load %arg8[%get3A_1907, %get3A_1908] {strides = array<i32>} : memref<32x128xf32, #tpu.memory_space<vmem>>, vector<1x16xf32>,
    %get3A_1910 = vector.shape_cast %get3A_1909 : vector<1x16xf32> to vector<16xf32>
    %eq3A_1911 = arith.constant 1 : i32
    %eq3A_1912 = vector.broadcast %eq3A_1911 : i32 to vector<16xi32>
    %eq3A_1913 = arith.cmpi eq, %get3A_1900, %eq3A_1912 : vector<16xi32>
    %select_n3A_1914 = arith.select %eq3A_1913, %get3A_1910, %get3A_1905 : vector<16xi1>, vector<16xf32>
    %get3A_1915 = arith.constant 21 : i32
    %get3A_1916 = arith.index_cast %get3A_1915 : i32 to index
    %get3A_1917 = arith.constant 32 : index
    %get3A_1918 = tpu.vector_load %arg8[%get3A_1916, %get3A_1917] {strides = array<i32>} : memref<32x128xf32, #tpu.memory_space<vmem>>, vector<1x16xf32>,
    %get3A_1919 = vector.shape_cast %get3A_1918 : vector<1x16xf32> to vector<16xf32>
    %eq3A_1920 = arith.constant 2 : i32
    %eq3A_1921 = vector.broadcast %eq3A_1920 : i32 to vector<16xi32>
    %eq3A_1922 = arith.cmpi eq, %get3A_1900, %eq3A_1921 : vector<16xi32>
    %select_n3A_1923 = arith.select %eq3A_1922, %get3A_1919, %select_n3A_1914 : vector<16xi1>, vector<16xf32>
    %get3A_1924 = arith.constant 21 : i32
    %get3A_1925 = arith.index_cast %get3A_1924 : i32 to index
    %get3A_1926 = arith.constant 48 : index
    %get3A_1927 = tpu.vector_load %arg8[%get3A_1925, %get3A_1926] {strides = array<i32>} : memref<32x128xf32, #tpu.memory_space<vmem>>, vector<1x16xf32>,
    %get3A_1928 = vector.shape_cast %get3A_1927 : vector<1x16xf32> to vector<16xf32>
    %eq3A_1929 = arith.constant 3 : i32
    %eq3A_1930 = vector.broadcast %eq3A_1929 : i32 to vector<16xi32>
    %eq3A_1931 = arith.cmpi eq, %get3A_1900, %eq3A_1930 : vector<16xi32>
    %select_n3A_1932 = arith.select %eq3A_1931, %get3A_1928, %select_n3A_1923 : vector<16xi1>, vector<16xf32>
    %get3A_1933 = arith.constant 21 : i32
    %get3A_1934 = arith.index_cast %get3A_1933 : i32 to index
    %get3A_1935 = arith.constant 64 : index
    %get3A_1936 = tpu.vector_load %arg8[%get3A_1934, %get3A_1935] {strides = array<i32>} : memref<32x128xf32, #tpu.memory_space<vmem>>, vector<1x16xf32>,
    %get3A_1937 = vector.shape_cast %get3A_1936 : vector<1x16xf32> to vector<16xf32>
    %eq3A_1938 = arith.constant 4 : i32
    %eq3A_1939 = vector.broadcast %eq3A_1938 : i32 to vector<16xi32>
    %eq3A_1940 = arith.cmpi eq, %get3A_1900, %eq3A_1939 : vector<16xi32>
    %select_n3A_1941 = arith.select %eq3A_1940, %get3A_1937, %select_n3A_1932 : vector<16xi1>, vector<16xf32>
    %get3A_1942 = arith.constant 21 : i32
    %get3A_1943 = arith.index_cast %get3A_1942 : i32 to index
    %get3A_1944 = arith.constant 80 : index
    %get3A_1945 = tpu.vector_load %arg8[%get3A_1943, %get3A_1944] {strides = array<i32>} : memref<32x128xf32, #tpu.memory_space<vmem>>, vector<1x16xf32>,
    %get3A_1946 = vector.shape_cast %get3A_1945 : vector<1x16xf32> to vector<16xf32>
    %eq3A_1947 = arith.constant 5 : i32
    %eq3A_1948 = vector.broadcast %eq3A_1947 : i32 to vector<16xi32>
    %eq3A_1949 = arith.cmpi eq, %get3A_1900, %eq3A_1948 : vector<16xi32>
    %select_n3A_1950 = arith.select %eq3A_1949, %get3A_1946, %select_n3A_1941 : vector<16xi1>, vector<16xf32>
    %get3A_1951 = arith.constant 21 : i32
    %get3A_1952 = arith.index_cast %get3A_1951 : i32 to index
    %get3A_1953 = arith.constant 96 : index
    %get3A_1954 = tpu.vector_load %arg8[%get3A_1952, %get3A_1953] {strides = array<i32>} : memref<32x128xf32, #tpu.memory_space<vmem>>, vector<1x16xf32>,
    %get3A_1955 = vector.shape_cast %get3A_1954 : vector<1x16xf32> to vector<16xf32>
    %eq3A_1956 = arith.constant 6 : i32
    %eq3A_1957 = vector.broadcast %eq3A_1956 : i32 to vector<16xi32>
    %eq3A_1958 = arith.cmpi eq, %get3A_1900, %eq3A_1957 : vector<16xi32>
    %select_n3A_1959 = arith.select %eq3A_1958, %get3A_1955, %select_n3A_1950 : vector<16xi1>, vector<16xf32>
    %get3A_1960 = arith.constant 21 : i32
    %get3A_1961 = arith.index_cast %get3A_1960 : i32 to index
    %get3A_1962 = arith.constant 112 : index
    %get3A_1963 = tpu.vector_load %arg8[%get3A_1961, %get3A_1962] {strides = array<i32>} : memref<32x128xf32, #tpu.memory_space<vmem>>, vector<1x16xf32>,
    %get3A_1964 = vector.shape_cast %get3A_1963 : vector<1x16xf32> to vector<16xf32>
    %eq3A_1965 = arith.constant 7 : i32
    %eq3A_1966 = vector.broadcast %eq3A_1965 : i32 to vector<16xi32>
    %eq3A_1967 = arith.cmpi eq, %get3A_1900, %eq3A_1966 : vector<16xi32>
    %select_n3A_1968 = arith.select %eq3A_1967, %get3A_1964, %select_n3A_1959 : vector<16xi1>, vector<16xf32>
    %swap3A_1969 = arith.constant 21 : i32
    %swap3A_1970 = arith.index_cast %swap3A_1969 : i32 to index
    %swap3A_1971 = arith.constant 0 : index
    %swap3A_1972 = tpu.vector_load %arg9[%swap3A_1970, %swap3A_1971] {strides = array<i32>} : memref<32x16xf32, #tpu.memory_space<vmem>>, vector<1x16xf32>,
    %swap3A_1973 = vector.shape_cast %swap3A_1972 : vector<1x16xf32> to vector<16xf32>
    %swap3A_1974 = vector.shape_cast %select_n3A_1968 : vector<16xf32> to vector<1x16xf32>
    tpu.vector_store %arg9[%swap3A_1970, %swap3A_1971], %swap3A_1974 {strides = array<i32>} : memref<32x16xf32, #tpu.memory_space<vmem>>, vector<1x16xf32>,
    %get3A_1975 = arith.constant 16 : index
    %get3A_1976 = tpu.vector_load %arg6[%get3A_1975] {strides = array<i32>} : memref<32xi32, #tpu.memory_space<vmem>>, vector<16xi32>,
    %get3A_1977 = vector.shape_cast %get3A_1976 : vector<16xi32> to vector<16xi32>
    %broadcast_in_dim3A_1978 = arith.constant 6 : i32
    %broadcast_in_dim3A_1979 = vector.broadcast %broadcast_in_dim3A_1978 : i32 to vector<16x1xi32>
    %gather3A_1980 = vector.shape_cast %broadcast_in_dim3A_1979 : vector<16x1xi32> to vector<16xi32>
    %gather3A_1981 = tpu.dynamic_gather %get3A_1977[%gather3A_1980] in [0] : vector<16xi32>, vector<16xi32> -> vector<16xi32>
    %swap3A_1982 = arith.constant 0 : index
    %swap3A_1983 = tpu.vector_load %arg7[%swap3A_1982] {strides = array<i32>} : memref<16xi32, #tpu.memory_space<vmem>>, vector<16xi32>,
    %swap3A_1984 = vector.shape_cast %swap3A_1983 : vector<16xi32> to vector<16xi32>
    %swap3A_1985 = vector.shape_cast %gather3A_1981 : vector<16xi32> to vector<16xi32>
    tpu.vector_store %arg7[%swap3A_1982], %swap3A_1985 {strides = array<i32>} : memref<16xi32, #tpu.memory_space<vmem>>, vector<16xi32>,
    %get3A_1986 = arith.constant 0 : index
    %get3A_1987 = tpu.vector_load %arg7[%get3A_1986] {strides = array<i32>} : memref<16xi32, #tpu.memory_space<vmem>>, vector<16xi32>,
    %get3A_1988 = vector.shape_cast %get3A_1987 : vector<16xi32> to vector<16xi32>
    %get3A_1989 = arith.constant 22 : i32
    %get3A_1990 = arith.index_cast %get3A_1989 : i32 to index
    %get3A_1991 = arith.constant 0 : index
    %get3A_1992 = tpu.vector_load %arg8[%get3A_1990, %get3A_1991] {strides = array<i32>} : memref<32x128xf32, #tpu.memory_space<vmem>>, vector<1x16xf32>,
    %get3A_1993 = vector.shape_cast %get3A_1992 : vector<1x16xf32> to vector<16xf32>
    %get3A_1994 = arith.constant 22 : i32
    %get3A_1995 = arith.index_cast %get3A_1994 : i32 to index
    %get3A_1996 = arith.constant 16 : index
    %get3A_1997 = tpu.vector_load %arg8[%get3A_1995, %get3A_1996] {strides = array<i32>} : memref<32x128xf32, #tpu.memory_space<vmem>>, vector<1x16xf32>,
    %get3A_1998 = vector.shape_cast %get3A_1997 : vector<1x16xf32> to vector<16xf32>
    %eq3A_1999 = arith.constant 1 : i32
    %eq3A_2000 = vector.broadcast %eq3A_1999 : i32 to vector<16xi32>
    %eq3A_2001 = arith.cmpi eq, %get3A_1988, %eq3A_2000 : vector<16xi32>
    %select_n3A_2002 = arith.select %eq3A_2001, %get3A_1998, %get3A_1993 : vector<16xi1>, vector<16xf32>
    %get3A_2003 = arith.constant 22 : i32
    %get3A_2004 = arith.index_cast %get3A_2003 : i32 to index
    %get3A_2005 = arith.constant 32 : index
    %get3A_2006 = tpu.vector_load %arg8[%get3A_2004, %get3A_2005] {strides = array<i32>} : memref<32x128xf32, #tpu.memory_space<vmem>>, vector<1x16xf32>,
    %get3A_2007 = vector.shape_cast %get3A_2006 : vector<1x16xf32> to vector<16xf32>
    %eq3A_2008 = arith.constant 2 : i32
    %eq3A_2009 = vector.broadcast %eq3A_2008 : i32 to vector<16xi32>
    %eq3A_2010 = arith.cmpi eq, %get3A_1988, %eq3A_2009 : vector<16xi32>
    %select_n3A_2011 = arith.select %eq3A_2010, %get3A_2007, %select_n3A_2002 : vector<16xi1>, vector<16xf32>
    %get3A_2012 = arith.constant 22 : i32
    %get3A_2013 = arith.index_cast %get3A_2012 : i32 to index
    %get3A_2014 = arith.constant 48 : index
    %get3A_2015 = tpu.vector_load %arg8[%get3A_2013, %get3A_2014] {strides = array<i32>} : memref<32x128xf32, #tpu.memory_space<vmem>>, vector<1x16xf32>,
    %get3A_2016 = vector.shape_cast %get3A_2015 : vector<1x16xf32> to vector<16xf32>
    %eq3A_2017 = arith.constant 3 : i32
    %eq3A_2018 = vector.broadcast %eq3A_2017 : i32 to vector<16xi32>
    %eq3A_2019 = arith.cmpi eq, %get3A_1988, %eq3A_2018 : vector<16xi32>
    %select_n3A_2020 = arith.select %eq3A_2019, %get3A_2016, %select_n3A_2011 : vector<16xi1>, vector<16xf32>
    %get3A_2021 = arith.constant 22 : i32
    %get3A_2022 = arith.index_cast %get3A_2021 : i32 to index
    %get3A_2023 = arith.constant 64 : index
    %get3A_2024 = tpu.vector_load %arg8[%get3A_2022, %get3A_2023] {strides = array<i32>} : memref<32x128xf32, #tpu.memory_space<vmem>>, vector<1x16xf32>,
    %get3A_2025 = vector.shape_cast %get3A_2024 : vector<1x16xf32> to vector<16xf32>
    %eq3A_2026 = arith.constant 4 : i32
    %eq3A_2027 = vector.broadcast %eq3A_2026 : i32 to vector<16xi32>
    %eq3A_2028 = arith.cmpi eq, %get3A_1988, %eq3A_2027 : vector<16xi32>
    %select_n3A_2029 = arith.select %eq3A_2028, %get3A_2025, %select_n3A_2020 : vector<16xi1>, vector<16xf32>
    %get3A_2030 = arith.constant 22 : i32
    %get3A_2031 = arith.index_cast %get3A_2030 : i32 to index
    %get3A_2032 = arith.constant 80 : index
    %get3A_2033 = tpu.vector_load %arg8[%get3A_2031, %get3A_2032] {strides = array<i32>} : memref<32x128xf32, #tpu.memory_space<vmem>>, vector<1x16xf32>,
    %get3A_2034 = vector.shape_cast %get3A_2033 : vector<1x16xf32> to vector<16xf32>
    %eq3A_2035 = arith.constant 5 : i32
    %eq3A_2036 = vector.broadcast %eq3A_2035 : i32 to vector<16xi32>
    %eq3A_2037 = arith.cmpi eq, %get3A_1988, %eq3A_2036 : vector<16xi32>
    %select_n3A_2038 = arith.select %eq3A_2037, %get3A_2034, %select_n3A_2029 : vector<16xi1>, vector<16xf32>
    %get3A_2039 = arith.constant 22 : i32
    %get3A_2040 = arith.index_cast %get3A_2039 : i32 to index
    %get3A_2041 = arith.constant 96 : index
    %get3A_2042 = tpu.vector_load %arg8[%get3A_2040, %get3A_2041] {strides = array<i32>} : memref<32x128xf32, #tpu.memory_space<vmem>>, vector<1x16xf32>,
    %get3A_2043 = vector.shape_cast %get3A_2042 : vector<1x16xf32> to vector<16xf32>
    %eq3A_2044 = arith.constant 6 : i32
    %eq3A_2045 = vector.broadcast %eq3A_2044 : i32 to vector<16xi32>
    %eq3A_2046 = arith.cmpi eq, %get3A_1988, %eq3A_2045 : vector<16xi32>
    %select_n3A_2047 = arith.select %eq3A_2046, %get3A_2043, %select_n3A_2038 : vector<16xi1>, vector<16xf32>
    %get3A_2048 = arith.constant 22 : i32
    %get3A_2049 = arith.index_cast %get3A_2048 : i32 to index
    %get3A_2050 = arith.constant 112 : index
    %get3A_2051 = tpu.vector_load %arg8[%get3A_2049, %get3A_2050] {strides = array<i32>} : memref<32x128xf32, #tpu.memory_space<vmem>>, vector<1x16xf32>,
    %get3A_2052 = vector.shape_cast %get3A_2051 : vector<1x16xf32> to vector<16xf32>
    %eq3A_2053 = arith.constant 7 : i32
    %eq3A_2054 = vector.broadcast %eq3A_2053 : i32 to vector<16xi32>
    %eq3A_2055 = arith.cmpi eq, %get3A_1988, %eq3A_2054 : vector<16xi32>
    %select_n3A_2056 = arith.select %eq3A_2055, %get3A_2052, %select_n3A_2047 : vector<16xi1>, vector<16xf32>
    %swap3A_2057 = arith.constant 22 : i32
    %swap3A_2058 = arith.index_cast %swap3A_2057 : i32 to index
    %swap3A_2059 = arith.constant 0 : index
    %swap3A_2060 = tpu.vector_load %arg9[%swap3A_2058, %swap3A_2059] {strides = array<i32>} : memref<32x16xf32, #tpu.memory_space<vmem>>, vector<1x16xf32>,
    %swap3A_2061 = vector.shape_cast %swap3A_2060 : vector<1x16xf32> to vector<16xf32>
    %swap3A_2062 = vector.shape_cast %select_n3A_2056 : vector<16xf32> to vector<1x16xf32>
    tpu.vector_store %arg9[%swap3A_2058, %swap3A_2059], %swap3A_2062 {strides = array<i32>} : memref<32x16xf32, #tpu.memory_space<vmem>>, vector<1x16xf32>,
    %get3A_2063 = arith.constant 16 : index
    %get3A_2064 = tpu.vector_load %arg6[%get3A_2063] {strides = array<i32>} : memref<32xi32, #tpu.memory_space<vmem>>, vector<16xi32>,
    %get3A_2065 = vector.shape_cast %get3A_2064 : vector<16xi32> to vector<16xi32>
    %broadcast_in_dim3A_2066 = arith.constant 7 : i32
    %broadcast_in_dim3A_2067 = vector.broadcast %broadcast_in_dim3A_2066 : i32 to vector<16x1xi32>
    %gather3A_2068 = vector.shape_cast %broadcast_in_dim3A_2067 : vector<16x1xi32> to vector<16xi32>
    %gather3A_2069 = tpu.dynamic_gather %get3A_2065[%gather3A_2068] in [0] : vector<16xi32>, vector<16xi32> -> vector<16xi32>
    %swap3A_2070 = arith.constant 0 : index
    %swap3A_2071 = tpu.vector_load %arg7[%swap3A_2070] {strides = array<i32>} : memref<16xi32, #tpu.memory_space<vmem>>, vector<16xi32>,
    %swap3A_2072 = vector.shape_cast %swap3A_2071 : vector<16xi32> to vector<16xi32>
    %swap3A_2073 = vector.shape_cast %gather3A_2069 : vector<16xi32> to vector<16xi32>
    tpu.vector_store %arg7[%swap3A_2070], %swap3A_2073 {strides = array<i32>} : memref<16xi32, #tpu.memory_space<vmem>>, vector<16xi32>,
    %get3A_2074 = arith.constant 0 : index
    %get3A_2075 = tpu.vector_load %arg7[%get3A_2074] {strides = array<i32>} : memref<16xi32, #tpu.memory_space<vmem>>, vector<16xi32>,
    %get3A_2076 = vector.shape_cast %get3A_2075 : vector<16xi32> to vector<16xi32>
    %get3A_2077 = arith.constant 23 : i32
    %get3A_2078 = arith.index_cast %get3A_2077 : i32 to index
    %get3A_2079 = arith.constant 0 : index
    %get3A_2080 = tpu.vector_load %arg8[%get3A_2078, %get3A_2079] {strides = array<i32>} : memref<32x128xf32, #tpu.memory_space<vmem>>, vector<1x16xf32>,
    %get3A_2081 = vector.shape_cast %get3A_2080 : vector<1x16xf32> to vector<16xf32>
    %get3A_2082 = arith.constant 23 : i32
    %get3A_2083 = arith.index_cast %get3A_2082 : i32 to index
    %get3A_2084 = arith.constant 16 : index
    %get3A_2085 = tpu.vector_load %arg8[%get3A_2083, %get3A_2084] {strides = array<i32>} : memref<32x128xf32, #tpu.memory_space<vmem>>, vector<1x16xf32>,
    %get3A_2086 = vector.shape_cast %get3A_2085 : vector<1x16xf32> to vector<16xf32>
    %eq3A_2087 = arith.constant 1 : i32
    %eq3A_2088 = vector.broadcast %eq3A_2087 : i32 to vector<16xi32>
    %eq3A_2089 = arith.cmpi eq, %get3A_2076, %eq3A_2088 : vector<16xi32>
    %select_n3A_2090 = arith.select %eq3A_2089, %get3A_2086, %get3A_2081 : vector<16xi1>, vector<16xf32>
    %get3A_2091 = arith.constant 23 : i32
    %get3A_2092 = arith.index_cast %get3A_2091 : i32 to index
    %get3A_2093 = arith.constant 32 : index
    %get3A_2094 = tpu.vector_load %arg8[%get3A_2092, %get3A_2093] {strides = array<i32>} : memref<32x128xf32, #tpu.memory_space<vmem>>, vector<1x16xf32>,
    %get3A_2095 = vector.shape_cast %get3A_2094 : vector<1x16xf32> to vector<16xf32>
    %eq3A_2096 = arith.constant 2 : i32
    %eq3A_2097 = vector.broadcast %eq3A_2096 : i32 to vector<16xi32>
    %eq3A_2098 = arith.cmpi eq, %get3A_2076, %eq3A_2097 : vector<16xi32>
    %select_n3A_2099 = arith.select %eq3A_2098, %get3A_2095, %select_n3A_2090 : vector<16xi1>, vector<16xf32>
    %get3A_2100 = arith.constant 23 : i32
    %get3A_2101 = arith.index_cast %get3A_2100 : i32 to index
    %get3A_2102 = arith.constant 48 : index
    %get3A_2103 = tpu.vector_load %arg8[%get3A_2101, %get3A_2102] {strides = array<i32>} : memref<32x128xf32, #tpu.memory_space<vmem>>, vector<1x16xf32>,
    %get3A_2104 = vector.shape_cast %get3A_2103 : vector<1x16xf32> to vector<16xf32>
    %eq3A_2105 = arith.constant 3 : i32
    %eq3A_2106 = vector.broadcast %eq3A_2105 : i32 to vector<16xi32>
    %eq3A_2107 = arith.cmpi eq, %get3A_2076, %eq3A_2106 : vector<16xi32>
    %select_n3A_2108 = arith.select %eq3A_2107, %get3A_2104, %select_n3A_2099 : vector<16xi1>, vector<16xf32>
    %get3A_2109 = arith.constant 23 : i32
    %get3A_2110 = arith.index_cast %get3A_2109 : i32 to index
    %get3A_2111 = arith.constant 64 : index
    %get3A_2112 = tpu.vector_load %arg8[%get3A_2110, %get3A_2111] {strides = array<i32>} : memref<32x128xf32, #tpu.memory_space<vmem>>, vector<1x16xf32>,
    %get3A_2113 = vector.shape_cast %get3A_2112 : vector<1x16xf32> to vector<16xf32>
    %eq3A_2114 = arith.constant 4 : i32
    %eq3A_2115 = vector.broadcast %eq3A_2114 : i32 to vector<16xi32>
    %eq3A_2116 = arith.cmpi eq, %get3A_2076, %eq3A_2115 : vector<16xi32>
    %select_n3A_2117 = arith.select %eq3A_2116, %get3A_2113, %select_n3A_2108 : vector<16xi1>, vector<16xf32>
    %get3A_2118 = arith.constant 23 : i32
    %get3A_2119 = arith.index_cast %get3A_2118 : i32 to index
    %get3A_2120 = arith.constant 80 : index
    %get3A_2121 = tpu.vector_load %arg8[%get3A_2119, %get3A_2120] {strides = array<i32>} : memref<32x128xf32, #tpu.memory_space<vmem>>, vector<1x16xf32>,
    %get3A_2122 = vector.shape_cast %get3A_2121 : vector<1x16xf32> to vector<16xf32>
    %eq3A_2123 = arith.constant 5 : i32
    %eq3A_2124 = vector.broadcast %eq3A_2123 : i32 to vector<16xi32>
    %eq3A_2125 = arith.cmpi eq, %get3A_2076, %eq3A_2124 : vector<16xi32>
    %select_n3A_2126 = arith.select %eq3A_2125, %get3A_2122, %select_n3A_2117 : vector<16xi1>, vector<16xf32>
    %get3A_2127 = arith.constant 23 : i32
    %get3A_2128 = arith.index_cast %get3A_2127 : i32 to index
    %get3A_2129 = arith.constant 96 : index
    %get3A_2130 = tpu.vector_load %arg8[%get3A_2128, %get3A_2129] {strides = array<i32>} : memref<32x128xf32, #tpu.memory_space<vmem>>, vector<1x16xf32>,
    %get3A_2131 = vector.shape_cast %get3A_2130 : vector<1x16xf32> to vector<16xf32>
    %eq3A_2132 = arith.constant 6 : i32
    %eq3A_2133 = vector.broadcast %eq3A_2132 : i32 to vector<16xi32>
    %eq3A_2134 = arith.cmpi eq, %get3A_2076, %eq3A_2133 : vector<16xi32>
    %select_n3A_2135 = arith.select %eq3A_2134, %get3A_2131, %select_n3A_2126 : vector<16xi1>, vector<16xf32>
    %get3A_2136 = arith.constant 23 : i32
    %get3A_2137 = arith.index_cast %get3A_2136 : i32 to index
    %get3A_2138 = arith.constant 112 : index
    %get3A_2139 = tpu.vector_load %arg8[%get3A_2137, %get3A_2138] {strides = array<i32>} : memref<32x128xf32, #tpu.memory_space<vmem>>, vector<1x16xf32>,
    %get3A_2140 = vector.shape_cast %get3A_2139 : vector<1x16xf32> to vector<16xf32>
    %eq3A_2141 = arith.constant 7 : i32
    %eq3A_2142 = vector.broadcast %eq3A_2141 : i32 to vector<16xi32>
    %eq3A_2143 = arith.cmpi eq, %get3A_2076, %eq3A_2142 : vector<16xi32>
    %select_n3A_2144 = arith.select %eq3A_2143, %get3A_2140, %select_n3A_2135 : vector<16xi1>, vector<16xf32>
    %swap3A_2145 = arith.constant 23 : i32
    %swap3A_2146 = arith.index_cast %swap3A_2145 : i32 to index
    %swap3A_2147 = arith.constant 0 : index
    %swap3A_2148 = tpu.vector_load %arg9[%swap3A_2146, %swap3A_2147] {strides = array<i32>} : memref<32x16xf32, #tpu.memory_space<vmem>>, vector<1x16xf32>,
    %swap3A_2149 = vector.shape_cast %swap3A_2148 : vector<1x16xf32> to vector<16xf32>
    %swap3A_2150 = vector.shape_cast %select_n3A_2144 : vector<16xf32> to vector<1x16xf32>
    tpu.vector_store %arg9[%swap3A_2146, %swap3A_2147], %swap3A_2150 {strides = array<i32>} : memref<32x16xf32, #tpu.memory_space<vmem>>, vector<1x16xf32>,
    %get3A_2151 = arith.constant 16 : index
    %get3A_2152 = tpu.vector_load %arg6[%get3A_2151] {strides = array<i32>} : memref<32xi32, #tpu.memory_space<vmem>>, vector<16xi32>,
    %get3A_2153 = vector.shape_cast %get3A_2152 : vector<16xi32> to vector<16xi32>
    %broadcast_in_dim3A_2154 = arith.constant 8 : i32
    %broadcast_in_dim3A_2155 = vector.broadcast %broadcast_in_dim3A_2154 : i32 to vector<16x1xi32>
    %gather3A_2156 = vector.shape_cast %broadcast_in_dim3A_2155 : vector<16x1xi32> to vector<16xi32>
    %gather3A_2157 = tpu.dynamic_gather %get3A_2153[%gather3A_2156] in [0] : vector<16xi32>, vector<16xi32> -> vector<16xi32>
    %swap3A_2158 = arith.constant 0 : index
    %swap3A_2159 = tpu.vector_load %arg7[%swap3A_2158] {strides = array<i32>} : memref<16xi32, #tpu.memory_space<vmem>>, vector<16xi32>,
    %swap3A_2160 = vector.shape_cast %swap3A_2159 : vector<16xi32> to vector<16xi32>
    %swap3A_2161 = vector.shape_cast %gather3A_2157 : vector<16xi32> to vector<16xi32>
    tpu.vector_store %arg7[%swap3A_2158], %swap3A_2161 {strides = array<i32>} : memref<16xi32, #tpu.memory_space<vmem>>, vector<16xi32>,
    %get3A_2162 = arith.constant 0 : index
    %get3A_2163 = tpu.vector_load %arg7[%get3A_2162] {strides = array<i32>} : memref<16xi32, #tpu.memory_space<vmem>>, vector<16xi32>,
    %get3A_2164 = vector.shape_cast %get3A_2163 : vector<16xi32> to vector<16xi32>
    %get3A_2165 = arith.constant 24 : i32
    %get3A_2166 = arith.index_cast %get3A_2165 : i32 to index
    %get3A_2167 = arith.constant 0 : index
    %get3A_2168 = tpu.vector_load %arg8[%get3A_2166, %get3A_2167] {strides = array<i32>} : memref<32x128xf32, #tpu.memory_space<vmem>>, vector<1x16xf32>,
    %get3A_2169 = vector.shape_cast %get3A_2168 : vector<1x16xf32> to vector<16xf32>
    %get3A_2170 = arith.constant 24 : i32
    %get3A_2171 = arith.index_cast %get3A_2170 : i32 to index
    %get3A_2172 = arith.constant 16 : index
    %get3A_2173 = tpu.vector_load %arg8[%get3A_2171, %get3A_2172] {strides = array<i32>} : memref<32x128xf32, #tpu.memory_space<vmem>>, vector<1x16xf32>,
    %get3A_2174 = vector.shape_cast %get3A_2173 : vector<1x16xf32> to vector<16xf32>
    %eq3A_2175 = arith.constant 1 : i32
    %eq3A_2176 = vector.broadcast %eq3A_2175 : i32 to vector<16xi32>
    %eq3A_2177 = arith.cmpi eq, %get3A_2164, %eq3A_2176 : vector<16xi32>
    %select_n3A_2178 = arith.select %eq3A_2177, %get3A_2174, %get3A_2169 : vector<16xi1>, vector<16xf32>
    %get3A_2179 = arith.constant 24 : i32
    %get3A_2180 = arith.index_cast %get3A_2179 : i32 to index
    %get3A_2181 = arith.constant 32 : index
    %get3A_2182 = tpu.vector_load %arg8[%get3A_2180, %get3A_2181] {strides = array<i32>} : memref<32x128xf32, #tpu.memory_space<vmem>>, vector<1x16xf32>,
    %get3A_2183 = vector.shape_cast %get3A_2182 : vector<1x16xf32> to vector<16xf32>
    %eq3A_2184 = arith.constant 2 : i32
    %eq3A_2185 = vector.broadcast %eq3A_2184 : i32 to vector<16xi32>
    %eq3A_2186 = arith.cmpi eq, %get3A_2164, %eq3A_2185 : vector<16xi32>
    %select_n3A_2187 = arith.select %eq3A_2186, %get3A_2183, %select_n3A_2178 : vector<16xi1>, vector<16xf32>
    %get3A_2188 = arith.constant 24 : i32
    %get3A_2189 = arith.index_cast %get3A_2188 : i32 to index
    %get3A_2190 = arith.constant 48 : index
    %get3A_2191 = tpu.vector_load %arg8[%get3A_2189, %get3A_2190] {strides = array<i32>} : memref<32x128xf32, #tpu.memory_space<vmem>>, vector<1x16xf32>,
    %get3A_2192 = vector.shape_cast %get3A_2191 : vector<1x16xf32> to vector<16xf32>
    %eq3A_2193 = arith.constant 3 : i32
    %eq3A_2194 = vector.broadcast %eq3A_2193 : i32 to vector<16xi32>
    %eq3A_2195 = arith.cmpi eq, %get3A_2164, %eq3A_2194 : vector<16xi32>
    %select_n3A_2196 = arith.select %eq3A_2195, %get3A_2192, %select_n3A_2187 : vector<16xi1>, vector<16xf32>
    %get3A_2197 = arith.constant 24 : i32
    %get3A_2198 = arith.index_cast %get3A_2197 : i32 to index
    %get3A_2199 = arith.constant 64 : index
    %get3A_2200 = tpu.vector_load %arg8[%get3A_2198, %get3A_2199] {strides = array<i32>} : memref<32x128xf32, #tpu.memory_space<vmem>>, vector<1x16xf32>,
    %get3A_2201 = vector.shape_cast %get3A_2200 : vector<1x16xf32> to vector<16xf32>
    %eq3A_2202 = arith.constant 4 : i32
    %eq3A_2203 = vector.broadcast %eq3A_2202 : i32 to vector<16xi32>
    %eq3A_2204 = arith.cmpi eq, %get3A_2164, %eq3A_2203 : vector<16xi32>
    %select_n3A_2205 = arith.select %eq3A_2204, %get3A_2201, %select_n3A_2196 : vector<16xi1>, vector<16xf32>
    %get3A_2206 = arith.constant 24 : i32
    %get3A_2207 = arith.index_cast %get3A_2206 : i32 to index
    %get3A_2208 = arith.constant 80 : index
    %get3A_2209 = tpu.vector_load %arg8[%get3A_2207, %get3A_2208] {strides = array<i32>} : memref<32x128xf32, #tpu.memory_space<vmem>>, vector<1x16xf32>,
    %get3A_2210 = vector.shape_cast %get3A_2209 : vector<1x16xf32> to vector<16xf32>
    %eq3A_2211 = arith.constant 5 : i32
    %eq3A_2212 = vector.broadcast %eq3A_2211 : i32 to vector<16xi32>
    %eq3A_2213 = arith.cmpi eq, %get3A_2164, %eq3A_2212 : vector<16xi32>
    %select_n3A_2214 = arith.select %eq3A_2213, %get3A_2210, %select_n3A_2205 : vector<16xi1>, vector<16xf32>
    %get3A_2215 = arith.constant 24 : i32
    %get3A_2216 = arith.index_cast %get3A_2215 : i32 to index
    %get3A_2217 = arith.constant 96 : index
    %get3A_2218 = tpu.vector_load %arg8[%get3A_2216, %get3A_2217] {strides = array<i32>} : memref<32x128xf32, #tpu.memory_space<vmem>>, vector<1x16xf32>,
    %get3A_2219 = vector.shape_cast %get3A_2218 : vector<1x16xf32> to vector<16xf32>
    %eq3A_2220 = arith.constant 6 : i32
    %eq3A_2221 = vector.broadcast %eq3A_2220 : i32 to vector<16xi32>
    %eq3A_2222 = arith.cmpi eq, %get3A_2164, %eq3A_2221 : vector<16xi32>
    %select_n3A_2223 = arith.select %eq3A_2222, %get3A_2219, %select_n3A_2214 : vector<16xi1>, vector<16xf32>
    %get3A_2224 = arith.constant 24 : i32
    %get3A_2225 = arith.index_cast %get3A_2224 : i32 to index
    %get3A_2226 = arith.constant 112 : index
    %get3A_2227 = tpu.vector_load %arg8[%get3A_2225, %get3A_2226] {strides = array<i32>} : memref<32x128xf32, #tpu.memory_space<vmem>>, vector<1x16xf32>,
    %get3A_2228 = vector.shape_cast %get3A_2227 : vector<1x16xf32> to vector<16xf32>
    %eq3A_2229 = arith.constant 7 : i32
    %eq3A_2230 = vector.broadcast %eq3A_2229 : i32 to vector<16xi32>
    %eq3A_2231 = arith.cmpi eq, %get3A_2164, %eq3A_2230 : vector<16xi32>
    %select_n3A_2232 = arith.select %eq3A_2231, %get3A_2228, %select_n3A_2223 : vector<16xi1>, vector<16xf32>
    %swap3A_2233 = arith.constant 24 : i32
    %swap3A_2234 = arith.index_cast %swap3A_2233 : i32 to index
    %swap3A_2235 = arith.constant 0 : index
    %swap3A_2236 = tpu.vector_load %arg9[%swap3A_2234, %swap3A_2235] {strides = array<i32>} : memref<32x16xf32, #tpu.memory_space<vmem>>, vector<1x16xf32>,
    %swap3A_2237 = vector.shape_cast %swap3A_2236 : vector<1x16xf32> to vector<16xf32>
    %swap3A_2238 = vector.shape_cast %select_n3A_2232 : vector<16xf32> to vector<1x16xf32>
    tpu.vector_store %arg9[%swap3A_2234, %swap3A_2235], %swap3A_2238 {strides = array<i32>} : memref<32x16xf32, #tpu.memory_space<vmem>>, vector<1x16xf32>,
    %get3A_2239 = arith.constant 16 : index
    %get3A_2240 = tpu.vector_load %arg6[%get3A_2239] {strides = array<i32>} : memref<32xi32, #tpu.memory_space<vmem>>, vector<16xi32>,
    %get3A_2241 = vector.shape_cast %get3A_2240 : vector<16xi32> to vector<16xi32>
    %broadcast_in_dim3A_2242 = arith.constant 9 : i32
    %broadcast_in_dim3A_2243 = vector.broadcast %broadcast_in_dim3A_2242 : i32 to vector<16x1xi32>
    %gather3A_2244 = vector.shape_cast %broadcast_in_dim3A_2243 : vector<16x1xi32> to vector<16xi32>
    %gather3A_2245 = tpu.dynamic_gather %get3A_2241[%gather3A_2244] in [0] : vector<16xi32>, vector<16xi32> -> vector<16xi32>
    %swap3A_2246 = arith.constant 0 : index
    %swap3A_2247 = tpu.vector_load %arg7[%swap3A_2246] {strides = array<i32>} : memref<16xi32, #tpu.memory_space<vmem>>, vector<16xi32>,
    %swap3A_2248 = vector.shape_cast %swap3A_2247 : vector<16xi32> to vector<16xi32>
    %swap3A_2249 = vector.shape_cast %gather3A_2245 : vector<16xi32> to vector<16xi32>
    tpu.vector_store %arg7[%swap3A_2246], %swap3A_2249 {strides = array<i32>} : memref<16xi32, #tpu.memory_space<vmem>>, vector<16xi32>,
    %get3A_2250 = arith.constant 0 : index
    %get3A_2251 = tpu.vector_load %arg7[%get3A_2250] {strides = array<i32>} : memref<16xi32, #tpu.memory_space<vmem>>, vector<16xi32>,
    %get3A_2252 = vector.shape_cast %get3A_2251 : vector<16xi32> to vector<16xi32>
    %get3A_2253 = arith.constant 25 : i32
    %get3A_2254 = arith.index_cast %get3A_2253 : i32 to index
    %get3A_2255 = arith.constant 0 : index
    %get3A_2256 = tpu.vector_load %arg8[%get3A_2254, %get3A_2255] {strides = array<i32>} : memref<32x128xf32, #tpu.memory_space<vmem>>, vector<1x16xf32>,
    %get3A_2257 = vector.shape_cast %get3A_2256 : vector<1x16xf32> to vector<16xf32>
    %get3A_2258 = arith.constant 25 : i32
    %get3A_2259 = arith.index_cast %get3A_2258 : i32 to index
    %get3A_2260 = arith.constant 16 : index
    %get3A_2261 = tpu.vector_load %arg8[%get3A_2259, %get3A_2260] {strides = array<i32>} : memref<32x128xf32, #tpu.memory_space<vmem>>, vector<1x16xf32>,
    %get3A_2262 = vector.shape_cast %get3A_2261 : vector<1x16xf32> to vector<16xf32>
    %eq3A_2263 = arith.constant 1 : i32
    %eq3A_2264 = vector.broadcast %eq3A_2263 : i32 to vector<16xi32>
    %eq3A_2265 = arith.cmpi eq, %get3A_2252, %eq3A_2264 : vector<16xi32>
    %select_n3A_2266 = arith.select %eq3A_2265, %get3A_2262, %get3A_2257 : vector<16xi1>, vector<16xf32>
    %get3A_2267 = arith.constant 25 : i32
    %get3A_2268 = arith.index_cast %get3A_2267 : i32 to index
    %get3A_2269 = arith.constant 32 : index
    %get3A_2270 = tpu.vector_load %arg8[%get3A_2268, %get3A_2269] {strides = array<i32>} : memref<32x128xf32, #tpu.memory_space<vmem>>, vector<1x16xf32>,
    %get3A_2271 = vector.shape_cast %get3A_2270 : vector<1x16xf32> to vector<16xf32>
    %eq3A_2272 = arith.constant 2 : i32
    %eq3A_2273 = vector.broadcast %eq3A_2272 : i32 to vector<16xi32>
    %eq3A_2274 = arith.cmpi eq, %get3A_2252, %eq3A_2273 : vector<16xi32>
    %select_n3A_2275 = arith.select %eq3A_2274, %get3A_2271, %select_n3A_2266 : vector<16xi1>, vector<16xf32>
    %get3A_2276 = arith.constant 25 : i32
    %get3A_2277 = arith.index_cast %get3A_2276 : i32 to index
    %get3A_2278 = arith.constant 48 : index
    %get3A_2279 = tpu.vector_load %arg8[%get3A_2277, %get3A_2278] {strides = array<i32>} : memref<32x128xf32, #tpu.memory_space<vmem>>, vector<1x16xf32>,
    %get3A_2280 = vector.shape_cast %get3A_2279 : vector<1x16xf32> to vector<16xf32>
    %eq3A_2281 = arith.constant 3 : i32
    %eq3A_2282 = vector.broadcast %eq3A_2281 : i32 to vector<16xi32>
    %eq3A_2283 = arith.cmpi eq, %get3A_2252, %eq3A_2282 : vector<16xi32>
    %select_n3A_2284 = arith.select %eq3A_2283, %get3A_2280, %select_n3A_2275 : vector<16xi1>, vector<16xf32>
    %get3A_2285 = arith.constant 25 : i32
    %get3A_2286 = arith.index_cast %get3A_2285 : i32 to index
    %get3A_2287 = arith.constant 64 : index
    %get3A_2288 = tpu.vector_load %arg8[%get3A_2286, %get3A_2287] {strides = array<i32>} : memref<32x128xf32, #tpu.memory_space<vmem>>, vector<1x16xf32>,
    %get3A_2289 = vector.shape_cast %get3A_2288 : vector<1x16xf32> to vector<16xf32>
    %eq3A_2290 = arith.constant 4 : i32
    %eq3A_2291 = vector.broadcast %eq3A_2290 : i32 to vector<16xi32>
    %eq3A_2292 = arith.cmpi eq, %get3A_2252, %eq3A_2291 : vector<16xi32>
    %select_n3A_2293 = arith.select %eq3A_2292, %get3A_2289, %select_n3A_2284 : vector<16xi1>, vector<16xf32>
    %get3A_2294 = arith.constant 25 : i32
    %get3A_2295 = arith.index_cast %get3A_2294 : i32 to index
    %get3A_2296 = arith.constant 80 : index
    %get3A_2297 = tpu.vector_load %arg8[%get3A_2295, %get3A_2296] {strides = array<i32>} : memref<32x128xf32, #tpu.memory_space<vmem>>, vector<1x16xf32>,
    %get3A_2298 = vector.shape_cast %get3A_2297 : vector<1x16xf32> to vector<16xf32>
    %eq3A_2299 = arith.constant 5 : i32
    %eq3A_2300 = vector.broadcast %eq3A_2299 : i32 to vector<16xi32>
    %eq3A_2301 = arith.cmpi eq, %get3A_2252, %eq3A_2300 : vector<16xi32>
    %select_n3A_2302 = arith.select %eq3A_2301, %get3A_2298, %select_n3A_2293 : vector<16xi1>, vector<16xf32>
    %get3A_2303 = arith.constant 25 : i32
    %get3A_2304 = arith.index_cast %get3A_2303 : i32 to index
    %get3A_2305 = arith.constant 96 : index
    %get3A_2306 = tpu.vector_load %arg8[%get3A_2304, %get3A_2305] {strides = array<i32>} : memref<32x128xf32, #tpu.memory_space<vmem>>, vector<1x16xf32>,
    %get3A_2307 = vector.shape_cast %get3A_2306 : vector<1x16xf32> to vector<16xf32>
    %eq3A_2308 = arith.constant 6 : i32
    %eq3A_2309 = vector.broadcast %eq3A_2308 : i32 to vector<16xi32>
    %eq3A_2310 = arith.cmpi eq, %get3A_2252, %eq3A_2309 : vector<16xi32>
    %select_n3A_2311 = arith.select %eq3A_2310, %get3A_2307, %select_n3A_2302 : vector<16xi1>, vector<16xf32>
    %get3A_2312 = arith.constant 25 : i32
    %get3A_2313 = arith.index_cast %get3A_2312 : i32 to index
    %get3A_2314 = arith.constant 112 : index
    %get3A_2315 = tpu.vector_load %arg8[%get3A_2313, %get3A_2314] {strides = array<i32>} : memref<32x128xf32, #tpu.memory_space<vmem>>, vector<1x16xf32>,
    %get3A_2316 = vector.shape_cast %get3A_2315 : vector<1x16xf32> to vector<16xf32>
    %eq3A_2317 = arith.constant 7 : i32
    %eq3A_2318 = vector.broadcast %eq3A_2317 : i32 to vector<16xi32>
    %eq3A_2319 = arith.cmpi eq, %get3A_2252, %eq3A_2318 : vector<16xi32>
    %select_n3A_2320 = arith.select %eq3A_2319, %get3A_2316, %select_n3A_2311 : vector<16xi1>, vector<16xf32>
    %swap3A_2321 = arith.constant 25 : i32
    %swap3A_2322 = arith.index_cast %swap3A_2321 : i32 to index
    %swap3A_2323 = arith.constant 0 : index
    %swap3A_2324 = tpu.vector_load %arg9[%swap3A_2322, %swap3A_2323] {strides = array<i32>} : memref<32x16xf32, #tpu.memory_space<vmem>>, vector<1x16xf32>,
    %swap3A_2325 = vector.shape_cast %swap3A_2324 : vector<1x16xf32> to vector<16xf32>
    %swap3A_2326 = vector.shape_cast %select_n3A_2320 : vector<16xf32> to vector<1x16xf32>
    tpu.vector_store %arg9[%swap3A_2322, %swap3A_2323], %swap3A_2326 {strides = array<i32>} : memref<32x16xf32, #tpu.memory_space<vmem>>, vector<1x16xf32>,
    %get3A_2327 = arith.constant 16 : index
    %get3A_2328 = tpu.vector_load %arg6[%get3A_2327] {strides = array<i32>} : memref<32xi32, #tpu.memory_space<vmem>>, vector<16xi32>,
    %get3A_2329 = vector.shape_cast %get3A_2328 : vector<16xi32> to vector<16xi32>
    %broadcast_in_dim3A_2330 = arith.constant 10 : i32
    %broadcast_in_dim3A_2331 = vector.broadcast %broadcast_in_dim3A_2330 : i32 to vector<16x1xi32>
    %gather3A_2332 = vector.shape_cast %broadcast_in_dim3A_2331 : vector<16x1xi32> to vector<16xi32>
    %gather3A_2333 = tpu.dynamic_gather %get3A_2329[%gather3A_2332] in [0] : vector<16xi32>, vector<16xi32> -> vector<16xi32>
    %swap3A_2334 = arith.constant 0 : index
    %swap3A_2335 = tpu.vector_load %arg7[%swap3A_2334] {strides = array<i32>} : memref<16xi32, #tpu.memory_space<vmem>>, vector<16xi32>,
    %swap3A_2336 = vector.shape_cast %swap3A_2335 : vector<16xi32> to vector<16xi32>
    %swap3A_2337 = vector.shape_cast %gather3A_2333 : vector<16xi32> to vector<16xi32>
    tpu.vector_store %arg7[%swap3A_2334], %swap3A_2337 {strides = array<i32>} : memref<16xi32, #tpu.memory_space<vmem>>, vector<16xi32>,
    %get3A_2338 = arith.constant 0 : index
    %get3A_2339 = tpu.vector_load %arg7[%get3A_2338] {strides = array<i32>} : memref<16xi32, #tpu.memory_space<vmem>>, vector<16xi32>,
    %get3A_2340 = vector.shape_cast %get3A_2339 : vector<16xi32> to vector<16xi32>
    %get3A_2341 = arith.constant 26 : i32
    %get3A_2342 = arith.index_cast %get3A_2341 : i32 to index
    %get3A_2343 = arith.constant 0 : index
    %get3A_2344 = tpu.vector_load %arg8[%get3A_2342, %get3A_2343] {strides = array<i32>} : memref<32x128xf32, #tpu.memory_space<vmem>>, vector<1x16xf32>,
    %get3A_2345 = vector.shape_cast %get3A_2344 : vector<1x16xf32> to vector<16xf32>
    %get3A_2346 = arith.constant 26 : i32
    %get3A_2347 = arith.index_cast %get3A_2346 : i32 to index
    %get3A_2348 = arith.constant 16 : index
    %get3A_2349 = tpu.vector_load %arg8[%get3A_2347, %get3A_2348] {strides = array<i32>} : memref<32x128xf32, #tpu.memory_space<vmem>>, vector<1x16xf32>,
    %get3A_2350 = vector.shape_cast %get3A_2349 : vector<1x16xf32> to vector<16xf32>
    %eq3A_2351 = arith.constant 1 : i32
    %eq3A_2352 = vector.broadcast %eq3A_2351 : i32 to vector<16xi32>
    %eq3A_2353 = arith.cmpi eq, %get3A_2340, %eq3A_2352 : vector<16xi32>
    %select_n3A_2354 = arith.select %eq3A_2353, %get3A_2350, %get3A_2345 : vector<16xi1>, vector<16xf32>
    %get3A_2355 = arith.constant 26 : i32
    %get3A_2356 = arith.index_cast %get3A_2355 : i32 to index
    %get3A_2357 = arith.constant 32 : index
    %get3A_2358 = tpu.vector_load %arg8[%get3A_2356, %get3A_2357] {strides = array<i32>} : memref<32x128xf32, #tpu.memory_space<vmem>>, vector<1x16xf32>,
    %get3A_2359 = vector.shape_cast %get3A_2358 : vector<1x16xf32> to vector<16xf32>
    %eq3A_2360 = arith.constant 2 : i32
    %eq3A_2361 = vector.broadcast %eq3A_2360 : i32 to vector<16xi32>
    %eq3A_2362 = arith.cmpi eq, %get3A_2340, %eq3A_2361 : vector<16xi32>
    %select_n3A_2363 = arith.select %eq3A_2362, %get3A_2359, %select_n3A_2354 : vector<16xi1>, vector<16xf32>
    %get3A_2364 = arith.constant 26 : i32
    %get3A_2365 = arith.index_cast %get3A_2364 : i32 to index
    %get3A_2366 = arith.constant 48 : index
    %get3A_2367 = tpu.vector_load %arg8[%get3A_2365, %get3A_2366] {strides = array<i32>} : memref<32x128xf32, #tpu.memory_space<vmem>>, vector<1x16xf32>,
    %get3A_2368 = vector.shape_cast %get3A_2367 : vector<1x16xf32> to vector<16xf32>
    %eq3A_2369 = arith.constant 3 : i32
    %eq3A_2370 = vector.broadcast %eq3A_2369 : i32 to vector<16xi32>
    %eq3A_2371 = arith.cmpi eq, %get3A_2340, %eq3A_2370 : vector<16xi32>
    %select_n3A_2372 = arith.select %eq3A_2371, %get3A_2368, %select_n3A_2363 : vector<16xi1>, vector<16xf32>
    %get3A_2373 = arith.constant 26 : i32
    %get3A_2374 = arith.index_cast %get3A_2373 : i32 to index
    %get3A_2375 = arith.constant 64 : index
    %get3A_2376 = tpu.vector_load %arg8[%get3A_2374, %get3A_2375] {strides = array<i32>} : memref<32x128xf32, #tpu.memory_space<vmem>>, vector<1x16xf32>,
    %get3A_2377 = vector.shape_cast %get3A_2376 : vector<1x16xf32> to vector<16xf32>
    %eq3A_2378 = arith.constant 4 : i32
    %eq3A_2379 = vector.broadcast %eq3A_2378 : i32 to vector<16xi32>
    %eq3A_2380 = arith.cmpi eq, %get3A_2340, %eq3A_2379 : vector<16xi32>
    %select_n3A_2381 = arith.select %eq3A_2380, %get3A_2377, %select_n3A_2372 : vector<16xi1>, vector<16xf32>
    %get3A_2382 = arith.constant 26 : i32
    %get3A_2383 = arith.index_cast %get3A_2382 : i32 to index
    %get3A_2384 = arith.constant 80 : index
    %get3A_2385 = tpu.vector_load %arg8[%get3A_2383, %get3A_2384] {strides = array<i32>} : memref<32x128xf32, #tpu.memory_space<vmem>>, vector<1x16xf32>,
    %get3A_2386 = vector.shape_cast %get3A_2385 : vector<1x16xf32> to vector<16xf32>
    %eq3A_2387 = arith.constant 5 : i32
    %eq3A_2388 = vector.broadcast %eq3A_2387 : i32 to vector<16xi32>
    %eq3A_2389 = arith.cmpi eq, %get3A_2340, %eq3A_2388 : vector<16xi32>
    %select_n3A_2390 = arith.select %eq3A_2389, %get3A_2386, %select_n3A_2381 : vector<16xi1>, vector<16xf32>
    %get3A_2391 = arith.constant 26 : i32
    %get3A_2392 = arith.index_cast %get3A_2391 : i32 to index
    %get3A_2393 = arith.constant 96 : index
    %get3A_2394 = tpu.vector_load %arg8[%get3A_2392, %get3A_2393] {strides = array<i32>} : memref<32x128xf32, #tpu.memory_space<vmem>>, vector<1x16xf32>,
    %get3A_2395 = vector.shape_cast %get3A_2394 : vector<1x16xf32> to vector<16xf32>
    %eq3A_2396 = arith.constant 6 : i32
    %eq3A_2397 = vector.broadcast %eq3A_2396 : i32 to vector<16xi32>
    %eq3A_2398 = arith.cmpi eq, %get3A_2340, %eq3A_2397 : vector<16xi32>
    %select_n3A_2399 = arith.select %eq3A_2398, %get3A_2395, %select_n3A_2390 : vector<16xi1>, vector<16xf32>
    %get3A_2400 = arith.constant 26 : i32
    %get3A_2401 = arith.index_cast %get3A_2400 : i32 to index
    %get3A_2402 = arith.constant 112 : index
    %get3A_2403 = tpu.vector_load %arg8[%get3A_2401, %get3A_2402] {strides = array<i32>} : memref<32x128xf32, #tpu.memory_space<vmem>>, vector<1x16xf32>,
    %get3A_2404 = vector.shape_cast %get3A_2403 : vector<1x16xf32> to vector<16xf32>
    %eq3A_2405 = arith.constant 7 : i32
    %eq3A_2406 = vector.broadcast %eq3A_2405 : i32 to vector<16xi32>
    %eq3A_2407 = arith.cmpi eq, %get3A_2340, %eq3A_2406 : vector<16xi32>
    %select_n3A_2408 = arith.select %eq3A_2407, %get3A_2404, %select_n3A_2399 : vector<16xi1>, vector<16xf32>
    %swap3A_2409 = arith.constant 26 : i32
    %swap3A_2410 = arith.index_cast %swap3A_2409 : i32 to index
    %swap3A_2411 = arith.constant 0 : index
    %swap3A_2412 = tpu.vector_load %arg9[%swap3A_2410, %swap3A_2411] {strides = array<i32>} : memref<32x16xf32, #tpu.memory_space<vmem>>, vector<1x16xf32>,
    %swap3A_2413 = vector.shape_cast %swap3A_2412 : vector<1x16xf32> to vector<16xf32>
    %swap3A_2414 = vector.shape_cast %select_n3A_2408 : vector<16xf32> to vector<1x16xf32>
    tpu.vector_store %arg9[%swap3A_2410, %swap3A_2411], %swap3A_2414 {strides = array<i32>} : memref<32x16xf32, #tpu.memory_space<vmem>>, vector<1x16xf32>,
    %get3A_2415 = arith.constant 16 : index
    %get3A_2416 = tpu.vector_load %arg6[%get3A_2415] {strides = array<i32>} : memref<32xi32, #tpu.memory_space<vmem>>, vector<16xi32>,
    %get3A_2417 = vector.shape_cast %get3A_2416 : vector<16xi32> to vector<16xi32>
    %broadcast_in_dim3A_2418 = arith.constant 11 : i32
    %broadcast_in_dim3A_2419 = vector.broadcast %broadcast_in_dim3A_2418 : i32 to vector<16x1xi32>
    %gather3A_2420 = vector.shape_cast %broadcast_in_dim3A_2419 : vector<16x1xi32> to vector<16xi32>
    %gather3A_2421 = tpu.dynamic_gather %get3A_2417[%gather3A_2420] in [0] : vector<16xi32>, vector<16xi32> -> vector<16xi32>
    %swap3A_2422 = arith.constant 0 : index
    %swap3A_2423 = tpu.vector_load %arg7[%swap3A_2422] {strides = array<i32>} : memref<16xi32, #tpu.memory_space<vmem>>, vector<16xi32>,
    %swap3A_2424 = vector.shape_cast %swap3A_2423 : vector<16xi32> to vector<16xi32>
    %swap3A_2425 = vector.shape_cast %gather3A_2421 : vector<16xi32> to vector<16xi32>
    tpu.vector_store %arg7[%swap3A_2422], %swap3A_2425 {strides = array<i32>} : memref<16xi32, #tpu.memory_space<vmem>>, vector<16xi32>,
    %get3A_2426 = arith.constant 0 : index
    %get3A_2427 = tpu.vector_load %arg7[%get3A_2426] {strides = array<i32>} : memref<16xi32, #tpu.memory_space<vmem>>, vector<16xi32>,
    %get3A_2428 = vector.shape_cast %get3A_2427 : vector<16xi32> to vector<16xi32>
    %get3A_2429 = arith.constant 27 : i32
    %get3A_2430 = arith.index_cast %get3A_2429 : i32 to index
    %get3A_2431 = arith.constant 0 : index
    %get3A_2432 = tpu.vector_load %arg8[%get3A_2430, %get3A_2431] {strides = array<i32>} : memref<32x128xf32, #tpu.memory_space<vmem>>, vector<1x16xf32>,
    %get3A_2433 = vector.shape_cast %get3A_2432 : vector<1x16xf32> to vector<16xf32>
    %get3A_2434 = arith.constant 27 : i32
    %get3A_2435 = arith.index_cast %get3A_2434 : i32 to index
    %get3A_2436 = arith.constant 16 : index
    %get3A_2437 = tpu.vector_load %arg8[%get3A_2435, %get3A_2436] {strides = array<i32>} : memref<32x128xf32, #tpu.memory_space<vmem>>, vector<1x16xf32>,
    %get3A_2438 = vector.shape_cast %get3A_2437 : vector<1x16xf32> to vector<16xf32>
    %eq3A_2439 = arith.constant 1 : i32
    %eq3A_2440 = vector.broadcast %eq3A_2439 : i32 to vector<16xi32>
    %eq3A_2441 = arith.cmpi eq, %get3A_2428, %eq3A_2440 : vector<16xi32>
    %select_n3A_2442 = arith.select %eq3A_2441, %get3A_2438, %get3A_2433 : vector<16xi1>, vector<16xf32>
    %get3A_2443 = arith.constant 27 : i32
    %get3A_2444 = arith.index_cast %get3A_2443 : i32 to index
    %get3A_2445 = arith.constant 32 : index
    %get3A_2446 = tpu.vector_load %arg8[%get3A_2444, %get3A_2445] {strides = array<i32>} : memref<32x128xf32, #tpu.memory_space<vmem>>, vector<1x16xf32>,
    %get3A_2447 = vector.shape_cast %get3A_2446 : vector<1x16xf32> to vector<16xf32>
    %eq3A_2448 = arith.constant 2 : i32
    %eq3A_2449 = vector.broadcast %eq3A_2448 : i32 to vector<16xi32>
    %eq3A_2450 = arith.cmpi eq, %get3A_2428, %eq3A_2449 : vector<16xi32>
    %select_n3A_2451 = arith.select %eq3A_2450, %get3A_2447, %select_n3A_2442 : vector<16xi1>, vector<16xf32>
    %get3A_2452 = arith.constant 27 : i32
    %get3A_2453 = arith.index_cast %get3A_2452 : i32 to index
    %get3A_2454 = arith.constant 48 : index
    %get3A_2455 = tpu.vector_load %arg8[%get3A_2453, %get3A_2454] {strides = array<i32>} : memref<32x128xf32, #tpu.memory_space<vmem>>, vector<1x16xf32>,
    %get3A_2456 = vector.shape_cast %get3A_2455 : vector<1x16xf32> to vector<16xf32>
    %eq3A_2457 = arith.constant 3 : i32
    %eq3A_2458 = vector.broadcast %eq3A_2457 : i32 to vector<16xi32>
    %eq3A_2459 = arith.cmpi eq, %get3A_2428, %eq3A_2458 : vector<16xi32>
    %select_n3A_2460 = arith.select %eq3A_2459, %get3A_2456, %select_n3A_2451 : vector<16xi1>, vector<16xf32>
    %get3A_2461 = arith.constant 27 : i32
    %get3A_2462 = arith.index_cast %get3A_2461 : i32 to index
    %get3A_2463 = arith.constant 64 : index
    %get3A_2464 = tpu.vector_load %arg8[%get3A_2462, %get3A_2463] {strides = array<i32>} : memref<32x128xf32, #tpu.memory_space<vmem>>, vector<1x16xf32>,
    %get3A_2465 = vector.shape_cast %get3A_2464 : vector<1x16xf32> to vector<16xf32>
    %eq3A_2466 = arith.constant 4 : i32
    %eq3A_2467 = vector.broadcast %eq3A_2466 : i32 to vector<16xi32>
    %eq3A_2468 = arith.cmpi eq, %get3A_2428, %eq3A_2467 : vector<16xi32>
    %select_n3A_2469 = arith.select %eq3A_2468, %get3A_2465, %select_n3A_2460 : vector<16xi1>, vector<16xf32>
    %get3A_2470 = arith.constant 27 : i32
    %get3A_2471 = arith.index_cast %get3A_2470 : i32 to index
    %get3A_2472 = arith.constant 80 : index
    %get3A_2473 = tpu.vector_load %arg8[%get3A_2471, %get3A_2472] {strides = array<i32>} : memref<32x128xf32, #tpu.memory_space<vmem>>, vector<1x16xf32>,
    %get3A_2474 = vector.shape_cast %get3A_2473 : vector<1x16xf32> to vector<16xf32>
    %eq3A_2475 = arith.constant 5 : i32
    %eq3A_2476 = vector.broadcast %eq3A_2475 : i32 to vector<16xi32>
    %eq3A_2477 = arith.cmpi eq, %get3A_2428, %eq3A_2476 : vector<16xi32>
    %select_n3A_2478 = arith.select %eq3A_2477, %get3A_2474, %select_n3A_2469 : vector<16xi1>, vector<16xf32>
    %get3A_2479 = arith.constant 27 : i32
    %get3A_2480 = arith.index_cast %get3A_2479 : i32 to index
    %get3A_2481 = arith.constant 96 : index
    %get3A_2482 = tpu.vector_load %arg8[%get3A_2480, %get3A_2481] {strides = array<i32>} : memref<32x128xf32, #tpu.memory_space<vmem>>, vector<1x16xf32>,
    %get3A_2483 = vector.shape_cast %get3A_2482 : vector<1x16xf32> to vector<16xf32>
    %eq3A_2484 = arith.constant 6 : i32
    %eq3A_2485 = vector.broadcast %eq3A_2484 : i32 to vector<16xi32>
    %eq3A_2486 = arith.cmpi eq, %get3A_2428, %eq3A_2485 : vector<16xi32>
    %select_n3A_2487 = arith.select %eq3A_2486, %get3A_2483, %select_n3A_2478 : vector<16xi1>, vector<16xf32>
    %get3A_2488 = arith.constant 27 : i32
    %get3A_2489 = arith.index_cast %get3A_2488 : i32 to index
    %get3A_2490 = arith.constant 112 : index
    %get3A_2491 = tpu.vector_load %arg8[%get3A_2489, %get3A_2490] {strides = array<i32>} : memref<32x128xf32, #tpu.memory_space<vmem>>, vector<1x16xf32>,
    %get3A_2492 = vector.shape_cast %get3A_2491 : vector<1x16xf32> to vector<16xf32>
    %eq3A_2493 = arith.constant 7 : i32
    %eq3A_2494 = vector.broadcast %eq3A_2493 : i32 to vector<16xi32>
    %eq3A_2495 = arith.cmpi eq, %get3A_2428, %eq3A_2494 : vector<16xi32>
    %select_n3A_2496 = arith.select %eq3A_2495, %get3A_2492, %select_n3A_2487 : vector<16xi1>, vector<16xf32>
    %swap3A_2497 = arith.constant 27 : i32
    %swap3A_2498 = arith.index_cast %swap3A_2497 : i32 to index
    %swap3A_2499 = arith.constant 0 : index
    %swap3A_2500 = tpu.vector_load %arg9[%swap3A_2498, %swap3A_2499] {strides = array<i32>} : memref<32x16xf32, #tpu.memory_space<vmem>>, vector<1x16xf32>,
    %swap3A_2501 = vector.shape_cast %swap3A_2500 : vector<1x16xf32> to vector<16xf32>
    %swap3A_2502 = vector.shape_cast %select_n3A_2496 : vector<16xf32> to vector<1x16xf32>
    tpu.vector_store %arg9[%swap3A_2498, %swap3A_2499], %swap3A_2502 {strides = array<i32>} : memref<32x16xf32, #tpu.memory_space<vmem>>, vector<1x16xf32>,
    %get3A_2503 = arith.constant 16 : index
    %get3A_2504 = tpu.vector_load %arg6[%get3A_2503] {strides = array<i32>} : memref<32xi32, #tpu.memory_space<vmem>>, vector<16xi32>,
    %get3A_2505 = vector.shape_cast %get3A_2504 : vector<16xi32> to vector<16xi32>
    %broadcast_in_dim3A_2506 = arith.constant 12 : i32
    %broadcast_in_dim3A_2507 = vector.broadcast %broadcast_in_dim3A_2506 : i32 to vector<16x1xi32>
    %gather3A_2508 = vector.shape_cast %broadcast_in_dim3A_2507 : vector<16x1xi32> to vector<16xi32>
    %gather3A_2509 = tpu.dynamic_gather %get3A_2505[%gather3A_2508] in [0] : vector<16xi32>, vector<16xi32> -> vector<16xi32>
    %swap3A_2510 = arith.constant 0 : index
    %swap3A_2511 = tpu.vector_load %arg7[%swap3A_2510] {strides = array<i32>} : memref<16xi32, #tpu.memory_space<vmem>>, vector<16xi32>,
    %swap3A_2512 = vector.shape_cast %swap3A_2511 : vector<16xi32> to vector<16xi32>
    %swap3A_2513 = vector.shape_cast %gather3A_2509 : vector<16xi32> to vector<16xi32>
    tpu.vector_store %arg7[%swap3A_2510], %swap3A_2513 {strides = array<i32>} : memref<16xi32, #tpu.memory_space<vmem>>, vector<16xi32>,
    %get3A_2514 = arith.constant 0 : index
    %get3A_2515 = tpu.vector_load %arg7[%get3A_2514] {strides = array<i32>} : memref<16xi32, #tpu.memory_space<vmem>>, vector<16xi32>,
    %get3A_2516 = vector.shape_cast %get3A_2515 : vector<16xi32> to vector<16xi32>
    %get3A_2517 = arith.constant 28 : i32
    %get3A_2518 = arith.index_cast %get3A_2517 : i32 to index
    %get3A_2519 = arith.constant 0 : index
    %get3A_2520 = tpu.vector_load %arg8[%get3A_2518, %get3A_2519] {strides = array<i32>} : memref<32x128xf32, #tpu.memory_space<vmem>>, vector<1x16xf32>,
    %get3A_2521 = vector.shape_cast %get3A_2520 : vector<1x16xf32> to vector<16xf32>
    %get3A_2522 = arith.constant 28 : i32
    %get3A_2523 = arith.index_cast %get3A_2522 : i32 to index
    %get3A_2524 = arith.constant 16 : index
    %get3A_2525 = tpu.vector_load %arg8[%get3A_2523, %get3A_2524] {strides = array<i32>} : memref<32x128xf32, #tpu.memory_space<vmem>>, vector<1x16xf32>,
    %get3A_2526 = vector.shape_cast %get3A_2525 : vector<1x16xf32> to vector<16xf32>
    %eq3A_2527 = arith.constant 1 : i32
    %eq3A_2528 = vector.broadcast %eq3A_2527 : i32 to vector<16xi32>
    %eq3A_2529 = arith.cmpi eq, %get3A_2516, %eq3A_2528 : vector<16xi32>
    %select_n3A_2530 = arith.select %eq3A_2529, %get3A_2526, %get3A_2521 : vector<16xi1>, vector<16xf32>
    %get3A_2531 = arith.constant 28 : i32
    %get3A_2532 = arith.index_cast %get3A_2531 : i32 to index
    %get3A_2533 = arith.constant 32 : index
    %get3A_2534 = tpu.vector_load %arg8[%get3A_2532, %get3A_2533] {strides = array<i32>} : memref<32x128xf32, #tpu.memory_space<vmem>>, vector<1x16xf32>,
    %get3A_2535 = vector.shape_cast %get3A_2534 : vector<1x16xf32> to vector<16xf32>
    %eq3A_2536 = arith.constant 2 : i32
    %eq3A_2537 = vector.broadcast %eq3A_2536 : i32 to vector<16xi32>
    %eq3A_2538 = arith.cmpi eq, %get3A_2516, %eq3A_2537 : vector<16xi32>
    %select_n3A_2539 = arith.select %eq3A_2538, %get3A_2535, %select_n3A_2530 : vector<16xi1>, vector<16xf32>
    %get3A_2540 = arith.constant 28 : i32
    %get3A_2541 = arith.index_cast %get3A_2540 : i32 to index
    %get3A_2542 = arith.constant 48 : index
    %get3A_2543 = tpu.vector_load %arg8[%get3A_2541, %get3A_2542] {strides = array<i32>} : memref<32x128xf32, #tpu.memory_space<vmem>>, vector<1x16xf32>,
    %get3A_2544 = vector.shape_cast %get3A_2543 : vector<1x16xf32> to vector<16xf32>
    %eq3A_2545 = arith.constant 3 : i32
    %eq3A_2546 = vector.broadcast %eq3A_2545 : i32 to vector<16xi32>
    %eq3A_2547 = arith.cmpi eq, %get3A_2516, %eq3A_2546 : vector<16xi32>
    %select_n3A_2548 = arith.select %eq3A_2547, %get3A_2544, %select_n3A_2539 : vector<16xi1>, vector<16xf32>
    %get3A_2549 = arith.constant 28 : i32
    %get3A_2550 = arith.index_cast %get3A_2549 : i32 to index
    %get3A_2551 = arith.constant 64 : index
    %get3A_2552 = tpu.vector_load %arg8[%get3A_2550, %get3A_2551] {strides = array<i32>} : memref<32x128xf32, #tpu.memory_space<vmem>>, vector<1x16xf32>,
    %get3A_2553 = vector.shape_cast %get3A_2552 : vector<1x16xf32> to vector<16xf32>
    %eq3A_2554 = arith.constant 4 : i32
    %eq3A_2555 = vector.broadcast %eq3A_2554 : i32 to vector<16xi32>
    %eq3A_2556 = arith.cmpi eq, %get3A_2516, %eq3A_2555 : vector<16xi32>
    %select_n3A_2557 = arith.select %eq3A_2556, %get3A_2553, %select_n3A_2548 : vector<16xi1>, vector<16xf32>
    %get3A_2558 = arith.constant 28 : i32
    %get3A_2559 = arith.index_cast %get3A_2558 : i32 to index
    %get3A_2560 = arith.constant 80 : index
    %get3A_2561 = tpu.vector_load %arg8[%get3A_2559, %get3A_2560] {strides = array<i32>} : memref<32x128xf32, #tpu.memory_space<vmem>>, vector<1x16xf32>,
    %get3A_2562 = vector.shape_cast %get3A_2561 : vector<1x16xf32> to vector<16xf32>
    %eq3A_2563 = arith.constant 5 : i32
    %eq3A_2564 = vector.broadcast %eq3A_2563 : i32 to vector<16xi32>
    %eq3A_2565 = arith.cmpi eq, %get3A_2516, %eq3A_2564 : vector<16xi32>
    %select_n3A_2566 = arith.select %eq3A_2565, %get3A_2562, %select_n3A_2557 : vector<16xi1>, vector<16xf32>
    %get3A_2567 = arith.constant 28 : i32
    %get3A_2568 = arith.index_cast %get3A_2567 : i32 to index
    %get3A_2569 = arith.constant 96 : index
    %get3A_2570 = tpu.vector_load %arg8[%get3A_2568, %get3A_2569] {strides = array<i32>} : memref<32x128xf32, #tpu.memory_space<vmem>>, vector<1x16xf32>,
    %get3A_2571 = vector.shape_cast %get3A_2570 : vector<1x16xf32> to vector<16xf32>
    %eq3A_2572 = arith.constant 6 : i32
    %eq3A_2573 = vector.broadcast %eq3A_2572 : i32 to vector<16xi32>
    %eq3A_2574 = arith.cmpi eq, %get3A_2516, %eq3A_2573 : vector<16xi32>
    %select_n3A_2575 = arith.select %eq3A_2574, %get3A_2571, %select_n3A_2566 : vector<16xi1>, vector<16xf32>
    %get3A_2576 = arith.constant 28 : i32
    %get3A_2577 = arith.index_cast %get3A_2576 : i32 to index
    %get3A_2578 = arith.constant 112 : index
    %get3A_2579 = tpu.vector_load %arg8[%get3A_2577, %get3A_2578] {strides = array<i32>} : memref<32x128xf32, #tpu.memory_space<vmem>>, vector<1x16xf32>,
    %get3A_2580 = vector.shape_cast %get3A_2579 : vector<1x16xf32> to vector<16xf32>
    %eq3A_2581 = arith.constant 7 : i32
    %eq3A_2582 = vector.broadcast %eq3A_2581 : i32 to vector<16xi32>
    %eq3A_2583 = arith.cmpi eq, %get3A_2516, %eq3A_2582 : vector<16xi32>
    %select_n3A_2584 = arith.select %eq3A_2583, %get3A_2580, %select_n3A_2575 : vector<16xi1>, vector<16xf32>
    %swap3A_2585 = arith.constant 28 : i32
    %swap3A_2586 = arith.index_cast %swap3A_2585 : i32 to index
    %swap3A_2587 = arith.constant 0 : index
    %swap3A_2588 = tpu.vector_load %arg9[%swap3A_2586, %swap3A_2587] {strides = array<i32>} : memref<32x16xf32, #tpu.memory_space<vmem>>, vector<1x16xf32>,
    %swap3A_2589 = vector.shape_cast %swap3A_2588 : vector<1x16xf32> to vector<16xf32>
    %swap3A_2590 = vector.shape_cast %select_n3A_2584 : vector<16xf32> to vector<1x16xf32>
    tpu.vector_store %arg9[%swap3A_2586, %swap3A_2587], %swap3A_2590 {strides = array<i32>} : memref<32x16xf32, #tpu.memory_space<vmem>>, vector<1x16xf32>,
    %get3A_2591 = arith.constant 16 : index
    %get3A_2592 = tpu.vector_load %arg6[%get3A_2591] {strides = array<i32>} : memref<32xi32, #tpu.memory_space<vmem>>, vector<16xi32>,
    %get3A_2593 = vector.shape_cast %get3A_2592 : vector<16xi32> to vector<16xi32>
    %broadcast_in_dim3A_2594 = arith.constant 13 : i32
    %broadcast_in_dim3A_2595 = vector.broadcast %broadcast_in_dim3A_2594 : i32 to vector<16x1xi32>
    %gather3A_2596 = vector.shape_cast %broadcast_in_dim3A_2595 : vector<16x1xi32> to vector<16xi32>
    %gather3A_2597 = tpu.dynamic_gather %get3A_2593[%gather3A_2596] in [0] : vector<16xi32>, vector<16xi32> -> vector<16xi32>
    %swap3A_2598 = arith.constant 0 : index
    %swap3A_2599 = tpu.vector_load %arg7[%swap3A_2598] {strides = array<i32>} : memref<16xi32, #tpu.memory_space<vmem>>, vector<16xi32>,
    %swap3A_2600 = vector.shape_cast %swap3A_2599 : vector<16xi32> to vector<16xi32>
    %swap3A_2601 = vector.shape_cast %gather3A_2597 : vector<16xi32> to vector<16xi32>
    tpu.vector_store %arg7[%swap3A_2598], %swap3A_2601 {strides = array<i32>} : memref<16xi32, #tpu.memory_space<vmem>>, vector<16xi32>,
    %get3A_2602 = arith.constant 0 : index
    %get3A_2603 = tpu.vector_load %arg7[%get3A_2602] {strides = array<i32>} : memref<16xi32, #tpu.memory_space<vmem>>, vector<16xi32>,
    %get3A_2604 = vector.shape_cast %get3A_2603 : vector<16xi32> to vector<16xi32>
    %get3A_2605 = arith.constant 29 : i32
    %get3A_2606 = arith.index_cast %get3A_2605 : i32 to index
    %get3A_2607 = arith.constant 0 : index
    %get3A_2608 = tpu.vector_load %arg8[%get3A_2606, %get3A_2607] {strides = array<i32>} : memref<32x128xf32, #tpu.memory_space<vmem>>, vector<1x16xf32>,
    %get3A_2609 = vector.shape_cast %get3A_2608 : vector<1x16xf32> to vector<16xf32>
    %get3A_2610 = arith.constant 29 : i32
    %get3A_2611 = arith.index_cast %get3A_2610 : i32 to index
    %get3A_2612 = arith.constant 16 : index
    %get3A_2613 = tpu.vector_load %arg8[%get3A_2611, %get3A_2612] {strides = array<i32>} : memref<32x128xf32, #tpu.memory_space<vmem>>, vector<1x16xf32>,
    %get3A_2614 = vector.shape_cast %get3A_2613 : vector<1x16xf32> to vector<16xf32>
    %eq3A_2615 = arith.constant 1 : i32
    %eq3A_2616 = vector.broadcast %eq3A_2615 : i32 to vector<16xi32>
    %eq3A_2617 = arith.cmpi eq, %get3A_2604, %eq3A_2616 : vector<16xi32>
    %select_n3A_2618 = arith.select %eq3A_2617, %get3A_2614, %get3A_2609 : vector<16xi1>, vector<16xf32>
    %get3A_2619 = arith.constant 29 : i32
    %get3A_2620 = arith.index_cast %get3A_2619 : i32 to index
    %get3A_2621 = arith.constant 32 : index
    %get3A_2622 = tpu.vector_load %arg8[%get3A_2620, %get3A_2621] {strides = array<i32>} : memref<32x128xf32, #tpu.memory_space<vmem>>, vector<1x16xf32>,
    %get3A_2623 = vector.shape_cast %get3A_2622 : vector<1x16xf32> to vector<16xf32>
    %eq3A_2624 = arith.constant 2 : i32
    %eq3A_2625 = vector.broadcast %eq3A_2624 : i32 to vector<16xi32>
    %eq3A_2626 = arith.cmpi eq, %get3A_2604, %eq3A_2625 : vector<16xi32>
    %select_n3A_2627 = arith.select %eq3A_2626, %get3A_2623, %select_n3A_2618 : vector<16xi1>, vector<16xf32>
    %get3A_2628 = arith.constant 29 : i32
    %get3A_2629 = arith.index_cast %get3A_2628 : i32 to index
    %get3A_2630 = arith.constant 48 : index
    %get3A_2631 = tpu.vector_load %arg8[%get3A_2629, %get3A_2630] {strides = array<i32>} : memref<32x128xf32, #tpu.memory_space<vmem>>, vector<1x16xf32>,
    %get3A_2632 = vector.shape_cast %get3A_2631 : vector<1x16xf32> to vector<16xf32>
    %eq3A_2633 = arith.constant 3 : i32
    %eq3A_2634 = vector.broadcast %eq3A_2633 : i32 to vector<16xi32>
    %eq3A_2635 = arith.cmpi eq, %get3A_2604, %eq3A_2634 : vector<16xi32>
    %select_n3A_2636 = arith.select %eq3A_2635, %get3A_2632, %select_n3A_2627 : vector<16xi1>, vector<16xf32>
    %get3A_2637 = arith.constant 29 : i32
    %get3A_2638 = arith.index_cast %get3A_2637 : i32 to index
    %get3A_2639 = arith.constant 64 : index
    %get3A_2640 = tpu.vector_load %arg8[%get3A_2638, %get3A_2639] {strides = array<i32>} : memref<32x128xf32, #tpu.memory_space<vmem>>, vector<1x16xf32>,
    %get3A_2641 = vector.shape_cast %get3A_2640 : vector<1x16xf32> to vector<16xf32>
    %eq3A_2642 = arith.constant 4 : i32
    %eq3A_2643 = vector.broadcast %eq3A_2642 : i32 to vector<16xi32>
    %eq3A_2644 = arith.cmpi eq, %get3A_2604, %eq3A_2643 : vector<16xi32>
    %select_n3A_2645 = arith.select %eq3A_2644, %get3A_2641, %select_n3A_2636 : vector<16xi1>, vector<16xf32>
    %get3A_2646 = arith.constant 29 : i32
    %get3A_2647 = arith.index_cast %get3A_2646 : i32 to index
    %get3A_2648 = arith.constant 80 : index
    %get3A_2649 = tpu.vector_load %arg8[%get3A_2647, %get3A_2648] {strides = array<i32>} : memref<32x128xf32, #tpu.memory_space<vmem>>, vector<1x16xf32>,
    %get3A_2650 = vector.shape_cast %get3A_2649 : vector<1x16xf32> to vector<16xf32>
    %eq3A_2651 = arith.constant 5 : i32
    %eq3A_2652 = vector.broadcast %eq3A_2651 : i32 to vector<16xi32>
    %eq3A_2653 = arith.cmpi eq, %get3A_2604, %eq3A_2652 : vector<16xi32>
    %select_n3A_2654 = arith.select %eq3A_2653, %get3A_2650, %select_n3A_2645 : vector<16xi1>, vector<16xf32>
    %get3A_2655 = arith.constant 29 : i32
    %get3A_2656 = arith.index_cast %get3A_2655 : i32 to index
    %get3A_2657 = arith.constant 96 : index
    %get3A_2658 = tpu.vector_load %arg8[%get3A_2656, %get3A_2657] {strides = array<i32>} : memref<32x128xf32, #tpu.memory_space<vmem>>, vector<1x16xf32>,
    %get3A_2659 = vector.shape_cast %get3A_2658 : vector<1x16xf32> to vector<16xf32>
    %eq3A_2660 = arith.constant 6 : i32
    %eq3A_2661 = vector.broadcast %eq3A_2660 : i32 to vector<16xi32>
    %eq3A_2662 = arith.cmpi eq, %get3A_2604, %eq3A_2661 : vector<16xi32>
    %select_n3A_2663 = arith.select %eq3A_2662, %get3A_2659, %select_n3A_2654 : vector<16xi1>, vector<16xf32>
    %get3A_2664 = arith.constant 29 : i32
    %get3A_2665 = arith.index_cast %get3A_2664 : i32 to index
    %get3A_2666 = arith.constant 112 : index
    %get3A_2667 = tpu.vector_load %arg8[%get3A_2665, %get3A_2666] {strides = array<i32>} : memref<32x128xf32, #tpu.memory_space<vmem>>, vector<1x16xf32>,
    %get3A_2668 = vector.shape_cast %get3A_2667 : vector<1x16xf32> to vector<16xf32>
    %eq3A_2669 = arith.constant 7 : i32
    %eq3A_2670 = vector.broadcast %eq3A_2669 : i32 to vector<16xi32>
    %eq3A_2671 = arith.cmpi eq, %get3A_2604, %eq3A_2670 : vector<16xi32>
    %select_n3A_2672 = arith.select %eq3A_2671, %get3A_2668, %select_n3A_2663 : vector<16xi1>, vector<16xf32>
    %swap3A_2673 = arith.constant 29 : i32
    %swap3A_2674 = arith.index_cast %swap3A_2673 : i32 to index
    %swap3A_2675 = arith.constant 0 : index
    %swap3A_2676 = tpu.vector_load %arg9[%swap3A_2674, %swap3A_2675] {strides = array<i32>} : memref<32x16xf32, #tpu.memory_space<vmem>>, vector<1x16xf32>,
    %swap3A_2677 = vector.shape_cast %swap3A_2676 : vector<1x16xf32> to vector<16xf32>
    %swap3A_2678 = vector.shape_cast %select_n3A_2672 : vector<16xf32> to vector<1x16xf32>
    tpu.vector_store %arg9[%swap3A_2674, %swap3A_2675], %swap3A_2678 {strides = array<i32>} : memref<32x16xf32, #tpu.memory_space<vmem>>, vector<1x16xf32>,
    %get3A_2679 = arith.constant 16 : index
    %get3A_2680 = tpu.vector_load %arg6[%get3A_2679] {strides = array<i32>} : memref<32xi32, #tpu.memory_space<vmem>>, vector<16xi32>,
    %get3A_2681 = vector.shape_cast %get3A_2680 : vector<16xi32> to vector<16xi32>
    %broadcast_in_dim3A_2682 = arith.constant 14 : i32
    %broadcast_in_dim3A_2683 = vector.broadcast %broadcast_in_dim3A_2682 : i32 to vector<16x1xi32>
    %gather3A_2684 = vector.shape_cast %broadcast_in_dim3A_2683 : vector<16x1xi32> to vector<16xi32>
    %gather3A_2685 = tpu.dynamic_gather %get3A_2681[%gather3A_2684] in [0] : vector<16xi32>, vector<16xi32> -> vector<16xi32>
    %swap3A_2686 = arith.constant 0 : index
    %swap3A_2687 = tpu.vector_load %arg7[%swap3A_2686] {strides = array<i32>} : memref<16xi32, #tpu.memory_space<vmem>>, vector<16xi32>,
    %swap3A_2688 = vector.shape_cast %swap3A_2687 : vector<16xi32> to vector<16xi32>
    %swap3A_2689 = vector.shape_cast %gather3A_2685 : vector<16xi32> to vector<16xi32>
    tpu.vector_store %arg7[%swap3A_2686], %swap3A_2689 {strides = array<i32>} : memref<16xi32, #tpu.memory_space<vmem>>, vector<16xi32>,
    %get3A_2690 = arith.constant 0 : index
    %get3A_2691 = tpu.vector_load %arg7[%get3A_2690] {strides = array<i32>} : memref<16xi32, #tpu.memory_space<vmem>>, vector<16xi32>,
    %get3A_2692 = vector.shape_cast %get3A_2691 : vector<16xi32> to vector<16xi32>
    %get3A_2693 = arith.constant 30 : i32
    %get3A_2694 = arith.index_cast %get3A_2693 : i32 to index
    %get3A_2695 = arith.constant 0 : index
    %get3A_2696 = tpu.vector_load %arg8[%get3A_2694, %get3A_2695] {strides = array<i32>} : memref<32x128xf32, #tpu.memory_space<vmem>>, vector<1x16xf32>,
    %get3A_2697 = vector.shape_cast %get3A_2696 : vector<1x16xf32> to vector<16xf32>
    %get3A_2698 = arith.constant 30 : i32
    %get3A_2699 = arith.index_cast %get3A_2698 : i32 to index
    %get3A_2700 = arith.constant 16 : index
    %get3A_2701 = tpu.vector_load %arg8[%get3A_2699, %get3A_2700] {strides = array<i32>} : memref<32x128xf32, #tpu.memory_space<vmem>>, vector<1x16xf32>,
    %get3A_2702 = vector.shape_cast %get3A_2701 : vector<1x16xf32> to vector<16xf32>
    %eq3A_2703 = arith.constant 1 : i32
    %eq3A_2704 = vector.broadcast %eq3A_2703 : i32 to vector<16xi32>
    %eq3A_2705 = arith.cmpi eq, %get3A_2692, %eq3A_2704 : vector<16xi32>
    %select_n3A_2706 = arith.select %eq3A_2705, %get3A_2702, %get3A_2697 : vector<16xi1>, vector<16xf32>
    %get3A_2707 = arith.constant 30 : i32
    %get3A_2708 = arith.index_cast %get3A_2707 : i32 to index
    %get3A_2709 = arith.constant 32 : index
    %get3A_2710 = tpu.vector_load %arg8[%get3A_2708, %get3A_2709] {strides = array<i32>} : memref<32x128xf32, #tpu.memory_space<vmem>>, vector<1x16xf32>,
    %get3A_2711 = vector.shape_cast %get3A_2710 : vector<1x16xf32> to vector<16xf32>
    %eq3A_2712 = arith.constant 2 : i32
    %eq3A_2713 = vector.broadcast %eq3A_2712 : i32 to vector<16xi32>
    %eq3A_2714 = arith.cmpi eq, %get3A_2692, %eq3A_2713 : vector<16xi32>
    %select_n3A_2715 = arith.select %eq3A_2714, %get3A_2711, %select_n3A_2706 : vector<16xi1>, vector<16xf32>
    %get3A_2716 = arith.constant 30 : i32
    %get3A_2717 = arith.index_cast %get3A_2716 : i32 to index
    %get3A_2718 = arith.constant 48 : index
    %get3A_2719 = tpu.vector_load %arg8[%get3A_2717, %get3A_2718] {strides = array<i32>} : memref<32x128xf32, #tpu.memory_space<vmem>>, vector<1x16xf32>,
    %get3A_2720 = vector.shape_cast %get3A_2719 : vector<1x16xf32> to vector<16xf32>
    %eq3A_2721 = arith.constant 3 : i32
    %eq3A_2722 = vector.broadcast %eq3A_2721 : i32 to vector<16xi32>
    %eq3A_2723 = arith.cmpi eq, %get3A_2692, %eq3A_2722 : vector<16xi32>
    %select_n3A_2724 = arith.select %eq3A_2723, %get3A_2720, %select_n3A_2715 : vector<16xi1>, vector<16xf32>
    %get3A_2725 = arith.constant 30 : i32
    %get3A_2726 = arith.index_cast %get3A_2725 : i32 to index
    %get3A_2727 = arith.constant 64 : index
    %get3A_2728 = tpu.vector_load %arg8[%get3A_2726, %get3A_2727] {strides = array<i32>} : memref<32x128xf32, #tpu.memory_space<vmem>>, vector<1x16xf32>,
    %get3A_2729 = vector.shape_cast %get3A_2728 : vector<1x16xf32> to vector<16xf32>
    %eq3A_2730 = arith.constant 4 : i32
    %eq3A_2731 = vector.broadcast %eq3A_2730 : i32 to vector<16xi32>
    %eq3A_2732 = arith.cmpi eq, %get3A_2692, %eq3A_2731 : vector<16xi32>
    %select_n3A_2733 = arith.select %eq3A_2732, %get3A_2729, %select_n3A_2724 : vector<16xi1>, vector<16xf32>
    %get3A_2734 = arith.constant 30 : i32
    %get3A_2735 = arith.index_cast %get3A_2734 : i32 to index
    %get3A_2736 = arith.constant 80 : index
    %get3A_2737 = tpu.vector_load %arg8[%get3A_2735, %get3A_2736] {strides = array<i32>} : memref<32x128xf32, #tpu.memory_space<vmem>>, vector<1x16xf32>,
    %get3A_2738 = vector.shape_cast %get3A_2737 : vector<1x16xf32> to vector<16xf32>
    %eq3A_2739 = arith.constant 5 : i32
    %eq3A_2740 = vector.broadcast %eq3A_2739 : i32 to vector<16xi32>
    %eq3A_2741 = arith.cmpi eq, %get3A_2692, %eq3A_2740 : vector<16xi32>
    %select_n3A_2742 = arith.select %eq3A_2741, %get3A_2738, %select_n3A_2733 : vector<16xi1>, vector<16xf32>
    %get3A_2743 = arith.constant 30 : i32
    %get3A_2744 = arith.index_cast %get3A_2743 : i32 to index
    %get3A_2745 = arith.constant 96 : index
    %get3A_2746 = tpu.vector_load %arg8[%get3A_2744, %get3A_2745] {strides = array<i32>} : memref<32x128xf32, #tpu.memory_space<vmem>>, vector<1x16xf32>,
    %get3A_2747 = vector.shape_cast %get3A_2746 : vector<1x16xf32> to vector<16xf32>
    %eq3A_2748 = arith.constant 6 : i32
    %eq3A_2749 = vector.broadcast %eq3A_2748 : i32 to vector<16xi32>
    %eq3A_2750 = arith.cmpi eq, %get3A_2692, %eq3A_2749 : vector<16xi32>
    %select_n3A_2751 = arith.select %eq3A_2750, %get3A_2747, %select_n3A_2742 : vector<16xi1>, vector<16xf32>
    %get3A_2752 = arith.constant 30 : i32
    %get3A_2753 = arith.index_cast %get3A_2752 : i32 to index
    %get3A_2754 = arith.constant 112 : index
    %get3A_2755 = tpu.vector_load %arg8[%get3A_2753, %get3A_2754] {strides = array<i32>} : memref<32x128xf32, #tpu.memory_space<vmem>>, vector<1x16xf32>,
    %get3A_2756 = vector.shape_cast %get3A_2755 : vector<1x16xf32> to vector<16xf32>
    %eq3A_2757 = arith.constant 7 : i32
    %eq3A_2758 = vector.broadcast %eq3A_2757 : i32 to vector<16xi32>
    %eq3A_2759 = arith.cmpi eq, %get3A_2692, %eq3A_2758 : vector<16xi32>
    %select_n3A_2760 = arith.select %eq3A_2759, %get3A_2756, %select_n3A_2751 : vector<16xi1>, vector<16xf32>
    %swap3A_2761 = arith.constant 30 : i32
    %swap3A_2762 = arith.index_cast %swap3A_2761 : i32 to index
    %swap3A_2763 = arith.constant 0 : index
    %swap3A_2764 = tpu.vector_load %arg9[%swap3A_2762, %swap3A_2763] {strides = array<i32>} : memref<32x16xf32, #tpu.memory_space<vmem>>, vector<1x16xf32>,
    %swap3A_2765 = vector.shape_cast %swap3A_2764 : vector<1x16xf32> to vector<16xf32>
    %swap3A_2766 = vector.shape_cast %select_n3A_2760 : vector<16xf32> to vector<1x16xf32>
    tpu.vector_store %arg9[%swap3A_2762, %swap3A_2763], %swap3A_2766 {strides = array<i32>} : memref<32x16xf32, #tpu.memory_space<vmem>>, vector<1x16xf32>,
    %get3A_2767 = arith.constant 16 : index
    %get3A_2768 = tpu.vector_load %arg6[%get3A_2767] {strides = array<i32>} : memref<32xi32, #tpu.memory_space<vmem>>, vector<16xi32>,
    %get3A_2769 = vector.shape_cast %get3A_2768 : vector<16xi32> to vector<16xi32>
    %broadcast_in_dim3A_2770 = arith.constant 15 : i32
    %broadcast_in_dim3A_2771 = vector.broadcast %broadcast_in_dim3A_2770 : i32 to vector<16x1xi32>
    %gather3A_2772 = vector.shape_cast %broadcast_in_dim3A_2771 : vector<16x1xi32> to vector<16xi32>
    %gather3A_2773 = tpu.dynamic_gather %get3A_2769[%gather3A_2772] in [0] : vector<16xi32>, vector<16xi32> -> vector<16xi32>
    %swap3A_2774 = arith.constant 0 : index
    %swap3A_2775 = tpu.vector_load %arg7[%swap3A_2774] {strides = array<i32>} : memref<16xi32, #tpu.memory_space<vmem>>, vector<16xi32>,
    %swap3A_2776 = vector.shape_cast %swap3A_2775 : vector<16xi32> to vector<16xi32>
    %swap3A_2777 = vector.shape_cast %gather3A_2773 : vector<16xi32> to vector<16xi32>
    tpu.vector_store %arg7[%swap3A_2774], %swap3A_2777 {strides = array<i32>} : memref<16xi32, #tpu.memory_space<vmem>>, vector<16xi32>,
    %get3A_2778 = arith.constant 0 : index
    %get3A_2779 = tpu.vector_load %arg7[%get3A_2778] {strides = array<i32>} : memref<16xi32, #tpu.memory_space<vmem>>, vector<16xi32>,
    %get3A_2780 = vector.shape_cast %get3A_2779 : vector<16xi32> to vector<16xi32>
    %get3A_2781 = arith.constant 31 : i32
    %get3A_2782 = arith.index_cast %get3A_2781 : i32 to index
    %get3A_2783 = arith.constant 0 : index
    %get3A_2784 = tpu.vector_load %arg8[%get3A_2782, %get3A_2783] {strides = array<i32>} : memref<32x128xf32, #tpu.memory_space<vmem>>, vector<1x16xf32>,
    %get3A_2785 = vector.shape_cast %get3A_2784 : vector<1x16xf32> to vector<16xf32>
    %get3A_2786 = arith.constant 31 : i32
    %get3A_2787 = arith.index_cast %get3A_2786 : i32 to index
    %get3A_2788 = arith.constant 16 : index
    %get3A_2789 = tpu.vector_load %arg8[%get3A_2787, %get3A_2788] {strides = array<i32>} : memref<32x128xf32, #tpu.memory_space<vmem>>, vector<1x16xf32>,
    %get3A_2790 = vector.shape_cast %get3A_2789 : vector<1x16xf32> to vector<16xf32>
    %eq3A_2791 = arith.constant 1 : i32
    %eq3A_2792 = vector.broadcast %eq3A_2791 : i32 to vector<16xi32>
    %eq3A_2793 = arith.cmpi eq, %get3A_2780, %eq3A_2792 : vector<16xi32>
    %select_n3A_2794 = arith.select %eq3A_2793, %get3A_2790, %get3A_2785 : vector<16xi1>, vector<16xf32>
    %get3A_2795 = arith.constant 31 : i32
    %get3A_2796 = arith.index_cast %get3A_2795 : i32 to index
    %get3A_2797 = arith.constant 32 : index
    %get3A_2798 = tpu.vector_load %arg8[%get3A_2796, %get3A_2797] {strides = array<i32>} : memref<32x128xf32, #tpu.memory_space<vmem>>, vector<1x16xf32>,
    %get3A_2799 = vector.shape_cast %get3A_2798 : vector<1x16xf32> to vector<16xf32>
    %eq3A_2800 = arith.constant 2 : i32
    %eq3A_2801 = vector.broadcast %eq3A_2800 : i32 to vector<16xi32>
    %eq3A_2802 = arith.cmpi eq, %get3A_2780, %eq3A_2801 : vector<16xi32>
    %select_n3A_2803 = arith.select %eq3A_2802, %get3A_2799, %select_n3A_2794 : vector<16xi1>, vector<16xf32>
    %get3A_2804 = arith.constant 31 : i32
    %get3A_2805 = arith.index_cast %get3A_2804 : i32 to index
    %get3A_2806 = arith.constant 48 : index
    %get3A_2807 = tpu.vector_load %arg8[%get3A_2805, %get3A_2806] {strides = array<i32>} : memref<32x128xf32, #tpu.memory_space<vmem>>, vector<1x16xf32>,
    %get3A_2808 = vector.shape_cast %get3A_2807 : vector<1x16xf32> to vector<16xf32>
    %eq3A_2809 = arith.constant 3 : i32
    %eq3A_2810 = vector.broadcast %eq3A_2809 : i32 to vector<16xi32>
    %eq3A_2811 = arith.cmpi eq, %get3A_2780, %eq3A_2810 : vector<16xi32>
    %select_n3A_2812 = arith.select %eq3A_2811, %get3A_2808, %select_n3A_2803 : vector<16xi1>, vector<16xf32>
    %get3A_2813 = arith.constant 31 : i32
    %get3A_2814 = arith.index_cast %get3A_2813 : i32 to index
    %get3A_2815 = arith.constant 64 : index
    %get3A_2816 = tpu.vector_load %arg8[%get3A_2814, %get3A_2815] {strides = array<i32>} : memref<32x128xf32, #tpu.memory_space<vmem>>, vector<1x16xf32>,
    %get3A_2817 = vector.shape_cast %get3A_2816 : vector<1x16xf32> to vector<16xf32>
    %eq3A_2818 = arith.constant 4 : i32
    %eq3A_2819 = vector.broadcast %eq3A_2818 : i32 to vector<16xi32>
    %eq3A_2820 = arith.cmpi eq, %get3A_2780, %eq3A_2819 : vector<16xi32>
    %select_n3A_2821 = arith.select %eq3A_2820, %get3A_2817, %select_n3A_2812 : vector<16xi1>, vector<16xf32>
    %get3A_2822 = arith.constant 31 : i32
    %get3A_2823 = arith.index_cast %get3A_2822 : i32 to index
    %get3A_2824 = arith.constant 80 : index
    %get3A_2825 = tpu.vector_load %arg8[%get3A_2823, %get3A_2824] {strides = array<i32>} : memref<32x128xf32, #tpu.memory_space<vmem>>, vector<1x16xf32>,
    %get3A_2826 = vector.shape_cast %get3A_2825 : vector<1x16xf32> to vector<16xf32>
    %eq3A_2827 = arith.constant 5 : i32
    %eq3A_2828 = vector.broadcast %eq3A_2827 : i32 to vector<16xi32>
    %eq3A_2829 = arith.cmpi eq, %get3A_2780, %eq3A_2828 : vector<16xi32>
    %select_n3A_2830 = arith.select %eq3A_2829, %get3A_2826, %select_n3A_2821 : vector<16xi1>, vector<16xf32>
    %get3A_2831 = arith.constant 31 : i32
    %get3A_2832 = arith.index_cast %get3A_2831 : i32 to index
    %get3A_2833 = arith.constant 96 : index
    %get3A_2834 = tpu.vector_load %arg8[%get3A_2832, %get3A_2833] {strides = array<i32>} : memref<32x128xf32, #tpu.memory_space<vmem>>, vector<1x16xf32>,
    %get3A_2835 = vector.shape_cast %get3A_2834 : vector<1x16xf32> to vector<16xf32>
    %eq3A_2836 = arith.constant 6 : i32
    %eq3A_2837 = vector.broadcast %eq3A_2836 : i32 to vector<16xi32>
    %eq3A_2838 = arith.cmpi eq, %get3A_2780, %eq3A_2837 : vector<16xi32>
    %select_n3A_2839 = arith.select %eq3A_2838, %get3A_2835, %select_n3A_2830 : vector<16xi1>, vector<16xf32>
    %get3A_2840 = arith.constant 31 : i32
    %get3A_2841 = arith.index_cast %get3A_2840 : i32 to index
    %get3A_2842 = arith.constant 112 : index
    %get3A_2843 = tpu.vector_load %arg8[%get3A_2841, %get3A_2842] {strides = array<i32>} : memref<32x128xf32, #tpu.memory_space<vmem>>, vector<1x16xf32>,
    %get3A_2844 = vector.shape_cast %get3A_2843 : vector<1x16xf32> to vector<16xf32>
    %eq3A_2845 = arith.constant 7 : i32
    %eq3A_2846 = vector.broadcast %eq3A_2845 : i32 to vector<16xi32>
    %eq3A_2847 = arith.cmpi eq, %get3A_2780, %eq3A_2846 : vector<16xi32>
    %select_n3A_2848 = arith.select %eq3A_2847, %get3A_2844, %select_n3A_2839 : vector<16xi1>, vector<16xf32>
    %swap3A_2849 = arith.constant 31 : i32
    %swap3A_2850 = arith.index_cast %swap3A_2849 : i32 to index
    %swap3A_2851 = arith.constant 0 : index
    %swap3A_2852 = tpu.vector_load %arg9[%swap3A_2850, %swap3A_2851] {strides = array<i32>} : memref<32x16xf32, #tpu.memory_space<vmem>>, vector<1x16xf32>,
    %swap3A_2853 = vector.shape_cast %swap3A_2852 : vector<1x16xf32> to vector<16xf32>
    %swap3A_2854 = vector.shape_cast %select_n3A_2848 : vector<16xf32> to vector<1x16xf32>
    tpu.vector_store %arg9[%swap3A_2850, %swap3A_2851], %swap3A_2854 {strides = array<i32>} : memref<32x16xf32, #tpu.memory_space<vmem>>, vector<1x16xf32>,
    "tpu.region"() ({
      %run_scoped3A = tpu.sem_alloc : memref<!tpu.dma_semaphore, #tpu.memory_space<semaphore_mem>>
      %dma_start3A_2855 = arith.constant 0 : i32
      %dma_start3A_2856 = tpu.memref_slice %arg4[%mul3A_2, %dma_start3A_2855] : memref<1024x16xf32, #tpu.memory_space<hbm>> -> memref<32x16xf32, #tpu.memory_space<hbm>>
      %dma_start3A_2857 = arith.constant 0 : i32
      %dma_start3A_2858 = tpu.memref_slice %arg4[%mul3A_2, %dma_start3A_2857] : memref<1024x16xf32, #tpu.memory_space<hbm>> -> memref<32x16xf32, #tpu.memory_space<hbm>>
      tpu.enqueue_dma source(%arg9 : memref<32x16xf32, #tpu.memory_space<vmem>>) target(%dma_start3A_2858 : memref<32x16xf32, #tpu.memory_space<hbm>>) target_semaphore(%run_scoped3A : memref<!tpu.dma_semaphore, #tpu.memory_space<semaphore_mem>>)
      %dma_wait3A_2859 = arith.constant 0 : i32
      %dma_wait3A_2860 = tpu.memref_slice %arg4[%mul3A_2, %dma_wait3A_2859] : memref<1024x16xf32, #tpu.memory_space<hbm>> -> memref<32x16xf32, #tpu.memory_space<hbm>>
      %dma_wait3A_2861 = arith.constant 0 : i32
      %dma_wait3A_2862 = tpu.memref_slice %arg4[%mul3A_2, %dma_wait3A_2861] : memref<1024x16xf32, #tpu.memory_space<hbm>> -> memref<32x16xf32, #tpu.memory_space<hbm>>
      tpu.wait_dma2 semaphore(%run_scoped3A : memref<!tpu.dma_semaphore, #tpu.memory_space<semaphore_mem>>) src(%arg9 : memref<32x16xf32, #tpu.memory_space<vmem>>) dst(%dma_wait3A_2862 : memref<32x16xf32, #tpu.memory_space<hbm>>)
      tpu.yield
    }) : () -> ()
    return
  }
}

module attributes {stable_mosaic.version = 14 : i64} {
  func.func @_argmax_body(%arg0: i32, %arg1: memref<16x1024xf32, #tpu.memory_space<vmem>>, %arg2: memref<1152x16xf32, #tpu.memory_space<vmem>>, %arg3: memref<1152x1xf32, #tpu.memory_space<vmem>>, %arg4: memref<1x1024xf32, #tpu.memory_space<vmem>>, %arg5: memref<1x1024xi32, #tpu.memory_space<vmem>>, %arg6: memref<1152x1024xf32, #tpu.memory_space<vmem>>, %arg7: memref<8x1024xf32, #tpu.memory_space<vmem>>, %arg8: memref<8x1024xi32, #tpu.memory_space<vmem>>, %arg9: memref<1x1024xf32, #tpu.memory_space<vmem>>, %arg10: memref<1x1024xi32, #tpu.memory_space<vmem>>) attributes {dimension_semantics = [#tpu.dimension_semantics<arbitrary>], iteration_bounds = array<i64: 87>, scalar_prefetch = 0 : i64, scratch_operands = 5 : i64, tpu.core_type = #tpu.core_type<tc>, window_params = [{pipeline_mode = #tpu.pipeline_mode<synchronous>, transform_indices = @transform_0, window_bounds = array<i64: 16, 1024>}, {transform_indices = @transform_1, window_bounds = array<i64: 1152, 16>}, {transform_indices = @transform_2, window_bounds = array<i64: 1152, 1>}, {pipeline_mode = #tpu.pipeline_mode<synchronous>, transform_indices = @transform_3, window_bounds = array<i64: 1, 1024>}, {pipeline_mode = #tpu.pipeline_mode<synchronous>, transform_indices = @transform_4, window_bounds = array<i64: 1, 1024>}]} {
    %get3A = arith.constant 0 : index
    %get3A_0 = arith.constant 0 : index
    %get3A_1 = vector.load %arg2[%get3A, %get3A_0] : memref<1152x16xf32, #tpu.memory_space<vmem>>, vector<1152x16xf32>
    %get3A_2 = arith.constant 0 : index
    %get3A_3 = arith.constant 0 : index
    %get3A_4 = vector.load %arg3[%get3A_2, %get3A_3] : memref<1152x1xf32, #tpu.memory_space<vmem>>, vector<1152x1xf32>
    %div3A = arith.constant 1.000000e+00 : f32
    %div3A_5 = vector.broadcast %div3A : f32 to vector<1152x1xf32>
    %div3A_6 = arith.divf %div3A_5, %get3A_4 : vector<1152x1xf32>
    %mul3A = vector.broadcast %div3A_6 : vector<1152x1xf32> to vector<1152x16xf32>
    %mul3A_7 = arith.mulf %get3A_1, %mul3A : vector<1152x16xf32>
    %get3A_8 = arith.constant 0 : index
    %get3A_9 = arith.constant 0 : index
    %get3A_10 = vector.load %arg1[%get3A_8, %get3A_9] : memref<16x1024xf32, #tpu.memory_space<vmem>>, vector<16x1024xf32>
    %get3A_11 = arith.constant 0 : index
    %get3A_12 = arith.constant 0 : index
    %get3A_13 = vector.load %arg4[%get3A_11, %get3A_12] : memref<1x1024xf32, #tpu.memory_space<vmem>>, vector<1x1024xf32>
    %div3A_14 = arith.constant 1.000000e+00 : f32
    %div3A_15 = vector.broadcast %div3A_14 : f32 to vector<1x1024xf32>
    %div3A_16 = arith.divf %div3A_15, %get3A_13 : vector<1x1024xf32>
    %mul3A_17 = vector.broadcast %div3A_16 : vector<1x1024xf32> to vector<16x1024xf32>
    %mul3A_18 = arith.mulf %get3A_10, %mul3A_17 : vector<16x1024xf32>
    %dot_general3A = arith.constant dense<0.000000e+00> : vector<1152x1024xf32>
    %dot_general3A_19 = tpu.matmul %mul3A_7, %mul3A_18, %dot_general3A {dimension_numbers = #tpu.dot_dimension_numbers<[1], [0], [0], [1], [0, 0, 1, 1], [], []>, transpose_lhs_hint = false} : vector<1152x16xf32>, vector<16x1024xf32>, vector<1152x1024xf32> -> vector<1152x1024xf32>
    %swap3A = arith.constant 0 : index
    %swap3A_20 = arith.constant 0 : index
    %swap3A_21 = vector.load %arg6[%swap3A, %swap3A_20] : memref<1152x1024xf32, #tpu.memory_space<vmem>>, vector<1152x1024xf32>
    tpu.vector_store %arg6[%swap3A, %swap3A_20], %dot_general3A_19 {strides = array<i32>} : memref<1152x1024xf32, #tpu.memory_space<vmem>>, vector<1152x1024xf32>,
    %eq3A = arith.constant 0 : i32
    %eq3A_22 = arith.cmpi eq, %arg0, %eq3A : i32
    %convert_element_type3A = arith.extui %eq3A_22 : i1 to i32
    %cond3A = arith.constant 0 : i32
    %cond3A_23 = arith.cmpi ne, %convert_element_type3A, %cond3A : i32
    scf.if %cond3A_23 {
      %broadcast_in_dim3A = arith.constant 0xFF800000 : f32
      %broadcast_in_dim3A_64 = vector.broadcast %broadcast_in_dim3A : f32 to vector<8x1024xf32>
      %swap3A_65 = arith.constant 0 : index
      %swap3A_66 = arith.constant 0 : index
      %swap3A_67 = vector.load %arg7[%swap3A_65, %swap3A_66] : memref<8x1024xf32, #tpu.memory_space<vmem>>, vector<8x1024xf32>
      tpu.vector_store %arg7[%swap3A_65, %swap3A_66], %broadcast_in_dim3A_64 {strides = array<i32>} : memref<8x1024xf32, #tpu.memory_space<vmem>>, vector<8x1024xf32>,
      %broadcast_in_dim3A_68 = arith.constant 0 : i32
      %broadcast_in_dim3A_69 = vector.broadcast %broadcast_in_dim3A_68 : i32 to vector<8x1024xi32>
      %swap3A_70 = arith.constant 0 : index
      %swap3A_71 = arith.constant 0 : index
      %swap3A_72 = vector.load %arg8[%swap3A_70, %swap3A_71] : memref<8x1024xi32, #tpu.memory_space<vmem>>, vector<8x1024xi32>
      tpu.vector_store %arg8[%swap3A_70, %swap3A_71], %broadcast_in_dim3A_69 {strides = array<i32>} : memref<8x1024xi32, #tpu.memory_space<vmem>>, vector<8x1024xi32>,
      %broadcast_in_dim3A_73 = arith.constant 0xFF800000 : f32
      %broadcast_in_dim3A_74 = vector.broadcast %broadcast_in_dim3A_73 : f32 to vector<1x1024xf32>
      %swap3A_75 = arith.constant 0 : index
      %swap3A_76 = arith.constant 0 : index
      %swap3A_77 = vector.load %arg9[%swap3A_75, %swap3A_76] : memref<1x1024xf32, #tpu.memory_space<vmem>>, vector<1x1024xf32>
      tpu.vector_store %arg9[%swap3A_75, %swap3A_76], %broadcast_in_dim3A_74 {strides = array<i32>} : memref<1x1024xf32, #tpu.memory_space<vmem>>, vector<1x1024xf32>,
      %broadcast_in_dim3A_78 = arith.constant 0 : i32
      %broadcast_in_dim3A_79 = vector.broadcast %broadcast_in_dim3A_78 : i32 to vector<1x1024xi32>
      %swap3A_80 = arith.constant 0 : index
      %swap3A_81 = arith.constant 0 : index
      %swap3A_82 = vector.load %arg10[%swap3A_80, %swap3A_81] : memref<1x1024xi32, #tpu.memory_space<vmem>>, vector<1x1024xi32>
      tpu.vector_store %arg10[%swap3A_80, %swap3A_81], %broadcast_in_dim3A_79 {strides = array<i32>} : memref<1x1024xi32, #tpu.memory_space<vmem>>, vector<1x1024xi32>,
    } else {
    }
    %mul3A_24 = arith.constant 1152 : i32
    %mul3A_25 = arith.muli %arg0, %mul3A_24 : i32
    %iota3A = tpu.iota {dimensions = array<i32: 0>} : vector<8x1xi32>
    %get3A_26 = arith.constant 0 : index
    %get3A_27 = arith.constant 0 : index
    %get3A_28 = vector.load %arg7[%get3A_26, %get3A_27] : memref<8x1024xf32, #tpu.memory_space<vmem>>, vector<8x1024xf32>
    %get3A_29 = arith.constant 0 : index
    %get3A_30 = arith.constant 0 : index
    %get3A_31 = vector.load %arg8[%get3A_29, %get3A_30] : memref<8x1024xi32, #tpu.memory_space<vmem>>, vector<8x1024xi32>
    %scan3A = arith.constant 0 : i32
    %scan3A_32 = arith.constant 144 : i32
    %scan3A_33 = arith.addi %scan3A, %scan3A_32 : i32
    %scan3A_34 = arith.constant 1 : i32
    %scan3A_35:2 = scf.for %scan3A_64 = %scan3A to %scan3A_33 step %scan3A_34 iter_args(%scan3A_65 = %get3A_28, %scan3A_66 = %get3A_31) -> (vector<8x1024xf32>, vector<8x1024xi32>)  : i32 {
      %mul3A_67 = arith.constant 8 : i32
      %mul3A_68 = arith.muli %scan3A_64, %mul3A_67 : i32
      %multiple_of3A = tpu.assume_multiple %mul3A_68, 8 : i32
      %get3A_69 = arith.index_cast %multiple_of3A : i32 to index
      %get3A_70 = arith.constant 0 : index
      %get3A_71 = vector.load %arg6[%get3A_69, %get3A_70] : memref<1152x1024xf32, #tpu.memory_space<vmem>>, vector<8x1024xf32>
      %mul3A_72 = arith.constant 8 : i32
      %mul3A_73 = arith.muli %scan3A_64, %mul3A_72 : i32
      %add3A_74 = arith.addi %mul3A_25, %mul3A_73 : i32
      %add3A_75 = vector.broadcast %add3A_74 : i32 to vector<8x1xi32>
      %add3A_76 = arith.addi %add3A_75, %iota3A : vector<8x1xi32>
      %lt3A_77 = arith.constant 100000 : i32
      %lt3A_78 = vector.broadcast %lt3A_77 : i32 to vector<8x1xi32>
      %lt3A_79 = arith.cmpi slt, %add3A_76, %lt3A_78 : vector<8x1xi32>
      %jit3A_80 = arith.constant 0.000000e+00 : f32
      %jit3A_81 = arith.constant 0xFF800000 : f32
      %broadcast_in_dim3A = vector.broadcast %jit3A_80 : f32 to vector<8x1xf32>
      %broadcast_in_dim3A_82 = vector.broadcast %jit3A_81 : f32 to vector<8x1xf32>
      %select_n3A_83 = arith.select %lt3A_79, %broadcast_in_dim3A, %broadcast_in_dim3A_82 : vector<8x1xi1>, vector<8x1xf32>
      %add3A_84 = vector.broadcast %select_n3A_83 : vector<8x1xf32> to vector<8x1024xf32>
      %add3A_85 = arith.addf %get3A_71, %add3A_84 : vector<8x1024xf32>
      %gt3A = arith.cmpf ogt, %add3A_85, %scan3A_65 : vector<8x1024xf32>
      %select_n3A_86 = arith.select %gt3A, %add3A_85, %scan3A_65 : vector<8x1024xi1>, vector<8x1024xf32>
      %broadcast_in_dim3A_87 = vector.shape_cast %add3A_76 : vector<8x1xi32> to vector<8x1xi32>
      %broadcast_in_dim3A_88 = vector.broadcast %broadcast_in_dim3A_87 : vector<8x1xi32> to vector<8x1024xi32>
      %select_n3A_89 = arith.select %gt3A, %broadcast_in_dim3A_88, %scan3A_66 : vector<8x1024xi1>, vector<8x1024xi32>
      scf.yield %select_n3A_86, %select_n3A_89 : vector<8x1024xf32>, vector<8x1024xi32>
    }
    %scan3A_36 = arith.constant 144 : i32
    %swap3A_37 = arith.constant 0 : index
    %swap3A_38 = arith.constant 0 : index
    %swap3A_39 = vector.load %arg7[%swap3A_37, %swap3A_38] : memref<8x1024xf32, #tpu.memory_space<vmem>>, vector<8x1024xf32>
    tpu.vector_store %arg7[%swap3A_37, %swap3A_38], %scan3A_35#0 {strides = array<i32>} : memref<8x1024xf32, #tpu.memory_space<vmem>>, vector<8x1024xf32>,
    %swap3A_40 = arith.constant 0 : index
    %swap3A_41 = arith.constant 0 : index
    %swap3A_42 = vector.load %arg8[%swap3A_40, %swap3A_41] : memref<8x1024xi32, #tpu.memory_space<vmem>>, vector<8x1024xi32>
    tpu.vector_store %arg8[%swap3A_40, %swap3A_41], %scan3A_35#1 {strides = array<i32>} : memref<8x1024xi32, #tpu.memory_space<vmem>>, vector<8x1024xi32>,
    %jit3A = arith.constant 29 : i32
    %eq3A_43 = arith.constant 0 : i32
    %eq3A_44 = arith.cmpi eq, %jit3A, %eq3A_43 : i32
    %jit3A_45 = arith.constant 1 : i32
    %select_n3A = arith.select %eq3A_44, %jit3A_45, %jit3A : i32
    %rem3A = arith.remsi %arg0, %select_n3A : i32
    %ne3A = arith.constant 0 : i32
    %ne3A_46 = arith.cmpi ne, %rem3A, %ne3A : i32
    %lt3A = arith.constant 0 : i32
    %lt3A_47 = arith.cmpi slt, %rem3A, %lt3A : i32
    %lt3A_48 = arith.constant 0 : i32
    %lt3A_49 = arith.cmpi slt, %select_n3A, %lt3A_48 : i32
    %ne3A_50 = arith.xori %lt3A_47, %lt3A_49 : i1
    %and3A = arith.andi %ne3A_50, %ne3A_46 : i1
    %add3A = arith.addi %rem3A, %select_n3A : i32
    %select_n3A_51 = arith.select %and3A, %add3A, %rem3A : i32
    %eq3A_52 = arith.constant 28 : i32
    %eq3A_53 = arith.cmpi eq, %select_n3A_51, %eq3A_52 : i32
    %eq3A_54 = arith.constant 86 : i32
    %eq3A_55 = arith.cmpi eq, %arg0, %eq3A_54 : i32
    %or3A = arith.ori %eq3A_53, %eq3A_55 : i1
    %convert_element_type3A_56 = arith.extui %or3A : i1 to i32
    %cond3A_57 = arith.constant 0 : i32
    %cond3A_58 = arith.cmpi ne, %convert_element_type3A_56, %cond3A_57 : i32
    scf.if %cond3A_58 {
      %reduce_max3A = arith.constant dense<0xFF800000> : vector<1024xf32>
      %reduce_max3A_64 = vector.multi_reduction <maximumf>, %scan3A_35#0, %reduce_max3A [0] : vector<8x1024xf32> to vector<1024xf32>
      %broadcast_in_dim3A = vector.shape_cast %reduce_max3A_64 : vector<1024xf32> to vector<1x1024xf32>
      %broadcast_in_dim3A_65 = vector.shape_cast %broadcast_in_dim3A : vector<1x1024xf32> to vector<1x1024xf32>
      %broadcast_in_dim3A_66 = vector.broadcast %broadcast_in_dim3A_65 : vector<1x1024xf32> to vector<8x1024xf32>
      %eq3A_67 = arith.cmpf oeq, %scan3A_35#0, %broadcast_in_dim3A_66 : vector<8x1024xf32>
      %jit3A_68 = arith.constant 100000 : i32
      %broadcast_in_dim3A_69 = vector.broadcast %jit3A_68 : i32 to vector<8x1024xi32>
      %select_n3A_70 = arith.select %eq3A_67, %scan3A_35#1, %broadcast_in_dim3A_69 : vector<8x1024xi1>, vector<8x1024xi32>
      %reduce_min3A = arith.constant dense<2147483647> : vector<1024xi32>
      %reduce_min3A_71 = vector.multi_reduction <minsi>, %select_n3A_70, %reduce_min3A [0] : vector<8x1024xi32> to vector<1024xi32>
      %broadcast_in_dim3A_72 = vector.shape_cast %reduce_min3A_71 : vector<1024xi32> to vector<1x1024xi32>
      %get3A_73 = arith.constant 0 : index
      %get3A_74 = arith.constant 0 : index
      %get3A_75 = vector.load %arg9[%get3A_73, %get3A_74] : memref<1x1024xf32, #tpu.memory_space<vmem>>, vector<1x1024xf32>
      %get3A_76 = arith.constant 0 : index
      %get3A_77 = arith.constant 0 : index
      %get3A_78 = vector.load %arg10[%get3A_76, %get3A_77] : memref<1x1024xi32, #tpu.memory_space<vmem>>, vector<1x1024xi32>
      %gt3A = arith.cmpf ogt, %broadcast_in_dim3A, %get3A_75 : vector<1x1024xf32>
      %eq3A_79 = arith.cmpf oeq, %broadcast_in_dim3A, %get3A_75 : vector<1x1024xf32>
      %lt3A_80 = arith.cmpi slt, %broadcast_in_dim3A_72, %get3A_78 : vector<1x1024xi32>
      %and3A_81 = arith.andi %eq3A_79, %lt3A_80 : vector<1x1024xi1>
      %or3A_82 = arith.ori %gt3A, %and3A_81 : vector<1x1024xi1>
      %convert_element_type3A_83 = arith.truncf %broadcast_in_dim3A : vector<1x1024xf32> to vector<1x1024xbf16>
      %convert_element_type3A_84 = arith.extf %convert_element_type3A_83 : vector<1x1024xbf16> to vector<1x1024xf32>
      %select_n3A_85 = arith.select %or3A_82, %convert_element_type3A_84, %get3A_75 : vector<1x1024xi1>, vector<1x1024xf32>
      %swap3A_86 = arith.constant 0 : index
      %swap3A_87 = arith.constant 0 : index
      %swap3A_88 = vector.load %arg9[%swap3A_86, %swap3A_87] : memref<1x1024xf32, #tpu.memory_space<vmem>>, vector<1x1024xf32>
      tpu.vector_store %arg9[%swap3A_86, %swap3A_87], %select_n3A_85 {strides = array<i32>} : memref<1x1024xf32, #tpu.memory_space<vmem>>, vector<1x1024xf32>,
      %select_n3A_89 = arith.select %or3A_82, %broadcast_in_dim3A_72, %get3A_78 : vector<1x1024xi1>, vector<1x1024xi32>
      %swap3A_90 = arith.constant 0 : index
      %swap3A_91 = arith.constant 0 : index
      %swap3A_92 = vector.load %arg10[%swap3A_90, %swap3A_91] : memref<1x1024xi32, #tpu.memory_space<vmem>>, vector<1x1024xi32>
      tpu.vector_store %arg10[%swap3A_90, %swap3A_91], %select_n3A_89 {strides = array<i32>} : memref<1x1024xi32, #tpu.memory_space<vmem>>, vector<1x1024xi32>,
      %broadcast_in_dim3A_93 = arith.constant 0xFF800000 : f32
      %broadcast_in_dim3A_94 = vector.broadcast %broadcast_in_dim3A_93 : f32 to vector<8x1024xf32>
      %swap3A_95 = arith.constant 0 : index
      %swap3A_96 = arith.constant 0 : index
      %swap3A_97 = vector.load %arg7[%swap3A_95, %swap3A_96] : memref<8x1024xf32, #tpu.memory_space<vmem>>, vector<8x1024xf32>
      tpu.vector_store %arg7[%swap3A_95, %swap3A_96], %broadcast_in_dim3A_94 {strides = array<i32>} : memref<8x1024xf32, #tpu.memory_space<vmem>>, vector<8x1024xf32>,
      %broadcast_in_dim3A_98 = arith.constant 0 : i32
      %broadcast_in_dim3A_99 = vector.broadcast %broadcast_in_dim3A_98 : i32 to vector<8x1024xi32>
      %swap3A_100 = arith.constant 0 : index
      %swap3A_101 = arith.constant 0 : index
      %swap3A_102 = vector.load %arg8[%swap3A_100, %swap3A_101] : memref<8x1024xi32, #tpu.memory_space<vmem>>, vector<8x1024xi32>
      tpu.vector_store %arg8[%swap3A_100, %swap3A_101], %broadcast_in_dim3A_99 {strides = array<i32>} : memref<8x1024xi32, #tpu.memory_space<vmem>>, vector<8x1024xi32>,
    } else {
    }
    %eq3A_59 = arith.constant 86 : i32
    %eq3A_60 = arith.cmpi eq, %arg0, %eq3A_59 : i32
    %convert_element_type3A_61 = arith.extui %eq3A_60 : i1 to i32
    %cond3A_62 = arith.constant 0 : i32
    %cond3A_63 = arith.cmpi ne, %convert_element_type3A_61, %cond3A_62 : i32
    scf.if %cond3A_63 {
      %get3A_64 = arith.constant 0 : index
      %get3A_65 = arith.constant 0 : index
      %get3A_66 = vector.load %arg10[%get3A_64, %get3A_65] : memref<1x1024xi32, #tpu.memory_space<vmem>>, vector<1x1024xi32>
      %swap3A_67 = arith.constant 0 : index
      %swap3A_68 = arith.constant 0 : index
      %swap3A_69 = vector.load %arg5[%swap3A_67, %swap3A_68] : memref<1x1024xi32, #tpu.memory_space<vmem>>, vector<1x1024xi32>
      tpu.vector_store %arg5[%swap3A_67, %swap3A_68], %get3A_66 {strides = array<i32>} : memref<1x1024xi32, #tpu.memory_space<vmem>>, vector<1x1024xi32>,
    } else {
    }
    return
  }
  func.func @transform_0(%arg0: i32) -> (i32, i32) {
    %c0_i32 = arith.constant 0 : i32
    %c0_i32_0 = arith.constant 0 : i32
    %c0_i32_1 = arith.constant 0 : i32
    return %c0_i32, %c0_i32_0 : i32, i32
  }
  func.func @transform_1(%arg0: i32) -> (i32, i32) {
    %c0_i32 = arith.constant 0 : i32
    %c0_i32_0 = arith.constant 0 : i32
    return %arg0, %c0_i32 : i32, i32
  }
  func.func @transform_2(%arg0: i32) -> (i32, i32) {
    %c0_i32 = arith.constant 0 : i32
    %c0_i32_0 = arith.constant 0 : i32
    return %arg0, %c0_i32 : i32, i32
  }
  func.func @transform_3(%arg0: i32) -> (i32, i32) {
    %c0_i32 = arith.constant 0 : i32
    %c0_i32_0 = arith.constant 0 : i32
    %c0_i32_1 = arith.constant 0 : i32
    return %c0_i32, %c0_i32_0 : i32, i32
  }
  func.func @transform_4(%arg0: i32) -> (i32, i32) {
    %c0_i32 = arith.constant 0 : i32
    %c0_i32_0 = arith.constant 0 : i32
    %c0_i32_1 = arith.constant 0 : i32
    return %c0_i32, %c0_i32_0 : i32, i32
  }
}

</mosaic_0001>

<sc_bundles>
// kernel: kernel.4.cloned.1.call-start
scs
__scs_entry_jumppad:
0x0: {  	(pc) =	sbr.rel $0x88, $3  }
0x1: {  	(tag) =	ssettag $0x0;
	lr =	simm.s32 $0x1  }
0x2: {  	[smem:$0x3F9E] =	sst lr;
	_ =	strace $0xD0000000  }
0x3: {  	_ = 	snop  }
0x4: {  	_ = 	snop  }
0x5: {  	_ = 	snop  }
0x6: {  	_ = 	snop  }
0x7: {  	_ = 	snop  }
__scs_overlays_trampoline_lowered:
0x8: {  	[smem:$0x3FAD] =	sst s0  }
0x9: {  	[smem:$0x3FAE] =	sst s1  }
0xa: {  	[smem:$0x3FAF] =	sst s2  }
0xb: {  	[smem:$0x3FB0] =	sst s3  }
0xc: {  	[smem:$0x3FB1] =	sst s4  }
0xd: {  	[smem:$0x3FB2] =	sst s5  }
0xe: {  	[smem:$0x3FB3] =	sst s6  }
0xf: {  	[smem:$0x3FB4] =	sst s7  }
0x10: {  	[smem:$0x3FB5] =	sst s8  }
0x11: {  	[smem:$0x3FB6] =	sst s9;
	s0 =	simm.s32 @!p0 $0x0  }
0x12: {  	s1 =	sld [smem:$0x3F9C];
	s0 =	simm.s32 @p0 $0x1  }
0x13: {  	[smem:$0x3FB7] =	sst s0;
	s0 =	simm.s32 @!p1 $0x0  }
0x14: {  	s2 =	sld [smem:$0x3F9B];
	s0 =	simm.s32 @p1 $0x1  }
0x15: {  	[smem:$0x3FB8] =	sst s0;
	s0 =	simm.s32 @!p2 $0x0  }
0x16: {  	s3 =	sld [smem:$0x3FDB];
	s0 =	simm.s32 @p2 $0x1  }
0x17: {  	s4 =	simm.s32 $0x1BF5;
	[smem:$0x3FBA] =	sst s0  }
0x18: {  	s0 =	sld [smem:$0x3F9D];
	_ =	swait.ge [sflag:s4], $0x0  }
0x19: {  	s7 =	sld [smem:$0x3F9E]  }
0x1a: {  	s8 =	sadd.s32 $0xFFFFE003, lr  }
0x1b: {  	s9 =	sadd.s32 $0xFFFFFEF7, lr;
	s5 =	simm.s32 $0xFFFFFFFF;
	p2 =	slt.u32 s8, $0xFFFFF086  }
0x1c: {  	p1 =	slt.u32 s9, $0xF7A;
	s5 =	simm.s32 @!p2 $0x0  }
0x1d: {  	s5 =	simm.s32 @p1 $0x1;
	p0 =	seq.s32 s7, s2  }
0x1e: {  	s7 =	smul.u32 @!p0 $0xF7A, s2;
	p2 =	seq.s32 @!p0 s5, $0x0  }
0x1f: {  	s9 =	smul.u32 $0xF7A, s1;
	s8 =	simm.s32 @!p0 $0x1BF5;
	p2 =	por !p2, p0  }
0x20: {  	[sflag:s8] =	ssyncset.s32 @!p0 $0xFFFFF086;
	s6 =	sadd.s32 @!p0 s3, s7;
	s7 =	simm.s32 @!p0 $0x108  }
0x21: {  	s3 =	sadd.s32 s3, s9;
	s6 =	sadd.s32 @!p0 $0x88, s6;
	s7 =	simm.s32 @p2 $0x1082  }
0x22: {  	[simem:s7], [sflag:s8] =	dma.local @!p0 [hbm:s6], $0xF7A  }
0x23: {  	s9 =	sor.u32 $0xD0000000, s2;
	s6 =	simm.s32 $0x108;
	_ =	swait.ge @!p0 [sflag:s8], $0x0  }
0x24: {  	s3 =	sadd.s32 $0x88, s3;
	s6 =	simm.s32 @!p1 $0x1082;
	[sflag:s4] =	ssyncset.s32 $0xFFFFF086  }
0x25: {  	[simem:s6], [sflag:s4] =	dma.local [hbm:s3], $0xF7A  }
0x26: {  	[smem:$0x3F9E] =	sst s1;
	(tag) =	ssettag s2;
	_ =	strace s9  }
0x27: {  	s1 =	sld [smem:$0x3FAE]  }
0x28: {  	s2 =	sld [smem:$0x3FAF]  }
0x29: {  	s4 =	sld [smem:$0x3FB1]  }
0x2a: {  	p0 =	seq.s32 s5, $0x0;
	s5 =	sld [smem:$0x3FB2]  }
0x2b: {  	s6 =	sld [smem:$0x3FB3]  }
0x2c: {  	s7 =	sld [smem:$0x3FB4]  }
0x2d: {  	s3 =	simm.s32 $0x108;
	s8 =	sld [smem:$0x3FB5]  }
0x2e: {  	s3 =	simm.s32 @!p0 $0x1082;
	s9 =	sld [smem:$0x3FB6]  }
0x2f: {  	lr =	sadd.s32 s0, s3;
	s0 =	sld [smem:$0x3FAD]  }
0x30: {  	s3 =	sld [smem:$0x3FB0]  }
0x31: {  	[smem:$0x3FB9] =	sst s10  }
0x32: {  	s10 =	sld [smem:$0x3FB7];
	_ =	sdelay $0x3  }
0x33: {  	p0 =	seq.s32 s10, $0x1;
	s10 =	sld [smem:$0x3FB9];
	_ =	sdelay $0x3  }
0x34: {  	[smem:$0x3FB9] =	sst s10  }
0x35: {  	s10 =	sld [smem:$0x3FB8];
	_ =	sdelay $0x3  }
0x36: {  	p1 =	seq.s32 s10, $0x1;
	s10 =	sld [smem:$0x3FB9];
	_ =	sdelay $0x3  }
0x37: {  	[smem:$0x3FB9] =	sst s10  }
0x38: {  	s10 =	sld [smem:$0x3FBA]  }
0x39: {  	_ = 	snop;
	(pc) =	sbr.ind lr, $3  }
0x3a: {  	_ = 	snop  }
0x3b: {  	_ = 	snop  }
0x3c: {  	p2 =	seq.s32 s10, $0x1;
	s10 =	sld [smem:$0x3FB9]  }
0x3d: {  	_ =	shalt  }
0x3e: {  	_ =	shalt  }
0x3f: {  	_ =	shalt  }
0x40: {  	_ =	shalt  }
0x41: {  	_ =	shalt  }
0x42: {  	_ =	shalt  }
0x43: {  	_ =	shalt  }
0x44: {  	_ =	shalt  }
0x45: {  	_ =	shalt  }
0x46: {  	_ =	shalt  }
0x47: {  	_ =	shalt  }
0x48: {  	_ =	shalt  }
0x49: {  	_ =	shalt  }
0x4a: {  	_ =	shalt  }
0x4b: {  	_ =	shalt  }
0x4c: {  	_ =	shalt  }
0x4d: {  	_ =	shalt  }
0x4e: {  	_ =	shalt  }
0x4f: {  	_ =	shalt  }
0x50: {  	_ =	shalt  }
0x51: {  	_ =	shalt  }
0x52: {  	_ =	shalt  }
0x53: {  	_ =	shalt  }
0x54: {  	_ =	shalt  }
0x55: {  	_ =	shalt  }
0x56: {  	_ =	shalt  }
0x57: {  	_ =	shalt  }
0x58: {  	_ =	shalt  }
0x59: {  	_ =	shalt  }
0x5a: {  	_ =	shalt  }
0x5b: {  	_ =	shalt  }
0x5c: {  	_ =	shalt  }
0x5d: {  	_ =	shalt  }
0x5e: {  	_ =	shalt  }
0x5f: {  	_ =	shalt  }
0x60: {  	_ =	shalt  }
0x61: {  	_ =	shalt  }
0x62: {  	_ =	shalt  }
0x63: {  	_ =	shalt  }
0x64: {  	_ =	shalt  }
0x65: {  	_ =	shalt  }
0x66: {  	_ =	shalt  }
0x67: {  	_ =	shalt  }
0x68: {  	_ =	shalt  }
0x69: {  	_ =	shalt  }
0x6a: {  	_ =	shalt  }
0x6b: {  	_ =	shalt  }
0x6c: {  	_ =	shalt  }
0x6d: {  	_ =	shalt  }
0x6e: {  	_ =	shalt  }
0x6f: {  	_ =	shalt  }
0x70: {  	_ =	shalt  }
0x71: {  	_ =	shalt  }
0x72: {  	_ =	shalt  }
0x73: {  	_ =	shalt  }
0x74: {  	_ =	shalt  }
0x75: {  	_ =	shalt  }
0x76: {  	_ =	shalt  }
0x77: {  	_ =	shalt  }
0x78: {  	_ =	shalt  }
0x79: {  	_ =	shalt  }
0x7a: {  	_ =	shalt  }
0x7b: {  	_ =	shalt  }
0x7c: {  	_ =	shalt  }
0x7d: {  	_ =	shalt  }
0x7e: {  	_ =	shalt  }
0x7f: {  	_ =	shalt  }
0x80: {  	_ =	shalt  }
0x81: {  	_ =	shalt  }
0x82: {  	_ =	shalt  }
0x83: {  	_ =	shalt  }
0x84: {  	_ =	shalt  }
0x85: {  	_ =	shalt  }
0x86: {  	_ =	shalt  }
0x87: {  	_ =	shalt  }
.Lfunc_end0:
.L_simem_size_0:
called_computation_lowered:
.L_overlay_start_0:
0x88: {  	s2 =	sld [smem:$0x3FD9]  }
0x89: {  	s3 =	sld [smem:$0x3FFE];
	_ =	sdelay $0x1  }
0x8a: {  	s1 =	srdreg.scid  }
0x8b: {  	s0 =	sand.u32 $0x1, s1  }
0x8c: {  	s17 =	sshll.u32 s0, $0xA;
	s2 =	sadd.s32 s3, s2  }
0x8d: {  	s2 =	sadd.s32 s2, s17  }
0x8e: {  	[smem:$0x3FC5] =	sst s2  }
0x8f: {  	_ = 	snop  }
0x90: {  	s2 =	sld [smem:$0x3FD0];
	(tm) =	ssettm $0x1  }
0x91: {  	s18 =	sld [smem:$0x3FFB];
	_ =	sdelay $0x3  }
0x92: {  	_ =	strace s18  }
0x93: {  	s3 =	sld [smem:$0x3FFC];
	_ =	sdelay $0x3  }
0x94: {  	_ =	strace s3  }
0x95: {  	s3 =	sld [smem:$0x3FFD];
	_ =	sdelay $0x3  }
0x96: {  	_ =	strace s3  }
0x97: {  	_ =	strace $0x8FFFFFFF  }
0x98: {  	s19 =	sld [smem:$0x3FDB];
	_ =	sdelay $0x1  }
0x99: {  	s4 =	simm.s32 $_scs_section_size  }
0x9a: {  	s5 =	simm.s32 $_size__tile_overlayer_lowered;
	s6 =	simm.s32 $_tile_overlayer_lowered  }
0x9b: {  	s22 =	simm.s32 $0x1BFF;
	s21 =	sshll.u32 s6, $0x1;
	s3 =	sadd.s32 s4, s19  }
0x9c: {  	s7 =	simm.s32 $0x0;
	s20 =	sshll.u32 s5, $0x1;
	s5 =	sadd.s32 s21, s3  }
0x9d: {  	[timem:s7], [sflag:s22] =	dma.local [hbm:s5], s20  }
0x9e: {  	_ =	swait.ge [sflag:s22], s20  }
0x9f: {  	s4 =	ssub.s32 $0x0, s20;
	[sflag:s22] =	ssyncset.done $0x0  }
0xa0: {  	[sflag:s22] =	ssyncadd.s32 s4;
	_ =	sdelay $0x1  }
0xa1: {  	s23 =	simm.s32 $0x1B8B  }
0xa2: {  	_ =	swait.ge [sflag:s23], $0x1  }
0xa3: {  	[sflag:s23] =	ssyncset.done $0x0  }
0xa4: {  	s25 =	simm.s32 $0x1B8E;
	s24 =	sld [smem:$0x3FFE];
	[sflag:s23] =	ssyncadd.s32 $0xFFFFFFFF  }
0xa5: {  	s26 =	simm.s32 $execute0_lowered;
	[smem:$0x3FD2] =	sst s25  }
0xa6: {  	s5 =	sshll.u32 s26, $0x1;
	_ =	strace $0x80000046;
	[dreg:$0x1] =	wrdreg $0xFFFFFFFF  }
0xa7: {  	s28 =	simm.s32 $_size_execute0_lowered;
	s3 =	sadd.s32 s3, s5;
	[dreg:$0x0] =	wrdreg $0x0  }
0xa8: {  	s5 =	sshll.u32 s28, $0x1;
	[dreg:$0x2] =	wrdreg s3  }
0xa9: {  	[dreg:$0x3] =	wrdreg s5  }
0xaa: {  	[dreg:$0x4] =	wrdreg $0xC0  }
0xab: {  	_ =	task [dreg:s7], $0x5FFFF  }
0xac: {  	[dreg:$0x1] =	wrdreg $0xFFFFFFFF  }
0xad: {  	[dreg:$0x0] =	wrdreg $0x60  }
0xae: {  	[dreg:$0x2] =	wrdreg s24  }
0xaf: {  	[dreg:$0x3] =	wrdreg s2  }
0xb0: {  	[dreg:$0x4] =	wrdreg $0x9  }
0xb1: {  	_ =	task.clear_ibuf [dreg:s7], $0x5FFFF;
	_ =	strace $0x90000046  }
0xb2: {  	s29 =	simm.s32 $0x9;
	_ =	strace $0x80000048  }
0xb3: {  	_ =	swait.ge [sflag:s29], $0x1  }
0xb4: {  	[sflag:s29] =	ssyncadd.s32 $0xFFFFFFFF  }
0xb5: {  	_ =	strace $0x90000048  }
0xb6: {  	_ =	sfence  }
0xb7: {  	s30 =	sld [smem:$0x0];
	_ =	sdelay $0x2  }
0xb8: {  	s31 =	sshll.u32 s1, $0xD;
	s1 =	sshrl.u32 s1, $0x2  }
0xb9: {  	s3 =	sand.u32 $0x4000, s31;
	s1 =	sadd.s32 s1, s30  }
0xba: {  	s0 =	sor.u32 s3, s0;
	s1 =	sshll.u32 s1, $0x11  }
0xbb: {  	s0 =	sor.u32 s1, s0  }
0xbc: {  	s0 =	sadd.s32 $0x8F2B, s0  }
0xbd: {  	[sflag:s0] =	ssyncadd.remote.s32 $0x1  }
0xbe: {  	_ =	sfence.sel $0xFFFF  }
0xbf: {  	[dreg:$0x0] =	wrdreg $0xFFFFFFFF;
	(pc) =	sbr.abs _section_cstart, $3  }
0xc0: {  	[dreg:$0x1] =	wrdreg $0xFFFFFFFF  }
0xc1: {  	_ =	task.clear_ibuf [dreg:s7], $0x2FFFF;
	_ =	strace $0x9FFFFFFF  }
0xc2: {  	(tm) =	ssettm $0x7FFFFFFF  }
0xc3: {  	_ =	shalt  }
tec
execute0_lowered:
.L_overlay_start_1:
0x0: {  	(tag) =	ssettag $0x1  }
0x1: {  	s4 =	rddreg [dreg:$0x0]  }
0x2: {  	s5 =	rddreg [dreg:$0x1]  }
0x3: {  	s0 =	rddreg [dreg:$0x2];
	s3 =	srdreg.scid  }
0x4: {  	s2 =	simm.s32 $0x0;
	s1 =	stileid.u32;
	s10 =	simm.s32 $0x180  }
0x5: {  	s11 =	simm.s32 $0x1;
	s12 =	simm.s32 $0x1180;
	s3 =	sand.u32 $0x1, s3  }
0x6: {  	[smem:$0x7FF] =	sst s2;
	s6 =	sshll.u32 s1, $0x6;
	s7 =	sshll.u32 s3, $0x5  }
0x7: {  	_ =	strace $0x80000047;
	s30 =	ssub.s32 $0x2, s3;
	s6 =	sor.u32 s7, s6  }
0x8: {  	s3 =	sadd.s32 $0x494600, s4;
	s9 =	sshrl.u32 s30, $0x1;
	s8 =	sshll.u32 s6, $0x4  }
0x9: {  	s7 =	ssub.s32 s30, s9;
	s31 =	sshrl.u32 s6, $0x3;
	s9 =	simm.s32 $0x80  }
0xa: {  	s8 =	sadd.s32 s8, s4;
	s4 =	sadd.s32 s5, s31;
	s6 =	smax.u32 s7, $0x1  }
0xb: {  	s7 =	simm.s32 $0x2;
	s5 =	sadd.s32 $0x800, s8;
	s8 =	simm.s32 $0x20  }
.LBB2_1:
0xc: {  	[tilespmem:s2], [sflag:$0x2] =	stream.linear.gather [hbm4b:s4+s2], $0x20, $0x38;
	[tilespmem:$0x2180] =	vst v63  }
0xd: {  	_ =	swait.ge [sflag:s7], $0x20  }
0xe: {  	[sflag:s7] =	ssyncset.done $0x0  }
0xf: {  	[sflag:s7] =	ssyncadd.s32 $0xFFFFFFE0  }
0x10: {  	v0 =	vld [tilespmem:$0x0]  }
0x11: {  	v1 =	vld [tilespmem:$0x10];
	_ =	sdelay $0x3  }
0x12: {  	v0 =	vshrl.u32 v0, $0x3  }
0x13: {  	v47 =	vshrl.u32 v1, $0x3;
	[tilespmem:$0x80] =	vst v0  }
0x14: {  	[tilespmem:$0x90] =	vst v47  }
0x15: {  	[tilespmem:s10], [sflag:$0x1] =	stream.indirect.gather [hbm4b:s3+s8], $0x80, s9, s8, $0xb8;
	[tilespmem:$0x2180] =	vst v63  }
0x16: {  	_ =	swait.ge [sflag:s11], $0x1000  }
0x17: {  	[sflag:s11] =	ssyncset.done $0x0  }
0x18: {  	[sflag:s11] =	ssyncadd.s32 $0xFFFFF000  }
0x19: {  	v48 =	vld [tilespmem:$0x0]  }
0x1a: {  	v36 =	vld [tilespmem:$0x10]  }
0x1b: {  	v2 =	vld [tilespmem:$0x180]  }
0x1c: {  	v1 =	vld [tilespmem:$0x190]  }
0x1d: {  	v3 =	vld [tilespmem:$0x1A0]  }
0x1e: {  	v17 =	vld [tilespmem:$0x1B0]  }
0x1f: {  	v6 =	vld [tilespmem:$0x1C0]  }
0x20: {  	v10 =	vld [tilespmem:$0x1D0]  }
0x21: {  	v18 =	vld [tilespmem:$0x1E0]  }
0x22: {  	v21 =	vld [tilespmem:$0x1F0]  }
0x23: {  	v5 =	vld [tilespmem:$0x200]  }
0x24: {  	v4 =	vld [tilespmem:$0x210]  }
0x25: {  	v7 =	vld [tilespmem:$0x3F0]  }
0x26: {  	v9 =	vld [tilespmem:$0x220]  }
0x27: {  	v11 =	vld [tilespmem:$0x230]  }
0x28: {  	v12 =	vld [tilespmem:$0x240]  }
0x29: {  	v19 =	vld [tilespmem:$0x250]  }
0x2a: {  	[tilespmem:$0x1F800] =	vst v7;
	v7 =	vld [tilespmem:$0x580]  }
0x2b: {  	v22 =	vld [tilespmem:$0x260]  }
0x2c: {  	v27 =	vld [tilespmem:$0x270]  }
0x2d: {  	v14 =	vld [tilespmem:$0x280]  }
0x2e: {  	v13 =	vld [tilespmem:$0x290]  }
0x2f: {  	[tilespmem:$0x1F890] =	vst v7;
	v7 =	vld [tilespmem:$0x590]  }
0x30: {  	v20 =	vld [tilespmem:$0x2A0]  }
0x31: {  	v23 =	vld [tilespmem:$0x2B0]  }
0x32: {  	v26 =	vld [tilespmem:$0x2C0]  }
0x33: {  	v28 =	vld [tilespmem:$0x2D0]  }
0x34: {  	[tilespmem:$0x1F8A0] =	vst v7;
	v7 =	vld [tilespmem:$0x5A0]  }
0x35: {  	v47 =	vld [tilespmem:$0x2E0]  }
0x36: {  	v51 =	vld [tilespmem:$0x2F0]  }
0x37: {  	v25 =	vld [tilespmem:$0x300]  }
0x38: {  	v24 =	vld [tilespmem:$0x310]  }
0x39: {  	[tilespmem:$0x1F8B0] =	vst v7;
	v7 =	vld [tilespmem:$0x5B0]  }
0x3a: {  	v45 =	vld [tilespmem:$0x320]  }
0x3b: {  	v29 =	vld [tilespmem:$0x330]  }
0x3c: {  	v32 =	vld [tilespmem:$0x340]  }
0x3d: {  	v37 =	vld [tilespmem:$0x360]  }
0x3e: {  	[tilespmem:$0x1F8D0] =	vst v7;
	v7 =	vld [tilespmem:$0x5C0]  }
0x3f: {  	v44 =	vld [tilespmem:$0x370]  }
0x40: {  	v31 =	vld [tilespmem:$0x380]  }
0x41: {  	v30 =	vld [tilespmem:$0x390]  }
0x42: {  	v33 =	vld [tilespmem:$0x3A0]  }
0x43: {  	[tilespmem:$0x1F8F0] =	vst v7;
	v7 =	vld [tilespmem:$0x5D0]  }
0x44: {  	v34 =	vld [tilespmem:$0x3B0]  }
0x45: {  	v39 =	vld [tilespmem:$0x3C0]  }
0x46: {  	v52 =	vld [tilespmem:$0x3D0]  }
0x47: {  	v57 =	vld [tilespmem:$0x3E0]  }
0x48: {  	[tilespmem:$0x1F920] =	vst v7;
	v7 =	vld [tilespmem:$0x5E0]  }
0x49: {  	v59 =	vld [tilespmem:$0x400]  }
0x4a: {  	v40 =	vld [tilespmem:$0x410]  }
0x4b: {  	v58 =	vld [tilespmem:$0x420]  }
0x4c: {  	v46 =	vld [tilespmem:$0x430]  }
0x4d: {  	[tilespmem:$0x1F950] =	vst v7;
	v7 =	vld [tilespmem:$0x5F0]  }
0x4e: {  	v53 =	vld [tilespmem:$0x440]  }
0x4f: {  	v62 =	vld [tilespmem:$0x450]  }
0x50: {  	v49 =	vld [tilespmem:$0x460];
	v16 =	vand.u32 $0x7, v48  }
0x51: {  	v60 =	vld [tilespmem:$0x520];
	[tilespmem:$0x80] =	vst v16  }
0x52: {  	[tilespmem:$0x1F990] =	vst v7;
	v7 =	vld [tilespmem:$0x80]  }
0x53: {  	v54 =	vld [tilespmem:$0x470]  }
0x54: {  	v41 =	vld [tilespmem:$0x480]  }
0x55: {  	v38 =	vld [tilespmem:$0x490]  }
0x56: {  	[tilespmem:$0x1F840] =	vst v60;
	v60 =	vld [tilespmem:$0x530]  }
0x57: {  	[tilespmem:$0x1F8C0] =	vst v7;
	v7 =	vld [tilespmem:$0x600]  }
0x58: {  	v43 =	vld [tilespmem:$0x4A0]  }
0x59: {  	v61 =	vld [tilespmem:$0x4D0]  }
0x5a: {  	v55 =	vld [tilespmem:$0x4E0]  }
0x5b: {  	[tilespmem:$0x1F860] =	vst v60;
	v60 =	vld [tilespmem:$0x540]  }
0x5c: {  	[tilespmem:$0x1F900] =	vst v7;
	v7 =	vld [tilespmem:$0x610]  }
0x5d: {  	v56 =	vld [tilespmem:$0x4F0]  }
0x5e: {  	v48 =	vld [tilespmem:$0x350]  }
0x5f: {  	[tilespmem:$0x1F810] =	vst v49;
	v49 =	vld [tilespmem:$0x4B0]  }
0x60: {  	[tilespmem:$0x1F870] =	vst v60;
	v60 =	vld [tilespmem:$0x550]  }
0x61: {  	[tilespmem:$0x1F910] =	vst v7;
	v7 =	vld [tilespmem:$0x620]  }
0x62: {  	[tilespmem:$0x1F820] =	vst v54;
	v54 =	vld [tilespmem:$0x4C0]  }
0x63: {  	[tilespmem:$0x1F850] =	vst v56;
	v56 =	vld [tilespmem:$0x500]  }
0x64: {  	[tilespmem:$0x1F830] =	vst v55;
	v55 =	vld [tilespmem:$0x510]  }
0x65: {  	[tilespmem:$0x1F880] =	vst v60;
	v60 =	vld [tilespmem:$0x560]  }
0x66: {  	[tilespmem:$0x1F930] =	vst v7;
	v7 =	vld [tilespmem:$0x630]  }
0x67: {  	v0 =	vld [tilespmem:$0x80]  }
0x68: {  	v8 =	vld [tilespmem:$0x80]  }
0x69: {  	v15 =	vld [tilespmem:$0x80]  }
0x6a: {  	[tilespmem:$0x1F8E0] =	vst v60;
	v60 =	vld [tilespmem:$0x570]  }
0x6b: {  	[tilespmem:$0x1F940] =	vst v7;
	v7 =	vld [tilespmem:$0x640]  }
0x6c: {  	v63 =	vld [tilespmem:$0x80]  }
0x6d: {  	v50 =	vld [tilespmem:$0x80]  }
0x6e: {  	v35 =	vld [tilespmem:$0x80]  }
0x6f: {  	v42 =	vld [tilespmem:$0x80];
	[tilespmem:$0x1F980] =	vst v60  }
0x70: {  	v60 =	vld [tilespmem:$0x80];
	[tilespmem:$0x1F960] =	vst v7  }
0x71: {  	v7 =	vld [tilespmem:$0x650];
	_ =	sdelay $0x4  }
0x72: {  	[tilespmem:$0x1F9A0] =	vst v7;
	v7 =	vld [tilespmem:$0x660];
	_ =	sdelay $0x4  }
0x73: {  	[tilespmem:$0x1F9C0] =	vst v7;
	v7 =	vld [tilespmem:$0x670];
	_ =	sdelay $0x4  }
0x74: {  	[tilespmem:$0x1FA70] =	vst v7;
	v7 =	vld [tilespmem:$0x80];
	_ =	sdelay $0x4  }
0x75: {  	[tilespmem:$0x1F970] =	vst v7;
	v7 =	vld [tilespmem:$0x680];
	_ =	sdelay $0x4  }
0x76: {  	[tilespmem:$0x1F9D0] =	vst v7;
	v7 =	vld [tilespmem:$0x690];
	_ =	sdelay $0x4  }
0x77: {  	[tilespmem:$0x1F9E0] =	vst v7;
	v7 =	vld [tilespmem:$0x6A0];
	_ =	sdelay $0x4  }
0x78: {  	[tilespmem:$0x1F9F0] =	vst v7;
	v7 =	vld [tilespmem:$0x6B0];
	_ =	sdelay $0x4  }
0x79: {  	[tilespmem:$0x1FA00] =	vst v7;
	v7 =	vld [tilespmem:$0x6C0];
	_ =	sdelay $0x4  }
0x7a: {  	[tilespmem:$0x1FA40] =	vst v7;
	v7 =	vld [tilespmem:$0x6D0];
	_ =	sdelay $0x4  }
0x7b: {  	[tilespmem:$0x1FA80] =	vst v7;
	v7 =	vld [tilespmem:$0x6E0];
	_ =	sdelay $0x4  }
0x7c: {  	[tilespmem:$0x1FAA0] =	vst v7;
	v7 =	vld [tilespmem:$0x6F0];
	_ =	sdelay $0x4  }
0x7d: {  	[tilespmem:$0x1FAE0] =	vst v7;
	v7 =	vld [tilespmem:$0x80];
	_ =	sdelay $0x4  }
0x7e: {  	[tilespmem:$0x1F9B0] =	vst v7;
	v7 =	vld [tilespmem:$0x700];
	_ =	sdelay $0x4  }
0x7f: {  	[tilespmem:$0x1FA10] =	vst v7;
	v7 =	vld [tilespmem:$0x710];
	_ =	sdelay $0x4  }
0x80: {  	[tilespmem:$0x1FA20] =	vst v7;
	v7 =	vld [tilespmem:$0x720];
	_ =	sdelay $0x4  }
0x81: {  	[tilespmem:$0x1FA30] =	vst v7;
	v7 =	vld [tilespmem:$0x730];
	_ =	sdelay $0x4  }
0x82: {  	[tilespmem:$0x1FA50] =	vst v7;
	v7 =	vld [tilespmem:$0x740];
	_ =	sdelay $0x4  }
0x83: {  	[tilespmem:$0x1FA90] =	vst v7;
	v7 =	vld [tilespmem:$0x750];
	_ =	sdelay $0x4  }
0x84: {  	[tilespmem:$0x1FAB0] =	vst v7;
	v7 =	vld [tilespmem:$0x760];
	_ =	sdelay $0x4  }
0x85: {  	[tilespmem:$0x1FAF0] =	vst v7;
	v7 =	vld [tilespmem:$0x770];
	_ =	sdelay $0x4  }
0x86: {  	[tilespmem:$0x1FB20] =	vst v7;
	v7 =	vld [tilespmem:$0x80];
	_ =	sdelay $0x4  }
0x87: {  	[tilespmem:$0x1FA60] =	vst v7;
	v7 =	vld [tilespmem:$0x780];
	_ =	sdelay $0x4  }
0x88: {  	[tilespmem:$0x1FAC0] =	vst v7;
	v7 =	vld [tilespmem:$0x790];
	_ =	sdelay $0x4  }
0x89: {  	[tilespmem:$0x1FAD0] =	vst v7;
	v7 =	vld [tilespmem:$0x7A0];
	_ =	sdelay $0x4  }
0x8a: {  	[tilespmem:$0x1FB00] =	vst v7;
	v7 =	vld [tilespmem:$0x7B0];
	_ =	sdelay $0x4  }
0x8b: {  	[tilespmem:$0x1FB30] =	vst v7;
	v7 =	vld [tilespmem:$0x7C0];
	_ =	sdelay $0x4  }
0x8c: {  	[tilespmem:$0x1FB40] =	vst v7;
	v7 =	vld [tilespmem:$0x7D0];
	_ =	sdelay $0x4  }
0x8d: {  	[tilespmem:$0x1FB50] =	vst v7;
	v7 =	vld [tilespmem:$0x7E0];
	_ =	sdelay $0x4  }
0x8e: {  	[tilespmem:$0x1FBB0] =	vst v7;
	v7 =	vld [tilespmem:$0x7F0];
	_ =	sdelay $0x4  }
0x8f: {  	[tilespmem:$0x1FC50] =	vst v7;
	v7 =	vld [tilespmem:$0x80];
	_ =	sdelay $0x4  }
0x90: {  	[tilespmem:$0x1FB10] =	vst v7;
	v7 =	vld [tilespmem:$0x800];
	_ =	sdelay $0x4  }
0x91: {  	[tilespmem:$0x1FB60] =	vst v7;
	v7 =	vld [tilespmem:$0x810];
	_ =	sdelay $0x4  }
0x92: {  	[tilespmem:$0x1FB70] =	vst v7;
	v7 =	vld [tilespmem:$0x820];
	_ =	sdelay $0x4  }
0x93: {  	[tilespmem:$0x1FB80] =	vst v7;
	v7 =	vld [tilespmem:$0x830];
	_ =	sdelay $0x4  }
0x94: {  	[tilespmem:$0x1FBA0] =	vst v7;
	v7 =	vld [tilespmem:$0x840];
	_ =	sdelay $0x4  }
0x95: {  	[tilespmem:$0x1FBC0] =	vst v7;
	v7 =	vld [tilespmem:$0x850];
	_ =	sdelay $0x4  }
0x96: {  	[tilespmem:$0x1FBF0] =	vst v7;
	v7 =	vld [tilespmem:$0x860];
	_ =	sdelay $0x4  }
0x97: {  	[tilespmem:$0x1FC20] =	vst v7;
	v7 =	vld [tilespmem:$0x870];
	_ =	sdelay $0x4  }
0x98: {  	[tilespmem:$0x1FC60] =	vst v7;
	v7 =	vld [tilespmem:$0x80];
	_ =	sdelay $0x4  }
0x99: {  	[tilespmem:$0x1FB90] =	vst v7;
	v7 =	vld [tilespmem:$0x880];
	_ =	sdelay $0x4  }
0x9a: {  	[tilespmem:$0x1FBD0] =	vst v7;
	v7 =	vimm.s32 $0x0  }
0x9b: {  	v7 =	vperm.xlane v16, v7;
	v16 =	vld [tilespmem:$0x890];
	_ =	sdelay $0x1  }
0x9c: {  	vm0 =	veq.s32 v7, $0x1  }
0x9d: {  	vm11 =	veq.s32 v7, $0x2;
	v1 =	vsel vm0, v1, v2  }
0x9e: {  	vm12 =	veq.s32 v7, $0x3;
	v1 =	vsel vm11, v3, v1  }
0x9f: {  	[tilespmem:$0x1FBE0] =	vst v16;
	v16 =	vld [tilespmem:$0x8A0];
	v1 =	vsel vm12, v17, v1;
	v17 =	vimm.s32 $0x1  }
0xa0: {  	vm13 =	veq.s32 v7, $0x4;
	v17 =	vperm.xlane v0, v17  }
0xa1: {  	vm14 =	veq.s32 v7, $0x5;
	v6 =	vsel vm13, v6, v1  }
0xa2: {  	v0 =	vsel vm14, v10, v6;
	v6 =	vld [tilespmem:$0x80];
	vm15 =	veq.s32 v17, $0x1  }
0xa3: {  	v10 =	vsel vm15, v4, v5;
	v5 =	vld [tilespmem:$0x930]  }
0xa4: {  	vm1 =	veq.s32 v17, $0x2;
	[tilespmem:$0x1FC00] =	vst v16;
	v16 =	vld [tilespmem:$0x8B0]  }
0xa5: {  	vm4 =	veq.s32 v7, $0x6;
	v4 =	vimm.s32 $0x2;
	v1 =	vsel vm1, v9, v10;
	v9 =	vld [tilespmem:$0x910]  }
0xa6: {  	v0 =	vsel vm4, v18, v0;
	v18 =	vperm.xlane v8, v4;
	v8 =	vld [tilespmem:$0x940]  }
0xa7: {  	vm7 =	veq.s32 v7, $0x7;
	vm5 =	veq.s32 v17, $0x3;
	v4 =	vld [tilespmem:$0x1F850]  }
0xa8: {  	vm6 =	veq.s32 v17, $0x4;
	vm8 =	veq.s32 v17, $0x5;
	v1 =	vsel vm5, v11, v1;
	v11 =	vld [tilespmem:$0x920]  }
0xa9: {  	vm10 =	veq.s32 v17, $0x6;
	v1 =	vsel vm6, v12, v1;
	vm9 =	veq.s32 v18, $0x1;
	v12 =	vld [tilespmem:$0x950]  }
0xaa: {  	v0 =	vsel vm7, v21, v0;
	[tilespmem:$0x1FC40] =	vst v6;
	v6 =	vsel vm8, v19, v1;
	v10 =	vsel vm9, v13, v14;
	v14 =	vld [tilespmem:$0x960]  }
0xab: {  	[tilespmem:$0x1FE10] =	vst v0;
	v13 =	vand.u32 $0x7, v36;
	v0 =	vsel vm10, v22, v6;
	v22 =	vld [tilespmem:$0x970]  }
0xac: {  	[tilespmem:$0x90] =	vst v13;
	v13 =	vld [tilespmem:$0x980]  }
0xad: {  	vm11 =	veq.s32 v18, $0x2;
	[tilespmem:$0x1FCB0] =	vst v5;
	v5 =	vld [tilespmem:$0x1F860]  }
0xae: {  	v1 =	vsel vm11, v20, v10;
	v10 =	vld [tilespmem:$0x1F870]  }
0xaf: {  	v21 =	vimm.s32 $0x3;
	vm13 =	veq.s32 v18, $0x3;
	[tilespmem:$0x1FC10] =	vst v16;
	v16 =	vld [tilespmem:$0x8C0]  }
0xb0: {  	v19 =	vperm.xlane v15, v21;
	v15 =	vsel vm13, v23, v1;
	v23 =	vld [tilespmem:$0x990]  }
0xb1: {  	v6 =	vld [tilespmem:$0x90]  }
0xb2: {  	vm12 =	veq.s32 v17, $0x7;
	[tilespmem:$0x1FCE0] =	vst v8;
	vm4 =	veq.s32 v19, $0x1;
	v8 =	vld [tilespmem:$0xAE0]  }
0xb3: {  	vm14 =	veq.s32 v18, $0x4;
	v0 =	vsel vm12, v27, v0;
	v20 =	vsel vm4, v24, v25;
	v25 =	vld [tilespmem:$0x9A0]  }
0xb4: {  	[tilespmem:$0x1FE40] =	vst v0;
	v0 =	vsel vm14, v26, v15;
	v26 =	vld [tilespmem:$0x9B0]  }
0xb5: {  	vm15 =	veq.s32 v18, $0x5;
	v15 =	vld [tilespmem:$0xA10]  }
0xb6: {  	vm5 =	veq.s32 v19, $0x2;
	v0 =	vsel vm15, v28, v0;
	v28 =	vld [tilespmem:$0x9F0]  }
0xb7: {  	v24 =	vimm.s32 $0x4;
	v1 =	vsel vm5, v45, v20;
	v45 =	vld [tilespmem:$0xA50]  }
0xb8: {  	v20 =	vperm.xlane v63, v24;
	v63 =	vld [tilespmem:$0xAD0]  }
0xb9: {  	[tilespmem:$0x1FD10] =	vst v12;
	v12 =	vld [tilespmem:$0xAF0]  }
0xba: {  	vm7 =	veq.s32 v18, $0x6;
	vm6 =	veq.s32 v19, $0x3;
	[tilespmem:$0x1FD20] =	vst v14;
	v14 =	vld [tilespmem:$0x90]  }
0xbb: {  	vm8 =	veq.s32 v19, $0x4;
	v1 =	vsel vm6, v29, v1;
	v0 =	vsel vm7, v47, v0;
	v47 =	vld [tilespmem:$0x1F800]  }
0xbc: {  	vm15 =	veq.s32 v18, $0x7;
	v1 =	vsel vm8, v32, v1;
	v32 =	vld [tilespmem:$0x9C0]  }
0xbd: {  	v29 =	vimm.s32 $0x5;
	v0 =	vsel vm15, v51, v0;
	v51 =	vld [tilespmem:$0xA60]  }
0xbe: {  	v24 =	vperm.xlane v50, v29;
	v50 =	vld [tilespmem:$0xA80]  }
0xbf: {  	v29 =	vld [tilespmem:$0x1F890]  }
0xc0: {  	vm9 =	veq.s32 v20, $0x1;
	[tilespmem:$0x1FC30] =	vst v16;
	v16 =	vld [tilespmem:$0x8D0]  }
0xc1: {  	v27 =	vsel vm9, v30, v31;
	v30 =	vld [tilespmem:$0x9D0]  }
0xc2: {  	v36 =	vimm.s32 $0x6;
	v31 =	vld [tilespmem:$0xA00]  }
0xc3: {  	[tilespmem:$0x1FCC0] =	vst v23;
	v23 =	vperm.xlane v35, v36;
	v36 =	vld [tilespmem:$0x1F8C0]  }
0xc4: {  	vm10 =	veq.s32 v19, $0x5;
	[tilespmem:$0x1FDD0] =	vst v8;
	v8 =	vld [tilespmem:$0x1F9B0]  }
0xc5: {  	vm13 =	veq.s32 v19, $0x6;
	v1 =	vsel vm10, v48, v1;
	[tilespmem:$0x1FCF0] =	vst v26;
	v26 =	vld [tilespmem:$0x9E0]  }
0xc6: {  	v1 =	vsel vm13, v37, v1;
	v37 =	vld [tilespmem:$0xA20]  }
0xc7: {  	vm11 =	veq.s32 v20, $0x2;
	[tilespmem:$0x1FDC0] =	vst v63;
	v63 =	vld [tilespmem:$0xB20]  }
0xc8: {  	vm12 =	veq.s32 v20, $0x3;
	v2 =	vsel vm11, v33, v27;
	[tilespmem:$0x1FD60] =	vst v45;
	v45 =	vld [tilespmem:$0xB40]  }
0xc9: {  	vm14 =	veq.s32 v20, $0x4;
	vm6 =	veq.s32 v24, $0x1;
	v2 =	vsel vm12, v34, v2;
	[tilespmem:$0x1FDF0] =	vst v12;
	v12 =	vld [tilespmem:$0x1F9C0]  }
0xca: {  	vm4 =	veq.s32 v19, $0x7;
	v2 =	vsel vm14, v39, v2;
	v39 =	vsel vm6, v40, v59;
	v40 =	vld [tilespmem:$0xA40]  }
0xcb: {  	v33 =	vsel vm4, v44, v1;
	v59 =	vld [tilespmem:$0x1F840]  }
0xcc: {  	vm9 =	veq.s32 v23, $0x1;
	[tilespmem:$0x1FE90] =	vst v33;
	v33 =	vld [tilespmem:$0x1F8A0]  }
0xcd: {  	v44 =	vsel vm9, v38, v41;
	v38 =	vld [tilespmem:$0x1F8D0]  }
0xce: {  	v41 =	vld [tilespmem:$0x1F900]  }
0xcf: {  	[tilespmem:$0x100] =	vst v7;
	vm2 =	veq.s32 v20, $0x5;
	v7 =	vld [tilespmem:$0x1FDF0]  }
0xd0: {  	vm7 =	veq.s32 v24, $0x2;
	v34 =	vsel vm2, v52, v2;
	v52 =	vld [tilespmem:$0xA90]  }
0xd1: {  	v1 =	vsel vm7, v58, v39;
	v58 =	vld [tilespmem:$0x1F830]  }
0xd2: {  	vm10 =	veq.s32 v23, $0x2;
	v39 =	vld [tilespmem:$0x1F8E0]  }
0xd3: {  	v2 =	vsel vm10, v43, v44;
	v43 =	vld [tilespmem:$0x1F920]  }
0xd4: {  	v44 =	vld [tilespmem:$0x1F930]  }
0xd5: {  	[tilespmem:$0x1FD70] =	vst v50;
	v50 =	vld [tilespmem:$0x1F960]  }
0xd6: {  	[tilespmem:$0x1FC70] =	vst v16;
	v16 =	vld [tilespmem:$0x8E0]  }
0xd7: {  	vm5 =	veq.s32 v20, $0x6;
	[tilespmem:$0x1FD30] =	vst v31;
	v31 =	vld [tilespmem:$0xA30]  }
0xd8: {  	[tilespmem:$0x1FE70] =	vst v0;
	vm8 =	veq.s32 v24, $0x3;
	v0 =	vsel vm5, v57, v34;
	v57 =	vld [tilespmem:$0xAB0]  }
0xd9: {  	v1 =	vsel vm8, v46, v1;
	v46 =	vimm.s32 $0x7;
	v34 =	vld [tilespmem:$0x1F8B0]  }
0xda: {  	[tilespmem:$0x1FCD0] =	vst v25;
	vm11 =	veq.s32 v24, $0x4;
	v25 =	vperm.xlane v42, v46;
	v46 =	vld [tilespmem:$0xA70]  }
0xdb: {  	v1 =	vsel vm11, v53, v1;
	v53 =	vld [tilespmem:$0x1F810]  }
0xdc: {  	vm13 =	veq.s32 v20, $0x7;
	vm12 =	veq.s32 v23, $0x3;
	[tilespmem:$0x1FD40] =	vst v37;
	v37 =	vld [tilespmem:$0xB00]  }
0xdd: {  	vm15 =	veq.s32 v23, $0x4;
	vm14 =	veq.s32 v24, $0x5;
	v2 =	vsel vm12, v49, v2;
	v42 =	vld [tilespmem:$0x1F910]  }
0xde: {  	vm5 =	veq.s32 v23, $0x5;
	v0 =	vsel vm13, v47, v0;
	v49 =	vsel vm15, v54, v2;
	v47 =	vld [tilespmem:$0x1F940]  }
0xdf: {  	v48 =	vsel vm14, v62, v1;
	v1 =	vsel vm5, v61, v49;
	v61 =	vld [tilespmem:$0xAC0]  }
0xe0: {  	v49 =	vld [tilespmem:$0x1F950]  }
0xe1: {  	[tilespmem:$0x1FDE0] =	vst v45;
	v45 =	vld [tilespmem:$0x1FA50]  }
0xe2: {  	v62 =	vimm.s32 $0x8;
	[tilespmem:$0x1FD50] =	vst v40;
	v40 =	vld [tilespmem:$0x1F8F0]  }
0xe3: {  	vm6 =	veq.s32 v25, $0x1;
	v27 =	vperm.xlane v60, v62;
	v60 =	vld [tilespmem:$0x1F990]  }
0xe4: {  	v54 =	vsel vm6, v55, v56;
	v55 =	vld [tilespmem:$0xAA0]  }
0xe5: {  	v56 =	vld [tilespmem:$0x1F820]  }
0xe6: {  	vm4 =	veq.s32 v24, $0x6;
	[tilespmem:$0x1FC90] =	vst v16;
	v16 =	vld [tilespmem:$0x8F0]  }
0xe7: {  	[tilespmem:$0x1FEC0] =	vst v0;
	v0 =	vsel vm4, v53, v48;
	v48 =	vld [tilespmem:$0xB50]  }
0xe8: {  	vm14 =	veq.s32 v27, $0x1;
	v53 =	vld [tilespmem:$0x1F970]  }
0xe9: {  	v2 =	vsel vm14, v33, v29;
	v33 =	vld [tilespmem:$0x1F9E0]  }
0xea: {  	v35 =	vimm.s32 $0x9;
	v62 =	vimm.s32 $0xB;
	[tilespmem:$0x1FDB0] =	vst v37;
	v37 =	vld [tilespmem:$0xBA0]  }
0xeb: {  	v29 =	vperm.xlane v36, v35;
	v36 =	vperm.xlane v8, v62;
	v62 =	vld [tilespmem:$0x1FAC0]  }
0xec: {  	v8 =	vld [tilespmem:$0x1FAD0]  }
0xed: {  	vm15 =	veq.s32 v27, $0x2;
	[tilespmem:$0x1FDA0] =	vst v61;
	v61 =	vld [tilespmem:$0x1F9A0]  }
0xee: {  	vm4 =	veq.s32 v27, $0x3;
	v2 =	vsel vm15, v34, v2;
	v34 =	vld [tilespmem:$0x1F9F0]  }
0xef: {  	v2 =	vsel vm4, v38, v2;
	v38 =	vld [tilespmem:$0x1FA00]  }
0xf0: {  	vm7 =	veq.s32 v24, $0x7;
	[tilespmem:$0x1FD90] =	vst v55;
	v55 =	vld [tilespmem:$0xB30]  }
0xf1: {  	vm6 =	veq.s32 v27, $0x4;
	v0 =	vsel vm7, v56, v0;
	v56 =	vld [tilespmem:$0xB70]  }
0xf2: {  	v2 =	vsel vm6, v40, v2;
	v40 =	vld [tilespmem:$0x1FA20]  }
0xf3: {  	vm8 =	veq.s32 v23, $0x6;
	vm9 =	veq.s32 v25, $0x2;
	[tilespmem:$0x1FD00] =	vst v16;
	v16 =	vld [tilespmem:$0x900]  }
0xf4: {  	[tilespmem:$0x1FEF0] =	vst v0;
	v0 =	vsel vm8, v58, v1;
	v1 =	vsel vm9, v59, v54;
	v59 =	vld [tilespmem:$0xB10]  }
0xf5: {  	v54 =	vld [tilespmem:$0xB60]  }
0xf6: {  	vm7 =	veq.s32 v29, $0x1;
	v58 =	vld [tilespmem:$0x1F980]  }
0xf7: {  	v3 =	vsel vm7, v42, v41;
	v41 =	vld [tilespmem:$0xBB0]  }
0xf8: {  	[tilespmem:$0x100] =	vst v17;
	vm8 =	veq.s32 v27, $0x5;
	v42 =	vld [tilespmem:$0x1FA30]  }
0xf9: {  	[tilespmem:$0x100] =	vst v18;
	vm9 =	veq.s32 v29, $0x2;
	v2 =	vsel vm8, v43, v2;
	v43 =	vld [tilespmem:$0xBC0]  }
0xfa: {  	[tilespmem:$0x1FD80] =	vst v52;
	v3 =	vsel vm9, v44, v3;
	v44 =	vld [tilespmem:$0x1FA40]  }
0xfb: {  	v52 =	vimm.s32 $0xA;
	[tilespmem:$0x1FE00] =	vst v48;
	v48 =	vld [tilespmem:$0x1FA60]  }
0xfc: {  	[tilespmem:$0x100] =	vst v19;
	v35 =	vperm.xlane v53, v52;
	v52 =	vld [tilespmem:$0xBE0]  }
0xfd: {  	[tilespmem:$0x100] =	vst v20;
	vm10 =	veq.s32 v23, $0x7;
	v53 =	vld [tilespmem:$0x1FA70]  }
0xfe: {  	vm11 =	veq.s32 v25, $0x3;
	v0 =	vsel vm10, v4, v0;
	[tilespmem:$0x1FE50] =	vst v37;
	v37 =	vld [tilespmem:$0x1FB20]  }
0xff: {  	[tilespmem:$0x1FF20] =	vst v0;
	v0 =	vsel vm11, v5, v1;
	v1 =	vld [tilespmem:$0x90]  }
0x100: {  	[tilespmem:$0x100] =	vst v24;
	vm12 =	veq.s32 v25, $0x4;
	v5 =	vld [tilespmem:$0x1FBA0]  }
0x101: {  	[tilespmem:$0x100] =	vst v23;
	vm10 =	veq.s32 v29, $0x3;
	vm11 =	veq.s32 v27, $0x6;
	v0 =	vsel vm12, v10, v0;
	v10 =	vld [tilespmem:$0xB80]  }
0x102: {  	[tilespmem:$0x100] =	vst v25;
	v3 =	vsel vm10, v47, v3;
	vm12 =	veq.s32 v29, $0x4;
	v2 =	vsel vm11, v49, v2;
	v49 =	vld [tilespmem:$0xB90]  }
0x103: {  	[tilespmem:$0x100] =	vst v27;
	v3 =	vsel vm12, v50, v3;
	v50 =	vld [tilespmem:$0xBD0]  }
0x104: {  	[tilespmem:$0x1FEA0] =	vst v56;
	v56 =	vld [tilespmem:$0x1FA90]  }
0x105: {  	vm15 =	veq.s32 v29, $0x5;
	vm4 =	veq.s32 v29, $0x6;
	[tilespmem:$0x100] =	vst v29;
	vm12 =	veq.s32 v29, $0x7;
	v29 =	vld [tilespmem:$0xF40]  }
0x106: {  	[tilespmem:$0x1FCA0] =	vst v16;
	v16 =	vld [tilespmem:$0x90]  }
0x107: {  	[tilespmem:$0x1FE20] =	vst v54;
	v54 =	vld [tilespmem:$0x1FA80]  }
0x108: {  	[tilespmem:$0x1FE60] =	vst v41;
	v41 =	vld [tilespmem:$0xC50]  }
0x109: {  	[tilespmem:$0x1FE80] =	vst v43;
	v43 =	vld [tilespmem:$0x90]  }
0x10a: {  	[tilespmem:$0x1FED0] =	vst v52;
	v52 =	vld [tilespmem:$0xC30]  }
0x10b: {  	v24 =	vld [tilespmem:$0x1FED0]  }
0x10c: {  	[tilespmem:$0x1FEB0] =	vst v50;
	v50 =	vld [tilespmem:$0xC60]  }
0x10d: {  	[tilespmem:$0x1FC80] =	vst v16;
	v16 =	vld [tilespmem:$0x1F880]  }
0x10e: {  	[tilespmem:$0x1FE30] =	vst v10;
	v10 =	vld [tilespmem:$0x1FAE0]  }
0x10f: {  	v17 =	vld [tilespmem:$0x1FE30]  }
0x110: {  	[tilespmem:$0x1FEE0] =	vst v41;
	v41 =	vld [tilespmem:$0x1FC10]  }
0x111: {  	vm13 =	veq.s32 v25, $0x5;
	[tilespmem:$0x1FF10] =	vst v50;
	v50 =	vld [tilespmem:$0xC80]  }
0x112: {  	v0 =	vsel vm13, v16, v0;
	v16 =	vld [tilespmem:$0x1F9D0]  }
0x113: {  	vm5 =	veq.s32 v25, $0x6;
	v23 =	vld [tilespmem:$0x1FF10]  }
0x114: {  	vm13 =	veq.s32 v25, $0x7;
	v0 =	vsel vm5, v39, v0;
	v39 =	vld [tilespmem:$0x1FA10]  }
0x115: {  	vm14 =	veq.s32 v27, $0x7;
	v0 =	vsel vm13, v58, v0;
	v58 =	vld [tilespmem:$0xBF0]  }
0x116: {  	[tilespmem:$0x1FF40] =	vst v0;
	v0 =	vsel vm14, v60, v2;
	v2 =	vld [tilespmem:$0x90]  }
0x117: {  	v60 =	vld [tilespmem:$0x1FAA0]  }
0x118: {  	[tilespmem:$0x1FF50] =	vst v0;
	v0 =	vsel vm15, v61, v3;
	v61 =	vld [tilespmem:$0x1FAB0]  }
0x119: {  	vm5 =	veq.s32 v35, $0x1;
	v0 =	vsel vm4, v12, v0;
	v12 =	vld [tilespmem:$0x1FAF0]  }
0x11a: {  	v3 =	vsel vm5, v33, v16;
	v16 =	vld [tilespmem:$0x1FB00]  }
0x11b: {  	vm6 =	veq.s32 v35, $0x2;
	v0 =	vsel vm12, v53, v0;
	v53 =	vld [tilespmem:$0xC00]  }
0x11c: {  	vm8 =	veq.s32 v36, $0x1;
	v3 =	vsel vm6, v34, v3;
	v34 =	vld [tilespmem:$0x1FB10]  }
0x11d: {  	v4 =	vsel vm8, v40, v39;
	v39 =	vld [tilespmem:$0x1FB30]  }
0x11e: {  	v47 =	vimm.s32 $0xC;
	vm7 =	veq.s32 v35, $0x3;
	vm10 =	veq.s32 v35, $0x4;
	v40 =	vld [tilespmem:$0x1FB40]  }
0x11f: {  	[tilespmem:$0x100] =	vst v35;
	vm13 =	veq.s32 v35, $0x5;
	vm15 =	veq.s32 v35, $0x6;
	vm6 =	veq.s32 v35, $0x7;
	v35 =	vld [tilespmem:$0xF60]  }
0x120: {  	vm9 =	veq.s32 v36, $0x2;
	v3 =	vsel vm7, v38, v3;
	v38 =	vperm.xlane v48, v47;
	v47 =	vld [tilespmem:$0xC20]  }
0x121: {  	v4 =	vsel vm9, v42, v4;
	v42 =	vld [tilespmem:$0x1FB50]  }
0x122: {  	vm11 =	veq.s32 v36, $0x3;
	vm14 =	veq.s32 v36, $0x4;
	v48 =	vld [tilespmem:$0x1FB70]  }
0x123: {  	[tilespmem:$0x100] =	vst v36;
	vm4 =	veq.s32 v36, $0x5;
	vm7 =	veq.s32 v36, $0x6;
	vm9 =	veq.s32 v36, $0x7;
	v36 =	vld [tilespmem:$0xFE0]  }
0x124: {  	v3 =	vsel vm10, v44, v3;
	v44 =	vld [tilespmem:$0xC10]  }
0x125: {  	v4 =	vsel vm11, v45, v4;
	v45 =	vld [tilespmem:$0x1FB60]  }
0x126: {  	[tilespmem:$0x1FF70] =	vst v0;
	v0 =	vsel vm13, v54, v3;
	v3 =	vsel vm14, v56, v4;
	v54 =	vld [tilespmem:$0x1FB80]  }
0x127: {  	v3 =	vsel vm4, v61, v3;
	v61 =	vld [tilespmem:$0xC40]  }
0x128: {  	vm5 =	veq.s32 v38, $0x1;
	v0 =	vsel vm15, v60, v0;
	v60 =	vld [tilespmem:$0x1FB90]  }
0x129: {  	v4 =	vsel vm5, v8, v62;
	v62 =	vld [tilespmem:$0xC70]  }
0x12a: {  	v8 =	vld [tilespmem:$0x1FBB0]  }
0x12b: {  	v33 =	vimm.s32 $0xD;
	v0 =	vsel vm6, v10, v0;
	v10 =	vld [tilespmem:$0x90]  }
0x12c: {  	v56 =	vperm.xlane v34, v33;
	v34 =	vld [tilespmem:$0x1FBD0]  }
0x12d: {  	vm8 =	veq.s32 v38, $0x2;
	[tilespmem:$0x1FF80] =	vst v0;
	v0 =	vsel vm7, v12, v3;
	v12 =	vld [tilespmem:$0x1FBC0]  }
0x12e: {  	vm10 =	veq.s32 v38, $0x3;
	v3 =	vsel vm8, v16, v4;
	v0 =	vsel vm9, v37, v0;
	v37 =	vld [tilespmem:$0x1FBE0]  }
0x12f: {  	vm11 =	veq.s32 v38, $0x4;
	[tilespmem:$0x1FFA0] =	vst v0;
	v0 =	vsel vm10, v39, v3;
	v39 =	vld [tilespmem:$0x1FBF0]  }
0x130: {  	[tilespmem:$0x1FF00] =	vst v58;
	v58 =	vimm.s32 $0xE;
	v0 =	vsel vm11, v40, v0;
	v40 =	vld [tilespmem:$0x1FC00]  }
0x131: {  	vm12 =	veq.s32 v38, $0x5;
	vm13 =	veq.s32 v56, $0x1;
	v16 =	vperm.xlane v60, v58;
	v58 =	vld [tilespmem:$0xCB0]  }
0x132: {  	vm14 =	veq.s32 v56, $0x2;
	v60 =	vld [tilespmem:$0x1FC30];
	v3 =	vsel vm12, v42, v0;
	v0 =	vsel vm13, v48, v45  }
0x133: {  	vm4 =	veq.s32 v38, $0x6;
	vm15 =	veq.s32 v56, $0x3;
	v42 =	vld [tilespmem:$0x1FC20];
	v4 =	vsel vm14, v54, v0  }
0x134: {  	vm5 =	veq.s32 v56, $0x4;
	v4 =	vsel vm15, v5, v4;
	v5 =	vsel vm4, v8, v3;
	v8 =	vld [tilespmem:$0x1FC90]  }
0x135: {  	vm6 =	veq.s32 v16, $0x1;
	v33 =	vsel vm5, v12, v4;
	v12 =	vld [tilespmem:$0x1FC40]  }
0x136: {  	vm7 =	veq.s32 v56, $0x5;
	v4 =	vsel vm6, v37, v34;
	v37 =	vld [tilespmem:$0x1FC70]  }
0x137: {  	vm8 =	veq.s32 v16, $0x2;
	v3 =	vsel vm7, v39, v33;
	v33 =	vld [tilespmem:$0x1FC50]  }
0x138: {  	vm9 =	veq.s32 v16, $0x3;
	v34 =	vld [tilespmem:$0x1FC60];
	v4 =	vsel vm8, v40, v4  }
0x139: {  	vm10 =	veq.s32 v56, $0x6;
	vm11 =	veq.s32 v16, $0x4;
	v40 =	vld [tilespmem:$0xCE0];
	v4 =	vsel vm9, v41, v4  }
0x13a: {  	vm14 =	veq.s32 v16, $0x5;
	v54 =	vsel vm10, v42, v3;
	v42 =	vld [tilespmem:$0x1FC80];
	v4 =	vsel vm11, v60, v4  }
0x13b: {  	vm12 =	veq.s32 v38, $0x7;
	v39 =	vsel vm14, v37, v4;
	v37 =	vld [tilespmem:$0x1FCC0]  }
0x13c: {  	[tilespmem:$0x1FF30] =	vst v62;
	vm13 =	veq.s32 v56, $0x7;
	v0 =	vsel vm12, v33, v5;
	v33 =	vld [tilespmem:$0x1FCA0]  }
0x13d: {  	v62 =	vimm.s32 $0xF;
	[tilespmem:$0x1FFB0] =	vst v0;
	v0 =	vsel vm13, v34, v54;
	v54 =	vld [tilespmem:$0xCF0]  }
0x13e: {  	v41 =	vimm.s32 $0x0;
	v12 =	vperm.xlane v12, v62;
	v34 =	vld [tilespmem:$0x1FCB0]  }
0x13f: {  	v4 =	vperm.xlane v42, v41;
	v42 =	vld [tilespmem:$0x1FCE0]  }
0x140: {  	vm15 =	veq.s32 v16, $0x6;
	[tilespmem:$0x1FF60] =	vst v40;
	v40 =	vld [tilespmem:$0x1FCD0];
	vm4 =	veq.s32 v12, $0x1  }
0x141: {  	v45 =	vld [tilespmem:$0xC90];
	v8 =	vsel vm15, v8, v39;
	vm5 =	veq.s32 v12, $0x2;
	v9 =	vsel vm4, v9, v33  }
0x142: {  	v48 =	vld [tilespmem:$0xCA0];
	vm6 =	veq.s32 v12, $0x3;
	vm7 =	veq.s32 v4, $0x1;
	v9 =	vsel vm5, v11, v9  }
0x143: {  	vm9 =	veq.s32 v12, $0x4;
	v39 =	vsel vm7, v37, v13;
	v37 =	vld [tilespmem:$0x1FCF0];
	v9 =	vsel vm6, v34, v9  }
0x144: {  	vm8 =	veq.s32 v4, $0x2;
	[tilespmem:$0x1FF90] =	vst v54;
	v54 =	vsel vm9, v42, v9;
	v42 =	vld [tilespmem:$0x1FD10]  }
0x145: {  	v11 =	vsel vm8, v40, v39;
	v40 =	vld [tilespmem:$0x1FD00]  }
0x146: {  	[tilespmem:$0x100] =	vst v38;
	v25 =	vld [tilespmem:$0x1FF30];
	vm11 =	veq.s32 v16, $0x7  }
0x147: {  	[tilespmem:$0x100] =	vst v56;
	v56 =	vld [tilespmem:$0x1020];
	vm12 =	veq.s32 v12, $0x5;
	vm10 =	veq.s32 v4, $0x3;
	vm13 =	veq.s32 v4, $0x4  }
0x148: {  	v60 =	vld [tilespmem:$0xCD0];
	vm15 =	veq.s32 v4, $0x5;
	v39 =	vimm.s32 $0x1;
	v11 =	vsel vm10, v37, v11  }
0x149: {  	v13 =	vld [tilespmem:$0x1FD20];
	v9 =	vperm.xlane v6, v39;
	v6 =	vsel vm12, v42, v54;
	v54 =	vsel vm13, v32, v11  }
0x14a: {  	[tilespmem:$0x1FFC0] =	vst v0;
	v0 =	vsel vm11, v40, v8;
	v8 =	vsel vm15, v30, v54;
	v30 =	vld [tilespmem:$0x1FD30]  }
0x14b: {  	[tilespmem:$0x100] =	vst v16;
	v16 =	vld [tilespmem:$0x90]  }
0x14c: {  	v62 =	vld [tilespmem:$0xCC0]  }
0x14d: {  	v5 =	vld [tilespmem:$0x90];
	vm14 =	veq.s32 v12, $0x6  }
0x14e: {  	v41 =	vld [tilespmem:$0xD00];
	vm5 =	veq.s32 v12, $0x7;
	vm4 =	veq.s32 v9, $0x1;
	v6 =	vsel vm14, v13, v6  }
0x14f: {  	v32 =	vsel vm4, v15, v30;
	v15 =	vsel vm5, v22, v6;
	v22 =	vld [tilespmem:$0x1FD40]  }
0x150: {  	v33 =	vld [tilespmem:$0xD20]  }
0x151: {  	v34 =	vld [tilespmem:$0xD10];
	vm6 =	veq.s32 v4, $0x6  }
0x152: {  	vm8 =	veq.s32 v4, $0x7;
	v39 =	vld [tilespmem:$0xD40];
	v8 =	vsel vm6, v26, v8  }
0x153: {  	vm7 =	veq.s32 v9, $0x2;
	v30 =	vsel vm8, v28, v8;
	v28 =	vld [tilespmem:$0x1FD80]  }
0x154: {  	vm9 =	veq.s32 v9, $0x3;
	[tilespmem:$0x1FFE0] =	vst v15;
	v15 =	vld [tilespmem:$0x1FD70];
	v13 =	vsel vm7, v22, v32  }
0x155: {  	v31 =	vsel vm9, v31, v13;
	v13 =	vld [tilespmem:$0x1FD50]  }
0x156: {  	v37 =	vld [tilespmem:$0xD30];
	v26 =	vimm.s32 $0x2  }
0x157: {  	v40 =	vld [tilespmem:$0xD50];
	v6 =	vperm.xlane v14, v26  }
0x158: {  	v14 =	vld [tilespmem:$0x1FD60]  }
0x159: {  	vm10 =	veq.s32 v9, $0x4;
	v42 =	vld [tilespmem:$0xD60];
	vm12 =	veq.s32 v6, $0x1  }
0x15a: {  	v8 =	vsel vm10, v13, v31;
	v13 =	vsel vm12, v28, v15;
	v15 =	vld [tilespmem:$0x1FDB0]  }
0x15b: {  	v11 =	vld [tilespmem:$0x90]  }
0x15c: {  	v1 =	vperm.xlane v1, v21;
	vm11 =	veq.s32 v9, $0x5;
	v31 =	vld [tilespmem:$0x1FD90]  }
0x15d: {  	v54 =	vld [tilespmem:$0xD70];
	vm15 =	veq.s32 v9, $0x6;
	v8 =	vsel vm11, v14, v8  }
0x15e: {  	vm5 =	veq.s32 v1, $0x1;
	v14 =	vsel vm15, v51, v8;
	v8 =	vld [tilespmem:$0x1FDA0]  }
0x15f: {  	vm7 =	veq.s32 v1, $0x2;
	v21 =	vsel vm5, v59, v15;
	v59 =	vld [tilespmem:$0x1FDC0]  }
0x160: {  	vm13 =	veq.s32 v6, $0x2;
	v15 =	vsel vm7, v63, v21;
	v63 =	vld [tilespmem:$0x1FDD0]  }
0x161: {  	v26 =	vld [tilespmem:$0xD90];
	vm14 =	veq.s32 v6, $0x3;
	v13 =	vsel vm13, v31, v13  }
0x162: {  	[tilespmem:$0x1FFF0] =	vst v30;
	v30 =	vld [tilespmem:$0xDB0];
	vm4 =	veq.s32 v6, $0x4;
	v13 =	vsel vm14, v57, v13  }
0x163: {  	vm6 =	veq.s32 v6, $0x5;
	v32 =	vld [tilespmem:$0xD80];
	v13 =	vsel vm4, v8, v13  }
0x164: {  	vm8 =	veq.s32 v1, $0x3;
	v22 =	vld [tilespmem:$0xDA0];
	vm9 =	veq.s32 v6, $0x6;
	v13 =	vsel vm6, v59, v13  }
0x165: {  	vm11 =	veq.s32 v9, $0x7;
	v15 =	vsel vm8, v55, v15;
	v55 =	vsel vm9, v63, v13;
	v13 =	vld [tilespmem:$0x1FDE0]  }
0x166: {  	vm12 =	veq.s32 v6, $0x7;
	v46 =	vsel vm11, v46, v14;
	v14 =	vld [tilespmem:$0x1FE00]  }
0x167: {  	v55 =	vsel vm12, v7, v55;
	v7 =	vld [tilespmem:$0x1FE10]  }
0x168: {  	v28 =	vld [tilespmem:$0xDC0]  }
0x169: {  	vm10 =	veq.s32 v1, $0x4;
	v51 =	vld [tilespmem:$0xDF0]  }
0x16a: {  	v31 =	vld [tilespmem:$0xDD0];
	vm13 =	veq.s32 v1, $0x5;
	v15 =	vsel vm10, v13, v15  }
0x16b: {  	[tilespmem:$0x1FFD0] =	vst v0;
	v57 =	vld [tilespmem:$0xDE0];
	v0 =	vsel vm13, v14, v15;
	v15 =	vimm.s32 $0x5  }
0x16c: {  	v21 =	vld [tilespmem:$0xE10];
	[tilespmem:$0x1180] =	vst v7;
	v7 =	vperm.xlane v43, v15  }
0x16d: {  	v43 =	vld [tilespmem:$0x1FE20]  }
0x16e: {  	v8 =	vld [tilespmem:$0x90];
	vm6 =	veq.s32 v7, $0x1  }
0x16f: {  	v18 =	vsel vm6, v44, v53;
	v53 =	vld [tilespmem:$0x1FE70]  }
0x170: {  	v59 =	vld [tilespmem:$0xE00];
	v63 =	vimm.s32 $0x4  }
0x171: {  	vm14 =	veq.s32 v1, $0x6;
	v2 =	vperm.xlane v2, v63;
	v63 =	vld [tilespmem:$0xE30]  }
0x172: {  	v3 =	vsel vm14, v43, v0;
	v43 =	vld [tilespmem:$0x1FE40]  }
0x173: {  	[tilespmem:$0x1A80] =	vst v55;
	v55 =	vld [tilespmem:$0x1120]  }
0x174: {  	vm15 =	veq.s32 v2, $0x1;
	[tilespmem:$0x1280] =	vst v53;
	v53 =	vld [tilespmem:$0x1FE90]  }
0x175: {  	v49 =	vsel vm15, v49, v17;
	v17 =	vld [tilespmem:$0xE60]  }
0x176: {  	v13 =	vld [tilespmem:$0xE20]  }
0x177: {  	[tilespmem:$0x1200] =	vst v43;
	v43 =	vld [tilespmem:$0x1FE50]  }
0x178: {  	v14 =	vld [tilespmem:$0xE40]  }
0x179: {  	[tilespmem:$0x1300] =	vst v53;
	v53 =	vld [tilespmem:$0x1FEA0]  }
0x17a: {  	v15 =	vld [tilespmem:$0xE50];
	vm7 =	veq.s32 v7, $0x2  }
0x17b: {  	vm4 =	veq.s32 v2, $0x2;
	vm9 =	veq.s32 v7, $0x3;
	v44 =	vld [tilespmem:$0xE80];
	v18 =	vsel vm7, v47, v18  }
0x17c: {  	v18 =	vsel vm9, v52, v18;
	v52 =	vimm.s32 $0x6;
	v0 =	vsel vm4, v43, v49;
	v43 =	vld [tilespmem:$0x1FE60]  }
0x17d: {  	vm10 =	veq.s32 v1, $0x7;
	v47 =	vld [tilespmem:$0x1FE80];
	v10 =	vperm.xlane v10, v52  }
0x17e: {  	v20 =	vsel vm10, v53, v3;
	v53 =	vld [tilespmem:$0x1FEB0]  }
0x17f: {  	v52 =	vld [tilespmem:$0xEA0];
	vm15 =	veq.s32 v10, $0x1  }
0x180: {  	vm5 =	veq.s32 v2, $0x3;
	v19 =	vsel vm15, v45, v50;
	v45 =	vld [tilespmem:$0xED0]  }
0x181: {  	vm8 =	veq.s32 v2, $0x4;
	v50 =	vld [tilespmem:$0x1FF00];
	v0 =	vsel vm5, v43, v0  }
0x182: {  	vm11 =	veq.s32 v2, $0x5;
	vm12 =	veq.s32 v7, $0x4;
	v49 =	vld [tilespmem:$0xE70];
	v0 =	vsel vm8, v47, v0  }
0x183: {  	vm13 =	veq.s32 v2, $0x6;
	v3 =	vsel vm12, v61, v18;
	v61 =	vld [tilespmem:$0x1FEC0];
	v0 =	vsel vm11, v53, v0  }
0x184: {  	v0 =	vsel vm13, v24, v0;
	v24 =	vld [tilespmem:$0x1FEE0]  }
0x185: {  	v43 =	vld [tilespmem:$0x90]  }
0x186: {  	v47 =	vld [tilespmem:$0xE90]  }
0x187: {  	v53 =	vld [tilespmem:$0xEB0]  }
0x188: {  	vm14 =	veq.s32 v7, $0x5;
	[tilespmem:$0x1380] =	vst v61;
	v61 =	vld [tilespmem:$0xEC0]  }
0x189: {  	vm4 =	veq.s32 v2, $0x7;
	vm5 =	veq.s32 v7, $0x6;
	v3 =	vsel vm14, v24, v3;
	v24 =	vld [tilespmem:$0x1FEF0]  }
0x18a: {  	vm6 =	veq.s32 v10, $0x2;
	v18 =	vsel vm4, v50, v0;
	v0 =	vsel vm5, v23, v3;
	v23 =	vld [tilespmem:$0xEF0]  }
0x18b: {  	vm8 =	veq.s32 v10, $0x3;
	v50 =	vimm.s32 $0x7;
	v3 =	vsel vm6, v48, v19;
	v48 =	vld [tilespmem:$0x1FF20]  }
0x18c: {  	v5 =	vperm.xlane v5, v50;
	v50 =	vsel vm8, v58, v3;
	v3 =	vld [tilespmem:$0xF00]  }
0x18d: {  	vm7 =	veq.s32 v7, $0x7;
	v58 =	vld [tilespmem:$0x1FF40]  }
0x18e: {  	vm9 =	veq.s32 v10, $0x4;
	v19 =	vsel vm7, v25, v0;
	v25 =	vld [tilespmem:$0xF10]  }
0x18f: {  	v0 =	vsel vm9, v62, v50;
	v62 =	vld [tilespmem:$0x1FF50]  }
0x190: {  	vm10 =	veq.s32 v10, $0x5;
	vm11 =	veq.s32 v5, $0x1;
	v50 =	vld [tilespmem:$0x1FF70]  }
0x191: {  	v0 =	vsel vm10, v60, v0;
	v60 =	vsel vm11, v34, v41;
	v34 =	vld [tilespmem:$0xF20]  }
0x192: {  	v41 =	vld [tilespmem:$0x1FF60]  }
0x193: {  	vm12 =	veq.s32 v5, $0x2;
	[tilespmem:$0x1400] =	vst v24;
	v24 =	vld [tilespmem:$0xEE0]  }
0x194: {  	v27 =	vsel vm12, v33, v60;
	v33 =	vld [tilespmem:$0xF30]  }
0x195: {  	vm13 =	veq.s32 v10, $0x6;
	vm15 =	veq.s32 v5, $0x4;
	vm14 =	veq.s32 v5, $0x3;
	v60 =	vld [tilespmem:$0x1FF80]  }
0x196: {  	vm4 =	veq.s32 v5, $0x5;
	vm5 =	veq.s32 v10, $0x7;
	[tilespmem:$0x1480] =	vst v48;
	v48 =	vld [tilespmem:$0x90];
	v27 =	vsel vm14, v37, v27  }
0x197: {  	vm6 =	veq.s32 v5, $0x6;
	v37 =	vld [tilespmem:$0xF50];
	[tilespmem:$0x1500] =	vst v58;
	v27 =	vsel vm15, v39, v27;
	v58 =	vimm.s32 $0x8  }
0x198: {  	vm8 =	veq.s32 v5, $0x7;
	v39 =	vld [tilespmem:$0xF70];
	[tilespmem:$0x1580] =	vst v62;
	v11 =	vperm.xlane v11, v58;
	v27 =	vsel vm4, v40, v27  }
0x199: {  	[tilespmem:$0x1600] =	vst v50;
	v62 =	vld [tilespmem:$0x1FF90];
	v50 =	vimm.s32 $0x9;
	v0 =	vsel vm13, v41, v0;
	v27 =	vsel vm6, v42, v27  }
0x19a: {  	v58 =	vld [tilespmem:$0x1FFB0];
	v8 =	vperm.xlane v8, v50;
	v41 =	vimm.s32 $0xA;
	vm7 =	veq.s32 v11, $0x1  }
0x19b: {  	v40 =	vld [tilespmem:$0x1FFD0];
	vm9 =	veq.s32 v11, $0x2;
	vm10 =	veq.s32 v11, $0x3;
	v27 =	vsel vm8, v54, v27  }
0x19c: {  	v42 =	vld [tilespmem:$0x1FFA0];
	vm11 =	veq.s32 v11, $0x4;
	vm12 =	veq.s32 v11, $0x5;
	vm15 =	veq.s32 v11, $0x6  }
0x19d: {  	v50 =	vld [tilespmem:$0x1FFF0];
	v26 =	vsel vm7, v26, v32;
	vm13 =	veq.s32 v8, $0x1;
	vm14 =	veq.s32 v8, $0x2  }
0x19e: {  	[tilespmem:$0x1680] =	vst v60;
	v60 =	vld [tilespmem:$0x1FFC0];
	vm4 =	veq.s32 v8, $0x3;
	vm6 =	veq.s32 v8, $0x5;
	vm7 =	veq.s32 v11, $0x7  }
0x19f: {  	v32 =	vld [tilespmem:$0x90];
	vm8 =	veq.s32 v8, $0x6;
	v22 =	vsel vm9, v22, v26;
	v21 =	vsel vm13, v21, v59  }
0x1a0: {  	v26 =	vld [tilespmem:$0xF80];
	v0 =	vsel vm5, v62, v0;
	v22 =	vsel vm10, v30, v22;
	v13 =	vsel vm14, v13, v21  }
0x1a1: {  	[tilespmem:$0x100] =	vst v12;
	v59 =	vld [tilespmem:$0x1050];
	vm5 =	veq.s32 v8, $0x4;
	v22 =	vsel vm11, v28, v22;
	v13 =	vsel vm4, v63, v13  }
0x1a2: {  	v30 =	vld [tilespmem:$0xF90];
	[tilespmem:$0x1780] =	vst v58;
	vm10 =	veq.s32 v8, $0x7;
	v22 =	vsel vm12, v31, v22;
	v13 =	vsel vm5, v14, v13  }
0x1a3: {  	v21 =	vld [tilespmem:$0xFC0];
	[tilespmem:$0x1700] =	vst v42;
	v14 =	vperm.xlane v43, v41;
	v62 =	vsel vm15, v57, v22;
	v42 =	vsel vm6, v15, v13  }
0x1a4: {  	v58 =	vld [tilespmem:$0x1040];
	[tilespmem:$0x1980] =	vst v50;
	v50 =	vimm.s32 $0xE;
	v15 =	vsel vm7, v51, v62;
	v12 =	vsel vm8, v17, v42  }
0x1a5: {  	[tilespmem:$0x100] =	vst v4;
	v28 =	vld [tilespmem:$0xFA0];
	vm9 =	veq.s32 v14, $0x1;
	vm11 =	veq.s32 v14, $0x2;
	vm12 =	veq.s32 v14, $0x3  }
0x1a6: {  	[tilespmem:$0x100] =	vst v9;
	v63 =	vld [tilespmem:$0x1070];
	v51 =	vimm.s32 $0xB;
	vm13 =	veq.s32 v14, $0x4;
	vm14 =	veq.s32 v14, $0x5  }
0x1a7: {  	[tilespmem:$0x100] =	vst v6;
	v31 =	vld [tilespmem:$0xFB0];
	vm5 =	veq.s32 v14, $0x6;
	v62 =	vimm.s32 $0xC;
	v44 =	vsel vm9, v47, v44  }
0x1a8: {  	[tilespmem:$0x100] =	vst v1;
	v43 =	vld [tilespmem:$0x1FFE0];
	v38 =	vperm.xlane v48, v51;
	v54 =	vsel vm10, v49, v12;
	v4 =	vsel vm11, v52, v44  }
0x1a9: {  	[tilespmem:$0x1B00] =	vst v20;
	v22 =	vld [tilespmem:$0xFD0];
	v20 =	vperm.xlane v32, v62;
	vm9 =	veq.s32 v14, $0x7;
	v4 =	vsel vm12, v53, v4  }
0x1aa: {  	[tilespmem:$0x1A00] =	vst v46;
	v13 =	vld [tilespmem:$0xFF0];
	vm15 =	veq.s32 v38, $0x1;
	vm4 =	veq.s32 v38, $0x2;
	vm6 =	veq.s32 v38, $0x3  }
0x1ab: {  	[tilespmem:$0x100] =	vst v2;
	v57 =	vld [tilespmem:$0x1030];
	vm7 =	veq.s32 v38, $0x4;
	vm8 =	veq.s32 v38, $0x5;
	vm10 =	veq.s32 v38, $0x6  }
0x1ac: {  	[tilespmem:$0x100] =	vst v7;
	v42 =	vld [tilespmem:$0x10A0];
	vm11 =	veq.s32 v20, $0x1;
	vm12 =	veq.s32 v38, $0x7;
	v4 =	vsel vm13, v61, v4  }
0x1ad: {  	[tilespmem:$0x100] =	vst v10;
	v47 =	vld [tilespmem:$0x1000];
	v3 =	vsel vm15, v25, v3;
	vm13 =	veq.s32 v20, $0x2;
	vm15 =	veq.s32 v20, $0x4  }
0x1ae: {  	[tilespmem:$0x1B80] =	vst v18;
	v32 =	vld [tilespmem:$0x90];
	v4 =	vsel vm14, v45, v4;
	v3 =	vsel vm4, v34, v3;
	v34 =	vsel vm11, v30, v26  }
0x1af: {  	[tilespmem:$0x100] =	vst v5;
	v48 =	vld [tilespmem:$0x10E0];
	vm14 =	veq.s32 v20, $0x3;
	vm4 =	veq.s32 v20, $0x5;
	vm11 =	veq.s32 v20, $0x7  }
0x1b0: {  	[tilespmem:$0x1800] =	vst v60;
	v49 =	vld [tilespmem:$0x90];
	v60 =	vsel vm5, v24, v4;
	v3 =	vsel vm6, v33, v3;
	v7 =	vsel vm13, v28, v34  }
0x1b1: {  	[tilespmem:$0x1C00] =	vst v19;
	v51 =	vld [tilespmem:$0x10F0];
	v3 =	vsel vm7, v29, v3;
	v1 =	vsel vm9, v23, v60;
	v7 =	vsel vm14, v31, v7  }
0x1b2: {  	[tilespmem:$0x100] =	vst v11;
	v52 =	vld [tilespmem:$0x1010];
	vm7 =	veq.s32 v20, $0x6;
	v29 =	vsel vm8, v37, v3;
	v37 =	vimm.s32 $0xD  }
0x1b3: {  	[tilespmem:$0x1900] =	vst v43;
	v43 =	vld [tilespmem:$0x10B0];
	v44 =	vsel vm15, v21, v7;
	v3 =	vperm.xlane v32, v50;
	v2 =	vsel vm10, v35, v29  }
0x1b4: {  	[tilespmem:$0x1C80] =	vst v0;
	v53 =	vld [tilespmem:$0x1110];
	v16 =	vperm.xlane v16, v37;
	v0 =	vsel vm4, v22, v44;
	v2 =	vsel vm12, v39, v2  }
0x1b5: {  	[tilespmem:$0x1D00] =	vst v27;
	v33 =	vld [tilespmem:$0x1080];
	v0 =	vsel vm7, v36, v0;
	vm13 =	veq.s32 v3, $0x1;
	vm15 =	veq.s32 v3, $0x2  }
0x1b6: {  	[tilespmem:$0x100] =	vst v8;
	v35 =	vld [tilespmem:$0x1090];
	vm4 =	veq.s32 v3, $0x3;
	vm5 =	veq.s32 v16, $0x1;
	vm6 =	veq.s32 v16, $0x2  }
0x1b7: {  	[tilespmem:$0x1880] =	vst v40;
	v61 =	vld [tilespmem:$0x1060];
	vm8 =	veq.s32 v16, $0x3;
	vm9 =	veq.s32 v16, $0x4;
	vm10 =	veq.s32 v16, $0x5  }
0x1b8: {  	[tilespmem:$0x100] =	vst v14;
	v45 =	vld [tilespmem:$0x10C0];
	vm12 =	veq.s32 v16, $0x6;
	v0 =	vsel vm11, v13, v0;
	v46 =	vsel vm5, v52, v47  }
0x1b9: {  	[tilespmem:$0x1D80] =	vst v15;
	vm14 =	veq.s32 v16, $0x7;
	v52 =	vld [tilespmem:$0x1100];
	vm5 =	veq.s32 v3, $0x4;
	v5 =	vsel vm6, v56, v46  }
0x1ba: {  	[tilespmem:$0x1E00] =	vst v54;
	v47 =	vld [tilespmem:$0x10D0];
	vm6 =	veq.s32 v3, $0x5;
	v5 =	vsel vm8, v57, v5;
	v57 =	vimm.s32 $0xF  }
0x1bb: {  	[tilespmem:$0x100] =	vst v38;
	v54 =	vsel vm13, v35, v33;
	v5 =	vsel vm9, v58, v5;
	v9 =	vperm.xlane v49, v57;
	v58 =	vld [tilespmem:$0x1130]  }
0x1bc: {  	[tilespmem:$0x100] =	vst v20;
	v56 =	vsel vm15, v42, v54;
	vm9 =	veq.s32 v3, $0x6;
	v5 =	vsel vm10, v59, v5;
	v59 =	vld [tilespmem:$0x1140]  }
0x1bd: {  	v60 =	vld [tilespmem:$0x1150];
	[tilespmem:$0x1E80] =	vst v1;
	v1 =	vsel vm4, v43, v56;
	v4 =	vsel vm12, v61, v5;
	vm7 =	veq.s32 v9, $0x1  }
0x1be: {  	[tilespmem:$0x1F00] =	vst v2;
	v1 =	vsel vm5, v45, v1;
	vm8 =	veq.s32 v9, $0x2;
	v61 =	vld [tilespmem:$0x1160];
	v5 =	vsel vm7, v53, v52  }
0x1bf: {  	[tilespmem:$0x100] =	vst v16;
	vm10 =	veq.s32 v9, $0x3;
	v4 =	vsel vm14, v63, v4;
	v63 =	vld [tilespmem:$0x1170];
	v62 =	vsel vm8, v55, v5  }
0x1c0: {  	[tilespmem:$0x1F80] =	vst v0;
	vm11 =	veq.s32 v9, $0x4;
	vm12 =	veq.s32 v3, $0x7;
	v0 =	vsel vm10, v58, v62  }
0x1c1: {  	[tilespmem:$0x100] =	vst v3;
	vm13 =	veq.s32 v9, $0x5;
	v1 =	vsel vm6, v47, v1;
	v0 =	vsel vm11, v59, v0  }
0x1c2: {  	[tilespmem:$0x100] =	vst v9;
	vm14 =	veq.s32 v9, $0x6;
	v1 =	vsel vm9, v48, v1;
	v0 =	vsel vm13, v60, v0  }
0x1c3: {  	vm15 =	veq.s32 v9, $0x7;
	[tilespmem:$0x2000] =	vst v4;
	v1 =	vsel vm12, v51, v1;
	v0 =	vsel vm14, v61, v0  }
0x1c4: {  	p0 =	sne.s32 s6, $0x1;
	[tilespmem:$0x2080] =	vst v1;
	v0 =	vsel vm15, v63, v0  }
.Ltmp0:
0x1c5: {  	[tilespmem:$0x2100] =	vst v0;
	(pc) =	sbr.rel @p0 .LBB2_1-.Ltmp0, $4  }
0x1c6: {  	[hbm4b:s5+s2] =	stream.linear.scatter [tilespmem:s12], [sflag:$0x2], $0x1000, $0x38;
	[tilespmem:$0x2180] =	vst v63  }
0x1c7: {  	_ =	swait.ge [sflag:s7], $0x1000  }
0x1c8: {  	[sflag:s7] =	ssyncset.done $0x0  }
0x1c9: {  	s6 =	sadd.s32 $0xFFFFFFFF, s6;
	[sflag:s7] =	ssyncadd.s32 $0xFFFFF000  }
0x1ca: {  	_ =	sfence.sel $0x180000  }
0x1cb: {  	[bflag:$0x0] =	sbarrier.arrive $0xFFFF  }
0x1cc: {  	p0 =	sne.s32 s1, $0x0;
	_ =	strace $0x90000047  }
0x1cd: {  	s0 =	sadd.s32 @!p0 $0x100000, s0;
	[bflag:$0x2] =	sbarrier.arrive $0xFFFF  }
0x1ce: {  	[sflag:s0] =	ssyncadd.tile.s32 @!p0 $0x1;
	_ =	shalt  }
.Lfunc_end2:
_tile_overlayer_lowered:
.L_overlay_start_2:
0x1cf: {  	(tag) =	ssettag $0x2  }
0x1d0: {  	s0 =	rddreg [dreg:$0x0];
	s2 =	stileid.u32  }
0x1d1: {  	s1 =	rddreg [dreg:$0x1];
	p0 =	sne.s32 s2, $0x0  }
0x1d2: {  	s3 =	rddreg [dreg:$0x2];
	[bflag:$0x3] =	sbarrier.arrive $0xFFFF;
	s2 =	simm.s32 @!p0 $0x1C02  }
0x1d3: {  	[timem:s3], [sflag:s2] =	dma.local @!p0 [hbm:s0], s1  }
0x1d4: {  	s0 =	simm.s32 @!p0 $0x2  }
0x1d5: {  	_ =	swait.ge @!p0 [sflag:s0], s1  }
0x1d6: {  	s1 =	ssub.s32 @!p0 $0x0, s1;
	[sflag:s0] =	ssyncset.done @!p0 $0x0  }
0x1d7: {  	[sflag:s0] =	ssyncadd.s32 @!p0 s1  }
0x1d8: {  	[bflag:$0x3] =	sbarrier.arrive $0xFFFF  }
0x1d9: {  	_ =	shalt  }

</sc_bundles>
